<compile_context>
chip_gen: v7x
topology: tpu7x:2x2x1
jax: 0.10.2.dev20260603
libtpu: 0.0.44.dev20260713+nightly
codegen_flags: <defaults>
</compile_context>

<pallas_src>
import functools

import jax
import jax.numpy as jnp
from jax import lax
from jax.experimental import pallas as pl
from jax.experimental.pallas import tpu as pltpu
from jax.experimental.pallas import tpu_sc as plsc

NC = 2
NS = 16
LANES = 16


def _xw_tc(x, W):
  N, D = x.shape
  H = W.shape[1]
  HC = H // 2
  BM = 1000

  def body(x_ref, w_ref, o_ref):
    t = jnp.dot(x_ref[...], w_ref[...], preferred_element_type=jnp.float32)
    o_ref[0] = t[:, :HC]
    o_ref[1] = t[:, HC:]

  return pl.pallas_call(
      body,
      grid=(N // BM,),
      in_specs=[
          pl.BlockSpec((BM, D), lambda m: (m, 0)),
          pl.BlockSpec((D, H), lambda m: (0, 0)),
      ],
      out_specs=pl.BlockSpec((2, BM, HC), lambda m: (0, m, 0)),
      out_shape=jax.ShapeDtypeStruct((2, N, HC), jnp.float32),
  )(x, W)


def _mlp_tc(zout, W1a, W1b, b1r, w2r, b2r):
  _, Qp, HC = zout.shape
  H = W1a.shape[1]
  BQ = 2048

  def body(z0_ref, z1_ref, w1a_ref, w1b_ref, b1_ref, w2_ref, b2_ref, o_ref):
    t = jnp.dot(z0_ref[0], w1a_ref[...], preferred_element_type=jnp.float32)
    t = t + jnp.dot(z1_ref[0], w1b_ref[...],
                    preferred_element_type=jnp.float32)
    t = jnp.maximum(t + b1_ref[...], 0.0)
    s = jnp.sum(t * w2_ref[...], axis=1) + b2_ref[0, 0]
    o_ref[...] = jax.nn.sigmoid(s)

  zout = zout.astype(jnp.bfloat16)
  W1a = W1a.astype(jnp.bfloat16)
  W1b = W1b.astype(jnp.bfloat16)
  return pl.pallas_call(
      body,
      grid=(Qp // BQ,),
      in_specs=[
          pl.BlockSpec((1, BQ, HC), lambda i: (0, i, 0)),
          pl.BlockSpec((1, BQ, HC), lambda i: (1, i, 0)),
          pl.BlockSpec((HC, H), lambda i: (0, 0)),
          pl.BlockSpec((HC, H), lambda i: (0, 0)),
          pl.BlockSpec((1, H), lambda i: (0, 0)),
          pl.BlockSpec((1, H), lambda i: (0, 0)),
          pl.BlockSpec((1, 1), lambda i: (0, 0)),
      ],
      out_specs=pl.BlockSpec((BQ,), lambda i: (i,)),
      out_shape=jax.ShapeDtypeStruct((Qp,), jnp.float32),
  )(zout, zout, W1a, W1b, b1r, w2r, b2r)


def _sc_mega(xw2, srcb, dstb, e0b, e1b, b2v, N, HC, TB, TQ, Q_pad, AGG_R):
  mesh = plsc.VectorSubcoreMesh(core_axis_name="c", subcore_axis_name="s")
  rows_per_tile = AGG_R // NS
  TB2 = TB // 2

  @functools.partial(
      pl.kernel,
      out_type=jax.ShapeDtypeStruct((2, Q_pad, HC), jnp.float32),
      mesh=mesh,
      compiler_params=pltpu.CompilerParams(use_tc_tiling_on_sc=False),
      scratch_types=[
          pltpu.VMEM((TB2, 128), jnp.int32),
          pltpu.VMEM((TB2, 128), jnp.int32),
          pltpu.VMEM((4, 128, HC), jnp.float32),
          pltpu.VMEM((TQ, 128), jnp.int32),
          pltpu.VMEM((TQ, 128), jnp.int32),
          pltpu.VMEM((2, 128, HC), jnp.float32),
          pltpu.VMEM((HC,), jnp.float32),
          pltpu.VMEM_SHARED((AGG_R, HC), jnp.float32),
          [pltpu.SemaphoreType.DMA] * 4,
          [pltpu.SemaphoreType.DMA] * 2,
      ],
  )
  def k(xw2_h, srcb_h, dstb_h, e0b_h, e1b_h, b2v_h, zout_h,
        sidx, didx, rows, e0i, e1i, zb, bv, agg, gsem, wsem):
    cid = lax.axis_index("c")
    tid = lax.axis_index("s")
    xw_c = xw2_h.at[cid]

    def zrow(r, carry):
      for k4 in range(HC // LANES):
        rows[0, r, pl.ds(k4 * LANES, LANES)] = jnp.zeros((LANES,),
                                                         jnp.float32)
      return carry

    lax.fori_loop(0, 128, zrow, 0)
    for kk in range(rows_per_tile // 128):
      pltpu.sync_copy(rows.at[0],
                      agg.at[pl.ds(tid * rows_per_tile + kk * 128, 128)])
    plsc.subcore_barrier()

    for h in range(2):
      pltpu.sync_copy(srcb_h.at[tid, h], sidx)
      pltpu.sync_copy(dstb_h.at[tid, h], didx)
      for b in range(4):
        pltpu.async_copy(xw_c.at[sidx.at[b]], rows.at[b], gsem[b])

      def edge_quad(p, carry):
        for b in range(4):
          j = 4 * p + b
          pltpu.make_async_copy(xw_c.at[sidx.at[0]], rows.at[b],
                                gsem[b]).wait()
          pltpu.sync_copy(rows.at[b], agg.at[didx.at[j]], add=True)

          @pl.when(j + 4 < TB2)
          def _():
            pltpu.async_copy(xw_c.at[sidx.at[j + 4]], rows.at[b], gsem[b])

        return carry

      lax.fori_loop(0, TB2 // 4, edge_quad, 0)
    plsc.subcore_barrier()

    pltpu.sync_copy(b2v_h.at[cid], bv)
    pltpu.sync_copy(e0b_h.at[tid], e0i)
    pltpu.sync_copy(e1b_h.at[tid], e1i)
    bks = [bv[pl.ds(k4 * LANES, LANES)] for k4 in range(HC // LANES)]

    pltpu.async_copy(agg.at[e0i.at[0]], rows.at[0], gsem[0])
    pltpu.async_copy(agg.at[e1i.at[0]], rows.at[1], gsem[1])

    def query_pair(p, carry):
      for par in range(2):
        j = 2 * p + par
        r0, r1 = 2 * par, 2 * par + 1
        o0, o1 = 2 - 2 * par, 3 - 2 * par
        pltpu.make_async_copy(agg.at[e0i.at[0]], rows.at[r0], gsem[r0]).wait()
        pltpu.make_async_copy(agg.at[e1i.at[0]], rows.at[r1], gsem[r1]).wait()

        @pl.when(j + 1 < TQ)
        def _():
          pltpu.async_copy(agg.at[e0i.at[j + 1]], rows.at[o0], gsem[o0])
          pltpu.async_copy(agg.at[e1i.at[j + 1]], rows.at[o1], gsem[o1])

        @pl.when(j >= 2)
        def _():
          pltpu.make_async_copy(zb.at[par], zout_h.at[cid, pl.ds(0, 128)],
                                wsem[par]).wait()

        def prod(p2, c2):
          for u in range(2):
            r = 2 * p2 + u
            for k4 in range(HC // LANES):
              sl = pl.ds(k4 * LANES, LANES)
              a0 = jnp.maximum(rows[r0, r, sl] + bks[k4], 0.0)
              a1 = jnp.maximum(rows[r1, r, sl] + bks[k4], 0.0)
              zb[par, r, sl] = a0 * a1
          return c2

        lax.fori_loop(0, 64, prod, 0)
        pltpu.async_copy(zb.at[par],
                         zout_h.at[cid, pl.ds((tid * TQ + j) * 128, 128)],
                         wsem[par])
      return carry

    lax.fori_loop(0, TQ // 2, query_pair, 0)
    for par in range(2):
      pltpu.make_async_copy(zb.at[par], zout_h.at[cid, pl.ds(0, 128)],
                            wsem[par]).wait()

  return k(xw2, srcb, dstb, e0b, e1b, b2v)


def kernel(x, edges, adj, W, b, W1, b1, W2, b2):
  N, D = x.shape
  H = W.shape[1]
  HC = H // 2
  E = adj.shape[1]
  Q = edges.shape[1]

  TB = 8 * -(-E // (NS * 128 * 8))
  E_pad = NS * TB * 128
  TQ = 2 * -(-Q // (NS * 128 * 2))
  Q_pad = NS * TQ * 128
  AGG_R = NS * (-(-(N + 1) // (NS * 128)) * 128)

  src = adj[0].astype(jnp.int32)
  dst = adj[1].astype(jnp.int32)
  e0 = edges[0].astype(jnp.int32)
  e1 = edges[1].astype(jnp.int32)

  src_p = jnp.concatenate([src, jnp.zeros((E_pad - E,), jnp.int32)])
  dst_p = jnp.concatenate([dst, jnp.full((E_pad - E,), N, jnp.int32)])
  srcb = src_p.reshape(NS, 2, TB // 2, 128)
  dstb = dst_p.reshape(NS, 2, TB // 2, 128)
  e0b = jnp.concatenate([e0, jnp.zeros((Q_pad - Q,), jnp.int32)])
  e0b = e0b.reshape(NS, TQ, 128)
  e1b = jnp.concatenate([e1, jnp.zeros((Q_pad - Q,), jnp.int32)])
  e1b = e1b.reshape(NS, TQ, 128)

  xw2 = _xw_tc(x, W)
  zout = _sc_mega(xw2, srcb, dstb, e0b, e1b, b.reshape(2, HC),
                  N, HC, TB, TQ, Q_pad, AGG_R)
  out = _mlp_tc(zout, W1[:HC], W1[HC:],
                b1.reshape(1, H), W2.reshape(1, H), b2.reshape(1, 1))
  return out[:Q]

# --- scband reference (transcript-rebuilt; emitter-appended) ---
"""Pipeline reference for scband-link-gnn-14843406975378 (READ-ONLY COPY).

The authoritative reference and input builder live on the scoring server;
editing this copy changes nothing except your own understanding.
"""

import jax, jax.numpy as jnp
import numpy as np

N = 10000
E = 320000
Q = 100000
D = 128
H = 128

def setup_inputs(seed: int = 0) -> dict:
    key = jax.random.key(seed)
    ks = jax.random.split(key, 8)
    x = jax.random.normal(ks[0], (N, D), dtype=jnp.float32)
    adj = jax.random.randint(ks[1], (2, E), 0, N, dtype=jnp.int64)
    edges = jax.random.randint(ks[2], (2, Q), 0, N, dtype=jnp.int64)
    # GNN (GraphConv-style) parameters
    W = jax.random.normal(ks[3], (D, H), dtype=jnp.float32) * (1.0 / np.sqrt(D))
    b = jnp.zeros((H,), dtype=jnp.float32)
    # LinkPredictor MLP parameters
    W1 = jax.random.normal(ks[4], (H, H), dtype=jnp.float32) * (1.0 / np.sqrt(H))
    b1 = jnp.zeros((H,), dtype=jnp.float32)
    W2 = jax.random.normal(ks[5], (H, 1), dtype=jnp.float32) * (1.0 / np.sqrt(H))
    b2 = jnp.zeros((1,), dtype=jnp.float32)
    return {"x": x, "edges": edges, "adj": adj, "W": W, "b": b, "W1": W1, "b1": b1, "W2": W2, "b2": b2}

def reference(x, edges, adj, W, b, W1, b1, W2, b2):
    # emb is None -> x used directly
    # gnn: one message-passing layer: h = relu(segment_sum((x @ W)[src] -> dst) + b)
    xw = x @ W
    src = adj[0]
    dst = adj[1]
    msgs = jnp.take(xw, src, axis=0)
    agg = jax.ops.segment_sum(msgs, dst, num_segments=N)
    h = jax.nn.relu(agg + b)
    # linkpred: MLP on elementwise product of endpoint embeddings
    hi = jnp.take(h, edges[0], axis=0)
    hj = jnp.take(h, edges[1], axis=0)
    z = hi * hj
    z = jax.nn.relu(z @ W1 + b1)
    out = jax.nn.sigmoid(z @ W2 + b2)
    return out.squeeze(-1)

if __name__ == "__main__":
    import jax
    _d = setup_inputs()
    print(jax.jit(kernel)(*tuple(_d.values())))

</pallas_src>

<mosaic_0001>
#map = affine_map<(d0, d1) -> (0, 0, 0)>
#map1 = affine_map<(d0, d1) -> (0, 0, 0, 0)>
#map2 = affine_map<(d0, d1) -> (0, 0)>
module attributes {stable_mosaic.version = 14 : i64} {
  func.func @k(%arg0: i32, %arg1: i32, %arg2: memref<2x10000x64xf32, #tpu.memory_space<hbm>>, %arg3: memref<16x2x80x128xi32, #tpu.memory_space<hbm>>, %arg4: memref<16x2x80x128xi32, #tpu.memory_space<hbm>>, %arg5: memref<16x50x128xi32, #tpu.memory_space<hbm>>, %arg6: memref<16x50x128xi32, #tpu.memory_space<hbm>>, %arg7: memref<2x64xf32, #tpu.memory_space<hbm>>, %arg8: memref<2x102400x64xf32, #tpu.memory_space<hbm>>, %arg9: memref<80x128xi32, #tpu.memory_space<vmem>>, %arg10: memref<80x128xi32, #tpu.memory_space<vmem>>, %arg11: memref<4x128x64xf32, #tpu.memory_space<vmem>>, %arg12: memref<50x128xi32, #tpu.memory_space<vmem>>, %arg13: memref<50x128xi32, #tpu.memory_space<vmem>>, %arg14: memref<2x128x64xf32, #tpu.memory_space<vmem>>, %arg15: memref<64xf32, #tpu.memory_space<vmem>>, %arg16: memref<10240x64xf32, #tpu.memory_space<vmem_shared>>, %arg17: memref<!tpu.dma_semaphore, #tpu.memory_space<semaphore_mem>>, %arg18: memref<!tpu.dma_semaphore, #tpu.memory_space<semaphore_mem>>, %arg19: memref<!tpu.dma_semaphore, #tpu.memory_space<semaphore_mem>>, %arg20: memref<!tpu.dma_semaphore, #tpu.memory_space<semaphore_mem>>, %arg21: memref<!tpu.dma_semaphore, #tpu.memory_space<semaphore_mem>>, %arg22: memref<!tpu.dma_semaphore, #tpu.memory_space<semaphore_mem>>) attributes {dimension_semantics = [#tpu.dimension_semantics<core_parallel>, #tpu.dimension_semantics<subcore_parallel>], iteration_bounds = array<i64: 2, 16>, scalar_prefetch = 0 : i64, scratch_operands = 14 : i64, tpu.core_type = #tpu.core_type<sc_vector_subcore>, window_params = [{transform_indices = #map}, {transform_indices = #map1}, {transform_indices = #map1}, {transform_indices = #map}, {transform_indices = #map}, {transform_indices = #map2}, {transform_indices = #map}]} {
    %scan3A = arith.constant 0 : i32
    %scan3A_0 = arith.constant 0 : i32
    %scan3A_1 = arith.constant 128 : i32
    %scan3A_2 = arith.addi %scan3A_0, %scan3A_1 : i32
    %scan3A_3 = arith.constant 1 : i32
    scf.for %scan3A_245 = %scan3A_0 to %scan3A_2 step %scan3A_3  : i32 {
      %broadcast_in_dim3A = arith.constant 0.000000e+00 : f32
      %broadcast_in_dim3A_246 = vector.broadcast %broadcast_in_dim3A : f32 to vector<16xf32>
      %swap3A = arith.constant 0 : i32
      %swap3A_247 = arith.index_cast %swap3A : i32 to index
      %swap3A_248 = arith.index_cast %scan3A_245 : i32 to index
      %swap3A_249 = arith.constant 0 : index
      %swap3A_250 = tpu.vector_load %arg11[%swap3A_247, %swap3A_248, %swap3A_249] {strides = array<i32>} : memref<4x128x64xf32, #tpu.memory_space<vmem>>, vector<1x1x16xf32>,
      %swap3A_251 = vector.shape_cast %swap3A_250 : vector<1x1x16xf32> to vector<16xf32>
      %swap3A_252 = vector.shape_cast %broadcast_in_dim3A_246 : vector<16xf32> to vector<1x1x16xf32>
      tpu.vector_store %arg11[%swap3A_247, %swap3A_248, %swap3A_249], %swap3A_252 {strides = array<i32>} : memref<4x128x64xf32, #tpu.memory_space<vmem>>, vector<1x1x16xf32>,
      %broadcast_in_dim3A_253 = arith.constant 0.000000e+00 : f32
      %broadcast_in_dim3A_254 = vector.broadcast %broadcast_in_dim3A_253 : f32 to vector<16xf32>
      %swap3A_255 = arith.constant 0 : i32
      %swap3A_256 = arith.index_cast %swap3A_255 : i32 to index
      %swap3A_257 = arith.index_cast %scan3A_245 : i32 to index
      %swap3A_258 = arith.constant 16 : index
      %swap3A_259 = tpu.vector_load %arg11[%swap3A_256, %swap3A_257, %swap3A_258] {strides = array<i32>} : memref<4x128x64xf32, #tpu.memory_space<vmem>>, vector<1x1x16xf32>,
      %swap3A_260 = vector.shape_cast %swap3A_259 : vector<1x1x16xf32> to vector<16xf32>
      %swap3A_261 = vector.shape_cast %broadcast_in_dim3A_254 : vector<16xf32> to vector<1x1x16xf32>
      tpu.vector_store %arg11[%swap3A_256, %swap3A_257, %swap3A_258], %swap3A_261 {strides = array<i32>} : memref<4x128x64xf32, #tpu.memory_space<vmem>>, vector<1x1x16xf32>,
      %broadcast_in_dim3A_262 = arith.constant 0.000000e+00 : f32
      %broadcast_in_dim3A_263 = vector.broadcast %broadcast_in_dim3A_262 : f32 to vector<16xf32>
      %swap3A_264 = arith.constant 0 : i32
      %swap3A_265 = arith.index_cast %swap3A_264 : i32 to index
      %swap3A_266 = arith.index_cast %scan3A_245 : i32 to index
      %swap3A_267 = arith.constant 32 : index
      %swap3A_268 = tpu.vector_load %arg11[%swap3A_265, %swap3A_266, %swap3A_267] {strides = array<i32>} : memref<4x128x64xf32, #tpu.memory_space<vmem>>, vector<1x1x16xf32>,
      %swap3A_269 = vector.shape_cast %swap3A_268 : vector<1x1x16xf32> to vector<16xf32>
      %swap3A_270 = vector.shape_cast %broadcast_in_dim3A_263 : vector<16xf32> to vector<1x1x16xf32>
      tpu.vector_store %arg11[%swap3A_265, %swap3A_266, %swap3A_267], %swap3A_270 {strides = array<i32>} : memref<4x128x64xf32, #tpu.memory_space<vmem>>, vector<1x1x16xf32>,
      %broadcast_in_dim3A_271 = arith.constant 0.000000e+00 : f32
      %broadcast_in_dim3A_272 = vector.broadcast %broadcast_in_dim3A_271 : f32 to vector<16xf32>
      %swap3A_273 = arith.constant 0 : i32
      %swap3A_274 = arith.index_cast %swap3A_273 : i32 to index
      %swap3A_275 = arith.index_cast %scan3A_245 : i32 to index
      %swap3A_276 = arith.constant 48 : index
      %swap3A_277 = tpu.vector_load %arg11[%swap3A_274, %swap3A_275, %swap3A_276] {strides = array<i32>} : memref<4x128x64xf32, #tpu.memory_space<vmem>>, vector<1x1x16xf32>,
      %swap3A_278 = vector.shape_cast %swap3A_277 : vector<1x1x16xf32> to vector<16xf32>
      %swap3A_279 = vector.shape_cast %broadcast_in_dim3A_272 : vector<16xf32> to vector<1x1x16xf32>
      tpu.vector_store %arg11[%swap3A_274, %swap3A_275, %swap3A_276], %swap3A_279 {strides = array<i32>} : memref<4x128x64xf32, #tpu.memory_space<vmem>>, vector<1x1x16xf32>,
    }
    %scan3A_4 = arith.constant 128 : i32
    %mul3A = arith.constant 640 : i32
    %mul3A_5 = arith.muli %arg1, %mul3A : i32
    %add3A = arith.constant 0 : i32
    %add3A_6 = arith.addi %mul3A_5, %add3A : i32
    %run_scoped3A = arith.constant 0 : i32
    "tpu.region"() ({
      %run_scoped3A_245 = tpu.sem_alloc : memref<!tpu.dma_semaphore, #tpu.memory_space<semaphore_mem>>
      %dma_start3A_246 = arith.constant 0 : i32
      %dma_start3A_247 = arith.constant 0 : i32
      %dma_start3A_248 = tpu.memref_slice %arg11[%run_scoped3A, %dma_start3A_246, %dma_start3A_247] : memref<4x128x64xf32, #tpu.memory_space<vmem>> -> memref<1x128x64xf32, #tpu.memory_space<vmem>>
      %dma_start3A_249 = tpu.memref_squeeze %dma_start3A_248 : memref<1x128x64xf32, #tpu.memory_space<vmem>> -> memref<128x64xf32, #tpu.memory_space<vmem>>
      %dma_start3A_250 = arith.constant 0 : i32
      %dma_start3A_251 = tpu.memref_slice %arg16[%add3A_6, %dma_start3A_250] : memref<10240x64xf32, #tpu.memory_space<vmem_shared>> -> memref<128x64xf32, #tpu.memory_space<vmem_shared>>
      %dma_start3A_252 = arith.constant 0 : i32
      %dma_start3A_253 = tpu.memref_slice %arg16[%add3A_6, %dma_start3A_252] : memref<10240x64xf32, #tpu.memory_space<vmem_shared>> -> memref<128x64xf32, #tpu.memory_space<vmem_shared>>
      %dma_start3A_254 = arith.constant 0 : i32
      %dma_start3A_255 = arith.constant 0 : i32
      %dma_start3A_256 = tpu.memref_slice %arg11[%run_scoped3A, %dma_start3A_254, %dma_start3A_255] : memref<4x128x64xf32, #tpu.memory_space<vmem>> -> memref<1x128x64xf32, #tpu.memory_space<vmem>>
      %dma_start3A_257 = tpu.memref_squeeze %dma_start3A_256 : memref<1x128x64xf32, #tpu.memory_space<vmem>> -> memref<128x64xf32, #tpu.memory_space<vmem>>
      tpu.enqueue_dma source(%dma_start3A_257 : memref<128x64xf32, #tpu.memory_space<vmem>>) target(%dma_start3A_253 : memref<128x64xf32, #tpu.memory_space<vmem_shared>>) target_semaphore(%run_scoped3A_245 : memref<!tpu.dma_semaphore, #tpu.memory_space<semaphore_mem>>)
      %dma_wait3A_258 = arith.constant 0 : i32
      %dma_wait3A_259 = arith.constant 0 : i32
      %dma_wait3A_260 = tpu.memref_slice %arg11[%run_scoped3A, %dma_wait3A_258, %dma_wait3A_259] : memref<4x128x64xf32, #tpu.memory_space<vmem>> -> memref<1x128x64xf32, #tpu.memory_space<vmem>>
      %dma_wait3A_261 = tpu.memref_squeeze %dma_wait3A_260 : memref<1x128x64xf32, #tpu.memory_space<vmem>> -> memref<128x64xf32, #tpu.memory_space<vmem>>
      %dma_wait3A_262 = arith.constant 0 : i32
      %dma_wait3A_263 = tpu.memref_slice %arg16[%add3A_6, %dma_wait3A_262] : memref<10240x64xf32, #tpu.memory_space<vmem_shared>> -> memref<128x64xf32, #tpu.memory_space<vmem_shared>>
      %dma_wait3A_264 = arith.constant 0 : i32
      %dma_wait3A_265 = tpu.memref_slice %arg16[%add3A_6, %dma_wait3A_264] : memref<10240x64xf32, #tpu.memory_space<vmem_shared>> -> memref<128x64xf32, #tpu.memory_space<vmem_shared>>
      %dma_wait3A_266 = arith.constant 0 : i32
      %dma_wait3A_267 = arith.constant 0 : i32
      %dma_wait3A_268 = tpu.memref_slice %arg11[%run_scoped3A, %dma_wait3A_266, %dma_wait3A_267] : memref<4x128x64xf32, #tpu.memory_space<vmem>> -> memref<1x128x64xf32, #tpu.memory_space<vmem>>
      %dma_wait3A_269 = tpu.memref_squeeze %dma_wait3A_268 : memref<1x128x64xf32, #tpu.memory_space<vmem>> -> memref<128x64xf32, #tpu.memory_space<vmem>>
      tpu.wait_dma2 semaphore(%run_scoped3A_245 : memref<!tpu.dma_semaphore, #tpu.memory_space<semaphore_mem>>) src(%dma_wait3A_269 : memref<128x64xf32, #tpu.memory_space<vmem>>) dst(%dma_wait3A_265 : memref<128x64xf32, #tpu.memory_space<vmem_shared>>)
      tpu.yield
    }) : () -> ()
    %mul3A_7 = arith.constant 640 : i32
    %mul3A_8 = arith.muli %arg1, %mul3A_7 : i32
    %add3A_9 = arith.constant 128 : i32
    %add3A_10 = arith.addi %mul3A_8, %add3A_9 : i32
    %run_scoped3A_11 = arith.constant 0 : i32
    "tpu.region"() ({
      %run_scoped3A_245 = tpu.sem_alloc : memref<!tpu.dma_semaphore, #tpu.memory_space<semaphore_mem>>
      %dma_start3A_246 = arith.constant 0 : i32
      %dma_start3A_247 = arith.constant 0 : i32
      %dma_start3A_248 = tpu.memref_slice %arg11[%run_scoped3A_11, %dma_start3A_246, %dma_start3A_247] : memref<4x128x64xf32, #tpu.memory_space<vmem>> -> memref<1x128x64xf32, #tpu.memory_space<vmem>>
      %dma_start3A_249 = tpu.memref_squeeze %dma_start3A_248 : memref<1x128x64xf32, #tpu.memory_space<vmem>> -> memref<128x64xf32, #tpu.memory_space<vmem>>
      %dma_start3A_250 = arith.constant 0 : i32
      %dma_start3A_251 = tpu.memref_slice %arg16[%add3A_10, %dma_start3A_250] : memref<10240x64xf32, #tpu.memory_space<vmem_shared>> -> memref<128x64xf32, #tpu.memory_space<vmem_shared>>
      %dma_start3A_252 = arith.constant 0 : i32
      %dma_start3A_253 = tpu.memref_slice %arg16[%add3A_10, %dma_start3A_252] : memref<10240x64xf32, #tpu.memory_space<vmem_shared>> -> memref<128x64xf32, #tpu.memory_space<vmem_shared>>
      %dma_start3A_254 = arith.constant 0 : i32
      %dma_start3A_255 = arith.constant 0 : i32
      %dma_start3A_256 = tpu.memref_slice %arg11[%run_scoped3A_11, %dma_start3A_254, %dma_start3A_255] : memref<4x128x64xf32, #tpu.memory_space<vmem>> -> memref<1x128x64xf32, #tpu.memory_space<vmem>>
      %dma_start3A_257 = tpu.memref_squeeze %dma_start3A_256 : memref<1x128x64xf32, #tpu.memory_space<vmem>> -> memref<128x64xf32, #tpu.memory_space<vmem>>
      tpu.enqueue_dma source(%dma_start3A_257 : memref<128x64xf32, #tpu.memory_space<vmem>>) target(%dma_start3A_253 : memref<128x64xf32, #tpu.memory_space<vmem_shared>>) target_semaphore(%run_scoped3A_245 : memref<!tpu.dma_semaphore, #tpu.memory_space<semaphore_mem>>)
      %dma_wait3A_258 = arith.constant 0 : i32
      %dma_wait3A_259 = arith.constant 0 : i32
      %dma_wait3A_260 = tpu.memref_slice %arg11[%run_scoped3A_11, %dma_wait3A_258, %dma_wait3A_259] : memref<4x128x64xf32, #tpu.memory_space<vmem>> -> memref<1x128x64xf32, #tpu.memory_space<vmem>>
      %dma_wait3A_261 = tpu.memref_squeeze %dma_wait3A_260 : memref<1x128x64xf32, #tpu.memory_space<vmem>> -> memref<128x64xf32, #tpu.memory_space<vmem>>
      %dma_wait3A_262 = arith.constant 0 : i32
      %dma_wait3A_263 = tpu.memref_slice %arg16[%add3A_10, %dma_wait3A_262] : memref<10240x64xf32, #tpu.memory_space<vmem_shared>> -> memref<128x64xf32, #tpu.memory_space<vmem_shared>>
      %dma_wait3A_264 = arith.constant 0 : i32
      %dma_wait3A_265 = tpu.memref_slice %arg16[%add3A_10, %dma_wait3A_264] : memref<10240x64xf32, #tpu.memory_space<vmem_shared>> -> memref<128x64xf32, #tpu.memory_space<vmem_shared>>
      %dma_wait3A_266 = arith.constant 0 : i32
      %dma_wait3A_267 = arith.constant 0 : i32
      %dma_wait3A_268 = tpu.memref_slice %arg11[%run_scoped3A_11, %dma_wait3A_266, %dma_wait3A_267] : memref<4x128x64xf32, #tpu.memory_space<vmem>> -> memref<1x128x64xf32, #tpu.memory_space<vmem>>
      %dma_wait3A_269 = tpu.memref_squeeze %dma_wait3A_268 : memref<1x128x64xf32, #tpu.memory_space<vmem>> -> memref<128x64xf32, #tpu.memory_space<vmem>>
      tpu.wait_dma2 semaphore(%run_scoped3A_245 : memref<!tpu.dma_semaphore, #tpu.memory_space<semaphore_mem>>) src(%dma_wait3A_269 : memref<128x64xf32, #tpu.memory_space<vmem>>) dst(%dma_wait3A_265 : memref<128x64xf32, #tpu.memory_space<vmem_shared>>)
      tpu.yield
    }) : () -> ()
    %mul3A_12 = arith.constant 640 : i32
    %mul3A_13 = arith.muli %arg1, %mul3A_12 : i32
    %add3A_14 = arith.constant 256 : i32
    %add3A_15 = arith.addi %mul3A_13, %add3A_14 : i32
    %run_scoped3A_16 = arith.constant 0 : i32
    "tpu.region"() ({
      %run_scoped3A_245 = tpu.sem_alloc : memref<!tpu.dma_semaphore, #tpu.memory_space<semaphore_mem>>
      %dma_start3A_246 = arith.constant 0 : i32
      %dma_start3A_247 = arith.constant 0 : i32
      %dma_start3A_248 = tpu.memref_slice %arg11[%run_scoped3A_16, %dma_start3A_246, %dma_start3A_247] : memref<4x128x64xf32, #tpu.memory_space<vmem>> -> memref<1x128x64xf32, #tpu.memory_space<vmem>>
      %dma_start3A_249 = tpu.memref_squeeze %dma_start3A_248 : memref<1x128x64xf32, #tpu.memory_space<vmem>> -> memref<128x64xf32, #tpu.memory_space<vmem>>
      %dma_start3A_250 = arith.constant 0 : i32
      %dma_start3A_251 = tpu.memref_slice %arg16[%add3A_15, %dma_start3A_250] : memref<10240x64xf32, #tpu.memory_space<vmem_shared>> -> memref<128x64xf32, #tpu.memory_space<vmem_shared>>
      %dma_start3A_252 = arith.constant 0 : i32
      %dma_start3A_253 = tpu.memref_slice %arg16[%add3A_15, %dma_start3A_252] : memref<10240x64xf32, #tpu.memory_space<vmem_shared>> -> memref<128x64xf32, #tpu.memory_space<vmem_shared>>
      %dma_start3A_254 = arith.constant 0 : i32
      %dma_start3A_255 = arith.constant 0 : i32
      %dma_start3A_256 = tpu.memref_slice %arg11[%run_scoped3A_16, %dma_start3A_254, %dma_start3A_255] : memref<4x128x64xf32, #tpu.memory_space<vmem>> -> memref<1x128x64xf32, #tpu.memory_space<vmem>>
      %dma_start3A_257 = tpu.memref_squeeze %dma_start3A_256 : memref<1x128x64xf32, #tpu.memory_space<vmem>> -> memref<128x64xf32, #tpu.memory_space<vmem>>
      tpu.enqueue_dma source(%dma_start3A_257 : memref<128x64xf32, #tpu.memory_space<vmem>>) target(%dma_start3A_253 : memref<128x64xf32, #tpu.memory_space<vmem_shared>>) target_semaphore(%run_scoped3A_245 : memref<!tpu.dma_semaphore, #tpu.memory_space<semaphore_mem>>)
      %dma_wait3A_258 = arith.constant 0 : i32
      %dma_wait3A_259 = arith.constant 0 : i32
      %dma_wait3A_260 = tpu.memref_slice %arg11[%run_scoped3A_16, %dma_wait3A_258, %dma_wait3A_259] : memref<4x128x64xf32, #tpu.memory_space<vmem>> -> memref<1x128x64xf32, #tpu.memory_space<vmem>>
      %dma_wait3A_261 = tpu.memref_squeeze %dma_wait3A_260 : memref<1x128x64xf32, #tpu.memory_space<vmem>> -> memref<128x64xf32, #tpu.memory_space<vmem>>
      %dma_wait3A_262 = arith.constant 0 : i32
      %dma_wait3A_263 = tpu.memref_slice %arg16[%add3A_15, %dma_wait3A_262] : memref<10240x64xf32, #tpu.memory_space<vmem_shared>> -> memref<128x64xf32, #tpu.memory_space<vmem_shared>>
      %dma_wait3A_264 = arith.constant 0 : i32
      %dma_wait3A_265 = tpu.memref_slice %arg16[%add3A_15, %dma_wait3A_264] : memref<10240x64xf32, #tpu.memory_space<vmem_shared>> -> memref<128x64xf32, #tpu.memory_space<vmem_shared>>
      %dma_wait3A_266 = arith.constant 0 : i32
      %dma_wait3A_267 = arith.constant 0 : i32
      %dma_wait3A_268 = tpu.memref_slice %arg11[%run_scoped3A_16, %dma_wait3A_266, %dma_wait3A_267] : memref<4x128x64xf32, #tpu.memory_space<vmem>> -> memref<1x128x64xf32, #tpu.memory_space<vmem>>
      %dma_wait3A_269 = tpu.memref_squeeze %dma_wait3A_268 : memref<1x128x64xf32, #tpu.memory_space<vmem>> -> memref<128x64xf32, #tpu.memory_space<vmem>>
      tpu.wait_dma2 semaphore(%run_scoped3A_245 : memref<!tpu.dma_semaphore, #tpu.memory_space<semaphore_mem>>) src(%dma_wait3A_269 : memref<128x64xf32, #tpu.memory_space<vmem>>) dst(%dma_wait3A_265 : memref<128x64xf32, #tpu.memory_space<vmem_shared>>)
      tpu.yield
    }) : () -> ()
    %mul3A_17 = arith.constant 640 : i32
    %mul3A_18 = arith.muli %arg1, %mul3A_17 : i32
    %add3A_19 = arith.constant 384 : i32
    %add3A_20 = arith.addi %mul3A_18, %add3A_19 : i32
    %run_scoped3A_21 = arith.constant 0 : i32
    "tpu.region"() ({
      %run_scoped3A_245 = tpu.sem_alloc : memref<!tpu.dma_semaphore, #tpu.memory_space<semaphore_mem>>
      %dma_start3A_246 = arith.constant 0 : i32
      %dma_start3A_247 = arith.constant 0 : i32
      %dma_start3A_248 = tpu.memref_slice %arg11[%run_scoped3A_21, %dma_start3A_246, %dma_start3A_247] : memref<4x128x64xf32, #tpu.memory_space<vmem>> -> memref<1x128x64xf32, #tpu.memory_space<vmem>>
      %dma_start3A_249 = tpu.memref_squeeze %dma_start3A_248 : memref<1x128x64xf32, #tpu.memory_space<vmem>> -> memref<128x64xf32, #tpu.memory_space<vmem>>
      %dma_start3A_250 = arith.constant 0 : i32
      %dma_start3A_251 = tpu.memref_slice %arg16[%add3A_20, %dma_start3A_250] : memref<10240x64xf32, #tpu.memory_space<vmem_shared>> -> memref<128x64xf32, #tpu.memory_space<vmem_shared>>
      %dma_start3A_252 = arith.constant 0 : i32
      %dma_start3A_253 = tpu.memref_slice %arg16[%add3A_20, %dma_start3A_252] : memref<10240x64xf32, #tpu.memory_space<vmem_shared>> -> memref<128x64xf32, #tpu.memory_space<vmem_shared>>
      %dma_start3A_254 = arith.constant 0 : i32
      %dma_start3A_255 = arith.constant 0 : i32
      %dma_start3A_256 = tpu.memref_slice %arg11[%run_scoped3A_21, %dma_start3A_254, %dma_start3A_255] : memref<4x128x64xf32, #tpu.memory_space<vmem>> -> memref<1x128x64xf32, #tpu.memory_space<vmem>>
      %dma_start3A_257 = tpu.memref_squeeze %dma_start3A_256 : memref<1x128x64xf32, #tpu.memory_space<vmem>> -> memref<128x64xf32, #tpu.memory_space<vmem>>
      tpu.enqueue_dma source(%dma_start3A_257 : memref<128x64xf32, #tpu.memory_space<vmem>>) target(%dma_start3A_253 : memref<128x64xf32, #tpu.memory_space<vmem_shared>>) target_semaphore(%run_scoped3A_245 : memref<!tpu.dma_semaphore, #tpu.memory_space<semaphore_mem>>)
      %dma_wait3A_258 = arith.constant 0 : i32
      %dma_wait3A_259 = arith.constant 0 : i32
      %dma_wait3A_260 = tpu.memref_slice %arg11[%run_scoped3A_21, %dma_wait3A_258, %dma_wait3A_259] : memref<4x128x64xf32, #tpu.memory_space<vmem>> -> memref<1x128x64xf32, #tpu.memory_space<vmem>>
      %dma_wait3A_261 = tpu.memref_squeeze %dma_wait3A_260 : memref<1x128x64xf32, #tpu.memory_space<vmem>> -> memref<128x64xf32, #tpu.memory_space<vmem>>
      %dma_wait3A_262 = arith.constant 0 : i32
      %dma_wait3A_263 = tpu.memref_slice %arg16[%add3A_20, %dma_wait3A_262] : memref<10240x64xf32, #tpu.memory_space<vmem_shared>> -> memref<128x64xf32, #tpu.memory_space<vmem_shared>>
      %dma_wait3A_264 = arith.constant 0 : i32
      %dma_wait3A_265 = tpu.memref_slice %arg16[%add3A_20, %dma_wait3A_264] : memref<10240x64xf32, #tpu.memory_space<vmem_shared>> -> memref<128x64xf32, #tpu.memory_space<vmem_shared>>
      %dma_wait3A_266 = arith.constant 0 : i32
      %dma_wait3A_267 = arith.constant 0 : i32
      %dma_wait3A_268 = tpu.memref_slice %arg11[%run_scoped3A_21, %dma_wait3A_266, %dma_wait3A_267] : memref<4x128x64xf32, #tpu.memory_space<vmem>> -> memref<1x128x64xf32, #tpu.memory_space<vmem>>
      %dma_wait3A_269 = tpu.memref_squeeze %dma_wait3A_268 : memref<1x128x64xf32, #tpu.memory_space<vmem>> -> memref<128x64xf32, #tpu.memory_space<vmem>>
      tpu.wait_dma2 semaphore(%run_scoped3A_245 : memref<!tpu.dma_semaphore, #tpu.memory_space<semaphore_mem>>) src(%dma_wait3A_269 : memref<128x64xf32, #tpu.memory_space<vmem>>) dst(%dma_wait3A_265 : memref<128x64xf32, #tpu.memory_space<vmem_shared>>)
      tpu.yield
    }) : () -> ()
    %mul3A_22 = arith.constant 640 : i32
    %mul3A_23 = arith.muli %arg1, %mul3A_22 : i32
    %add3A_24 = arith.constant 512 : i32
    %add3A_25 = arith.addi %mul3A_23, %add3A_24 : i32
    %run_scoped3A_26 = arith.constant 0 : i32
    "tpu.region"() ({
      %run_scoped3A_245 = tpu.sem_alloc : memref<!tpu.dma_semaphore, #tpu.memory_space<semaphore_mem>>
      %dma_start3A_246 = arith.constant 0 : i32
      %dma_start3A_247 = arith.constant 0 : i32
      %dma_start3A_248 = tpu.memref_slice %arg11[%run_scoped3A_26, %dma_start3A_246, %dma_start3A_247] : memref<4x128x64xf32, #tpu.memory_space<vmem>> -> memref<1x128x64xf32, #tpu.memory_space<vmem>>
      %dma_start3A_249 = tpu.memref_squeeze %dma_start3A_248 : memref<1x128x64xf32, #tpu.memory_space<vmem>> -> memref<128x64xf32, #tpu.memory_space<vmem>>
      %dma_start3A_250 = arith.constant 0 : i32
      %dma_start3A_251 = tpu.memref_slice %arg16[%add3A_25, %dma_start3A_250] : memref<10240x64xf32, #tpu.memory_space<vmem_shared>> -> memref<128x64xf32, #tpu.memory_space<vmem_shared>>
      %dma_start3A_252 = arith.constant 0 : i32
      %dma_start3A_253 = tpu.memref_slice %arg16[%add3A_25, %dma_start3A_252] : memref<10240x64xf32, #tpu.memory_space<vmem_shared>> -> memref<128x64xf32, #tpu.memory_space<vmem_shared>>
      %dma_start3A_254 = arith.constant 0 : i32
      %dma_start3A_255 = arith.constant 0 : i32
      %dma_start3A_256 = tpu.memref_slice %arg11[%run_scoped3A_26, %dma_start3A_254, %dma_start3A_255] : memref<4x128x64xf32, #tpu.memory_space<vmem>> -> memref<1x128x64xf32, #tpu.memory_space<vmem>>
      %dma_start3A_257 = tpu.memref_squeeze %dma_start3A_256 : memref<1x128x64xf32, #tpu.memory_space<vmem>> -> memref<128x64xf32, #tpu.memory_space<vmem>>
      tpu.enqueue_dma source(%dma_start3A_257 : memref<128x64xf32, #tpu.memory_space<vmem>>) target(%dma_start3A_253 : memref<128x64xf32, #tpu.memory_space<vmem_shared>>) target_semaphore(%run_scoped3A_245 : memref<!tpu.dma_semaphore, #tpu.memory_space<semaphore_mem>>)
      %dma_wait3A_258 = arith.constant 0 : i32
      %dma_wait3A_259 = arith.constant 0 : i32
      %dma_wait3A_260 = tpu.memref_slice %arg11[%run_scoped3A_26, %dma_wait3A_258, %dma_wait3A_259] : memref<4x128x64xf32, #tpu.memory_space<vmem>> -> memref<1x128x64xf32, #tpu.memory_space<vmem>>
      %dma_wait3A_261 = tpu.memref_squeeze %dma_wait3A_260 : memref<1x128x64xf32, #tpu.memory_space<vmem>> -> memref<128x64xf32, #tpu.memory_space<vmem>>
      %dma_wait3A_262 = arith.constant 0 : i32
      %dma_wait3A_263 = tpu.memref_slice %arg16[%add3A_25, %dma_wait3A_262] : memref<10240x64xf32, #tpu.memory_space<vmem_shared>> -> memref<128x64xf32, #tpu.memory_space<vmem_shared>>
      %dma_wait3A_264 = arith.constant 0 : i32
      %dma_wait3A_265 = tpu.memref_slice %arg16[%add3A_25, %dma_wait3A_264] : memref<10240x64xf32, #tpu.memory_space<vmem_shared>> -> memref<128x64xf32, #tpu.memory_space<vmem_shared>>
      %dma_wait3A_266 = arith.constant 0 : i32
      %dma_wait3A_267 = arith.constant 0 : i32
      %dma_wait3A_268 = tpu.memref_slice %arg11[%run_scoped3A_26, %dma_wait3A_266, %dma_wait3A_267] : memref<4x128x64xf32, #tpu.memory_space<vmem>> -> memref<1x128x64xf32, #tpu.memory_space<vmem>>
      %dma_wait3A_269 = tpu.memref_squeeze %dma_wait3A_268 : memref<1x128x64xf32, #tpu.memory_space<vmem>> -> memref<128x64xf32, #tpu.memory_space<vmem>>
      tpu.wait_dma2 semaphore(%run_scoped3A_245 : memref<!tpu.dma_semaphore, #tpu.memory_space<semaphore_mem>>) src(%dma_wait3A_269 : memref<128x64xf32, #tpu.memory_space<vmem>>) dst(%dma_wait3A_265 : memref<128x64xf32, #tpu.memory_space<vmem_shared>>)
      tpu.yield
    }) : () -> ()
    %barrier3A = arith.constant 0 : index
    tpu.barrier barrier_id(%barrier3A)
    %run_scoped3A_27 = arith.constant 0 : i32
    "tpu.region"() ({
      %run_scoped3A_245 = tpu.sem_alloc : memref<!tpu.dma_semaphore, #tpu.memory_space<semaphore_mem>>
      %dma_start3A_246 = arith.constant 0 : i32
      %dma_start3A_247 = arith.constant 0 : i32
      %dma_start3A_248 = tpu.memref_slice %arg3[%arg1, %run_scoped3A_27, %dma_start3A_246, %dma_start3A_247] : memref<16x2x80x128xi32, #tpu.memory_space<hbm>> -> memref<1x1x80x128xi32, #tpu.memory_space<hbm>>
      %dma_start3A_249 = tpu.memref_squeeze %dma_start3A_248 : memref<1x1x80x128xi32, #tpu.memory_space<hbm>> -> memref<80x128xi32, #tpu.memory_space<hbm>>
      %dma_start3A_250 = arith.constant 0 : i32
      %dma_start3A_251 = arith.constant 0 : i32
      %dma_start3A_252 = tpu.memref_slice %arg3[%arg1, %run_scoped3A_27, %dma_start3A_250, %dma_start3A_251] : memref<16x2x80x128xi32, #tpu.memory_space<hbm>> -> memref<1x1x80x128xi32, #tpu.memory_space<hbm>>
      %dma_start3A_253 = tpu.memref_squeeze %dma_start3A_252 : memref<1x1x80x128xi32, #tpu.memory_space<hbm>> -> memref<80x128xi32, #tpu.memory_space<hbm>>
      tpu.enqueue_dma source(%dma_start3A_253 : memref<80x128xi32, #tpu.memory_space<hbm>>) target(%arg9 : memref<80x128xi32, #tpu.memory_space<vmem>>) target_semaphore(%run_scoped3A_245 : memref<!tpu.dma_semaphore, #tpu.memory_space<semaphore_mem>>)
      %dma_wait3A_254 = arith.constant 0 : i32
      %dma_wait3A_255 = arith.constant 0 : i32
      %dma_wait3A_256 = tpu.memref_slice %arg3[%arg1, %run_scoped3A_27, %dma_wait3A_254, %dma_wait3A_255] : memref<16x2x80x128xi32, #tpu.memory_space<hbm>> -> memref<1x1x80x128xi32, #tpu.memory_space<hbm>>
      %dma_wait3A_257 = tpu.memref_squeeze %dma_wait3A_256 : memref<1x1x80x128xi32, #tpu.memory_space<hbm>> -> memref<80x128xi32, #tpu.memory_space<hbm>>
      %dma_wait3A_258 = arith.constant 0 : i32
      %dma_wait3A_259 = arith.constant 0 : i32
      %dma_wait3A_260 = tpu.memref_slice %arg3[%arg1, %run_scoped3A_27, %dma_wait3A_258, %dma_wait3A_259] : memref<16x2x80x128xi32, #tpu.memory_space<hbm>> -> memref<1x1x80x128xi32, #tpu.memory_space<hbm>>
      %dma_wait3A_261 = tpu.memref_squeeze %dma_wait3A_260 : memref<1x1x80x128xi32, #tpu.memory_space<hbm>> -> memref<80x128xi32, #tpu.memory_space<hbm>>
      tpu.wait_dma2 semaphore(%run_scoped3A_245 : memref<!tpu.dma_semaphore, #tpu.memory_space<semaphore_mem>>) src(%dma_wait3A_261 : memref<80x128xi32, #tpu.memory_space<hbm>>) dst(%arg9 : memref<80x128xi32, #tpu.memory_space<vmem>>)
      tpu.yield
    }) : () -> ()
    %run_scoped3A_28 = arith.constant 0 : i32
    "tpu.region"() ({
      %run_scoped3A_245 = tpu.sem_alloc : memref<!tpu.dma_semaphore, #tpu.memory_space<semaphore_mem>>
      %dma_start3A_246 = arith.constant 0 : i32
      %dma_start3A_247 = arith.constant 0 : i32
      %dma_start3A_248 = tpu.memref_slice %arg4[%arg1, %run_scoped3A_28, %dma_start3A_246, %dma_start3A_247] : memref<16x2x80x128xi32, #tpu.memory_space<hbm>> -> memref<1x1x80x128xi32, #tpu.memory_space<hbm>>
      %dma_start3A_249 = tpu.memref_squeeze %dma_start3A_248 : memref<1x1x80x128xi32, #tpu.memory_space<hbm>> -> memref<80x128xi32, #tpu.memory_space<hbm>>
      %dma_start3A_250 = arith.constant 0 : i32
      %dma_start3A_251 = arith.constant 0 : i32
      %dma_start3A_252 = tpu.memref_slice %arg4[%arg1, %run_scoped3A_28, %dma_start3A_250, %dma_start3A_251] : memref<16x2x80x128xi32, #tpu.memory_space<hbm>> -> memref<1x1x80x128xi32, #tpu.memory_space<hbm>>
      %dma_start3A_253 = tpu.memref_squeeze %dma_start3A_252 : memref<1x1x80x128xi32, #tpu.memory_space<hbm>> -> memref<80x128xi32, #tpu.memory_space<hbm>>
      tpu.enqueue_dma source(%dma_start3A_253 : memref<80x128xi32, #tpu.memory_space<hbm>>) target(%arg10 : memref<80x128xi32, #tpu.memory_space<vmem>>) target_semaphore(%run_scoped3A_245 : memref<!tpu.dma_semaphore, #tpu.memory_space<semaphore_mem>>)
      %dma_wait3A_254 = arith.constant 0 : i32
      %dma_wait3A_255 = arith.constant 0 : i32
      %dma_wait3A_256 = tpu.memref_slice %arg4[%arg1, %run_scoped3A_28, %dma_wait3A_254, %dma_wait3A_255] : memref<16x2x80x128xi32, #tpu.memory_space<hbm>> -> memref<1x1x80x128xi32, #tpu.memory_space<hbm>>
      %dma_wait3A_257 = tpu.memref_squeeze %dma_wait3A_256 : memref<1x1x80x128xi32, #tpu.memory_space<hbm>> -> memref<80x128xi32, #tpu.memory_space<hbm>>
      %dma_wait3A_258 = arith.constant 0 : i32
      %dma_wait3A_259 = arith.constant 0 : i32
      %dma_wait3A_260 = tpu.memref_slice %arg4[%arg1, %run_scoped3A_28, %dma_wait3A_258, %dma_wait3A_259] : memref<16x2x80x128xi32, #tpu.memory_space<hbm>> -> memref<1x1x80x128xi32, #tpu.memory_space<hbm>>
      %dma_wait3A_261 = tpu.memref_squeeze %dma_wait3A_260 : memref<1x1x80x128xi32, #tpu.memory_space<hbm>> -> memref<80x128xi32, #tpu.memory_space<hbm>>
      tpu.wait_dma2 semaphore(%run_scoped3A_245 : memref<!tpu.dma_semaphore, #tpu.memory_space<semaphore_mem>>) src(%dma_wait3A_261 : memref<80x128xi32, #tpu.memory_space<hbm>>) dst(%arg10 : memref<80x128xi32, #tpu.memory_space<vmem>>)
      tpu.yield
    }) : () -> ()
    %dma_start3A = arith.constant 0 : i32
    %dma_start3A_29 = arith.constant 0 : i32
    %dma_start3A_30 = arith.constant 0 : i32
    %dma_start3A_31 = arith.constant 0 : i32
    %dma_start3A_32 = tpu.memref_slice %arg11[%dma_start3A_29, %dma_start3A_30, %dma_start3A_31] : memref<4x128x64xf32, #tpu.memory_space<vmem>> -> memref<1x128x64xf32, #tpu.memory_space<vmem>>
    %dma_start3A_33 = tpu.memref_squeeze %dma_start3A_32 : memref<1x128x64xf32, #tpu.memory_space<vmem>> -> memref<128x64xf32, #tpu.memory_space<vmem>>
    %dma_start3A_34 = arith.constant 0 : i32
    %dma_start3A_35 = tpu.memref_slice %arg9[%dma_start3A, %dma_start3A_34] : memref<80x128xi32, #tpu.memory_space<vmem>> -> memref<1x128xi32, #tpu.memory_space<vmem>>
    %dma_start3A_36 = tpu.memref_squeeze %dma_start3A_35 : memref<1x128xi32, #tpu.memory_space<vmem>> -> memref<128xi32, #tpu.memory_space<vmem>>
    %dma_start3A_37 = arith.constant 0 : i32
    %dma_start3A_38 = arith.constant 0 : i32
    %dma_start3A_39 = tpu.memref_slice %arg2[%arg0, %dma_start3A_37, %dma_start3A_38] : memref<2x10000x64xf32, #tpu.memory_space<hbm>> -> memref<1x10000x64xf32, #tpu.memory_space<hbm>>
    %dma_start3A_40 = tpu.memref_squeeze %dma_start3A_39 : memref<1x10000x64xf32, #tpu.memory_space<hbm>> -> memref<10000x64xf32, #tpu.memory_space<hbm>>
    %dma_start3A_41 = arith.constant 0 : i32
    %dma_start3A_42 = arith.constant 0 : i32
    %dma_start3A_43 = tpu.memref_slice %dma_start3A_40[%dma_start3A_41, %dma_start3A_42] : memref<10000x64xf32, #tpu.memory_space<hbm>> -> memref<10000x64xf32, #tpu.memory_space<hbm>>
    tpu.enqueue_indirect_dma source(%dma_start3A_43 : memref<10000x64xf32, #tpu.memory_space<hbm>>) target(%dma_start3A_33 : memref<128x64xf32, #tpu.memory_space<vmem>>) offsets(%dma_start3A_36 : memref<128xi32, #tpu.memory_space<vmem>>) semaphore(%arg17 : memref<!tpu.dma_semaphore, #tpu.memory_space<semaphore_mem>>)
    %dma_start3A_44 = arith.constant 1 : i32
    %dma_start3A_45 = arith.constant 1 : i32
    %dma_start3A_46 = arith.constant 0 : i32
    %dma_start3A_47 = arith.constant 0 : i32
    %dma_start3A_48 = tpu.memref_slice %arg11[%dma_start3A_45, %dma_start3A_46, %dma_start3A_47] : memref<4x128x64xf32, #tpu.memory_space<vmem>> -> memref<1x128x64xf32, #tpu.memory_space<vmem>>
    %dma_start3A_49 = tpu.memref_squeeze %dma_start3A_48 : memref<1x128x64xf32, #tpu.memory_space<vmem>> -> memref<128x64xf32, #tpu.memory_space<vmem>>
    %dma_start3A_50 = arith.constant 0 : i32
    %dma_start3A_51 = tpu.memref_slice %arg9[%dma_start3A_44, %dma_start3A_50] : memref<80x128xi32, #tpu.memory_space<vmem>> -> memref<1x128xi32, #tpu.memory_space<vmem>>
    %dma_start3A_52 = tpu.memref_squeeze %dma_start3A_51 : memref<1x128xi32, #tpu.memory_space<vmem>> -> memref<128xi32, #tpu.memory_space<vmem>>
    %dma_start3A_53 = arith.constant 0 : i32
    %dma_start3A_54 = arith.constant 0 : i32
    %dma_start3A_55 = tpu.memref_slice %arg2[%arg0, %dma_start3A_53, %dma_start3A_54] : memref<2x10000x64xf32, #tpu.memory_space<hbm>> -> memref<1x10000x64xf32, #tpu.memory_space<hbm>>
    %dma_start3A_56 = tpu.memref_squeeze %dma_start3A_55 : memref<1x10000x64xf32, #tpu.memory_space<hbm>> -> memref<10000x64xf32, #tpu.memory_space<hbm>>
    %dma_start3A_57 = arith.constant 0 : i32
    %dma_start3A_58 = arith.constant 0 : i32
    %dma_start3A_59 = tpu.memref_slice %dma_start3A_56[%dma_start3A_57, %dma_start3A_58] : memref<10000x64xf32, #tpu.memory_space<hbm>> -> memref<10000x64xf32, #tpu.memory_space<hbm>>
    tpu.enqueue_indirect_dma source(%dma_start3A_59 : memref<10000x64xf32, #tpu.memory_space<hbm>>) target(%dma_start3A_49 : memref<128x64xf32, #tpu.memory_space<vmem>>) offsets(%dma_start3A_52 : memref<128xi32, #tpu.memory_space<vmem>>) semaphore(%arg18 : memref<!tpu.dma_semaphore, #tpu.memory_space<semaphore_mem>>)
    %dma_start3A_60 = arith.constant 2 : i32
    %dma_start3A_61 = arith.constant 2 : i32
    %dma_start3A_62 = arith.constant 0 : i32
    %dma_start3A_63 = arith.constant 0 : i32
    %dma_start3A_64 = tpu.memref_slice %arg11[%dma_start3A_61, %dma_start3A_62, %dma_start3A_63] : memref<4x128x64xf32, #tpu.memory_space<vmem>> -> memref<1x128x64xf32, #tpu.memory_space<vmem>>
    %dma_start3A_65 = tpu.memref_squeeze %dma_start3A_64 : memref<1x128x64xf32, #tpu.memory_space<vmem>> -> memref<128x64xf32, #tpu.memory_space<vmem>>
    %dma_start3A_66 = arith.constant 0 : i32
    %dma_start3A_67 = tpu.memref_slice %arg9[%dma_start3A_60, %dma_start3A_66] : memref<80x128xi32, #tpu.memory_space<vmem>> -> memref<1x128xi32, #tpu.memory_space<vmem>>
    %dma_start3A_68 = tpu.memref_squeeze %dma_start3A_67 : memref<1x128xi32, #tpu.memory_space<vmem>> -> memref<128xi32, #tpu.memory_space<vmem>>
    %dma_start3A_69 = arith.constant 0 : i32
    %dma_start3A_70 = arith.constant 0 : i32
    %dma_start3A_71 = tpu.memref_slice %arg2[%arg0, %dma_start3A_69, %dma_start3A_70] : memref<2x10000x64xf32, #tpu.memory_space<hbm>> -> memref<1x10000x64xf32, #tpu.memory_space<hbm>>
    %dma_start3A_72 = tpu.memref_squeeze %dma_start3A_71 : memref<1x10000x64xf32, #tpu.memory_space<hbm>> -> memref<10000x64xf32, #tpu.memory_space<hbm>>
    %dma_start3A_73 = arith.constant 0 : i32
    %dma_start3A_74 = arith.constant 0 : i32
    %dma_start3A_75 = tpu.memref_slice %dma_start3A_72[%dma_start3A_73, %dma_start3A_74] : memref<10000x64xf32, #tpu.memory_space<hbm>> -> memref<10000x64xf32, #tpu.memory_space<hbm>>
    tpu.enqueue_indirect_dma source(%dma_start3A_75 : memref<10000x64xf32, #tpu.memory_space<hbm>>) target(%dma_start3A_65 : memref<128x64xf32, #tpu.memory_space<vmem>>) offsets(%dma_start3A_68 : memref<128xi32, #tpu.memory_space<vmem>>) semaphore(%arg19 : memref<!tpu.dma_semaphore, #tpu.memory_space<semaphore_mem>>)
    %dma_start3A_76 = arith.constant 3 : i32
    %dma_start3A_77 = arith.constant 3 : i32
    %dma_start3A_78 = arith.constant 0 : i32
    %dma_start3A_79 = arith.constant 0 : i32
    %dma_start3A_80 = tpu.memref_slice %arg11[%dma_start3A_77, %dma_start3A_78, %dma_start3A_79] : memref<4x128x64xf32, #tpu.memory_space<vmem>> -> memref<1x128x64xf32, #tpu.memory_space<vmem>>
    %dma_start3A_81 = tpu.memref_squeeze %dma_start3A_80 : memref<1x128x64xf32, #tpu.memory_space<vmem>> -> memref<128x64xf32, #tpu.memory_space<vmem>>
    %dma_start3A_82 = arith.constant 0 : i32
    %dma_start3A_83 = tpu.memref_slice %arg9[%dma_start3A_76, %dma_start3A_82] : memref<80x128xi32, #tpu.memory_space<vmem>> -> memref<1x128xi32, #tpu.memory_space<vmem>>
    %dma_start3A_84 = tpu.memref_squeeze %dma_start3A_83 : memref<1x128xi32, #tpu.memory_space<vmem>> -> memref<128xi32, #tpu.memory_space<vmem>>
    %dma_start3A_85 = arith.constant 0 : i32
    %dma_start3A_86 = arith.constant 0 : i32
    %dma_start3A_87 = tpu.memref_slice %arg2[%arg0, %dma_start3A_85, %dma_start3A_86] : memref<2x10000x64xf32, #tpu.memory_space<hbm>> -> memref<1x10000x64xf32, #tpu.memory_space<hbm>>
    %dma_start3A_88 = tpu.memref_squeeze %dma_start3A_87 : memref<1x10000x64xf32, #tpu.memory_space<hbm>> -> memref<10000x64xf32, #tpu.memory_space<hbm>>
    %dma_start3A_89 = arith.constant 0 : i32
    %dma_start3A_90 = arith.constant 0 : i32
    %dma_start3A_91 = tpu.memref_slice %dma_start3A_88[%dma_start3A_89, %dma_start3A_90] : memref<10000x64xf32, #tpu.memory_space<hbm>> -> memref<10000x64xf32, #tpu.memory_space<hbm>>
    tpu.enqueue_indirect_dma source(%dma_start3A_91 : memref<10000x64xf32, #tpu.memory_space<hbm>>) target(%dma_start3A_81 : memref<128x64xf32, #tpu.memory_space<vmem>>) offsets(%dma_start3A_84 : memref<128xi32, #tpu.memory_space<vmem>>) semaphore(%arg20 : memref<!tpu.dma_semaphore, #tpu.memory_space<semaphore_mem>>)
    %scan3A_92 = arith.constant 0 : i32
    %scan3A_93 = arith.constant 0 : i32
    %scan3A_94 = arith.constant 20 : i32
    %scan3A_95 = arith.addi %scan3A_93, %scan3A_94 : i32
    %scan3A_96 = arith.constant 1 : i32
    scf.for %scan3A_245 = %scan3A_93 to %scan3A_95 step %scan3A_96  : i32 {
      %mul3A_246 = arith.constant 4 : i32
      %mul3A_247 = arith.muli %mul3A_246, %scan3A_245 : i32
      %add3A_248 = arith.constant 0 : i32
      %add3A_249 = arith.addi %mul3A_247, %add3A_248 : i32
      %dma_wait3A_250 = arith.constant 0 : i32
      %dma_wait3A_251 = arith.constant 0 : i32
      %dma_wait3A_252 = arith.constant 0 : i32
      %dma_wait3A_253 = arith.constant 0 : i32
      %dma_wait3A_254 = tpu.memref_slice %arg11[%dma_wait3A_251, %dma_wait3A_252, %dma_wait3A_253] : memref<4x128x64xf32, #tpu.memory_space<vmem>> -> memref<1x128x64xf32, #tpu.memory_space<vmem>>
      %dma_wait3A_255 = tpu.memref_squeeze %dma_wait3A_254 : memref<1x128x64xf32, #tpu.memory_space<vmem>> -> memref<128x64xf32, #tpu.memory_space<vmem>>
      %dma_wait3A_256 = arith.constant 0 : i32
      %dma_wait3A_257 = tpu.memref_slice %arg9[%dma_wait3A_250, %dma_wait3A_256] : memref<80x128xi32, #tpu.memory_space<vmem>> -> memref<1x128xi32, #tpu.memory_space<vmem>>
      %dma_wait3A_258 = tpu.memref_squeeze %dma_wait3A_257 : memref<1x128xi32, #tpu.memory_space<vmem>> -> memref<128xi32, #tpu.memory_space<vmem>>
      %dma_wait3A_259 = arith.constant 0 : i32
      %dma_wait3A_260 = arith.constant 0 : i32
      %dma_wait3A_261 = tpu.memref_slice %arg2[%arg0, %dma_wait3A_259, %dma_wait3A_260] : memref<2x10000x64xf32, #tpu.memory_space<hbm>> -> memref<1x10000x64xf32, #tpu.memory_space<hbm>>
      %dma_wait3A_262 = tpu.memref_squeeze %dma_wait3A_261 : memref<1x10000x64xf32, #tpu.memory_space<hbm>> -> memref<10000x64xf32, #tpu.memory_space<hbm>>
      %dma_wait3A_263 = arith.constant 0 : i32
      %dma_wait3A_264 = arith.constant 0 : i32
      %dma_wait3A_265 = tpu.memref_slice %dma_wait3A_262[%dma_wait3A_263, %dma_wait3A_264] : memref<10000x64xf32, #tpu.memory_space<hbm>> -> memref<10000x64xf32, #tpu.memory_space<hbm>>
      tpu.wait_indirect_dma semaphore(%arg17 : memref<!tpu.dma_semaphore, #tpu.memory_space<semaphore_mem>>) src(%dma_wait3A_265 : memref<10000x64xf32, #tpu.memory_space<hbm>>) dst(%dma_wait3A_255 : memref<128x64xf32, #tpu.memory_space<vmem>>)
      %run_scoped3A_266 = arith.constant 0 : i32
      "tpu.region"() ({
        %run_scoped3A_355 = tpu.sem_alloc : memref<!tpu.dma_semaphore, #tpu.memory_space<semaphore_mem>>
        %dma_start3A_356 = arith.constant 0 : i32
        %dma_start3A_357 = arith.constant 0 : i32
        %dma_start3A_358 = tpu.memref_slice %arg11[%run_scoped3A_266, %dma_start3A_356, %dma_start3A_357] : memref<4x128x64xf32, #tpu.memory_space<vmem>> -> memref<1x128x64xf32, #tpu.memory_space<vmem>>
        %dma_start3A_359 = tpu.memref_squeeze %dma_start3A_358 : memref<1x128x64xf32, #tpu.memory_space<vmem>> -> memref<128x64xf32, #tpu.memory_space<vmem>>
        %dma_start3A_360 = arith.constant 0 : i32
        %dma_start3A_361 = tpu.memref_slice %arg10[%add3A_249, %dma_start3A_360] : memref<80x128xi32, #tpu.memory_space<vmem>> -> memref<1x128xi32, #tpu.memory_space<vmem>>
        %dma_start3A_362 = tpu.memref_squeeze %dma_start3A_361 : memref<1x128xi32, #tpu.memory_space<vmem>> -> memref<128xi32, #tpu.memory_space<vmem>>
        %dma_start3A_363 = arith.constant 0 : i32
        %dma_start3A_364 = arith.constant 0 : i32
        %dma_start3A_365 = tpu.memref_slice %arg16[%dma_start3A_363, %dma_start3A_364] : memref<10240x64xf32, #tpu.memory_space<vmem_shared>> -> memref<10240x64xf32, #tpu.memory_space<vmem_shared>>
        tpu.enqueue_indirect_dma source(%dma_start3A_359 : memref<128x64xf32, #tpu.memory_space<vmem>>) target(%dma_start3A_365 : memref<10240x64xf32, #tpu.memory_space<vmem_shared>>) offsets(%dma_start3A_362 : memref<128xi32, #tpu.memory_space<vmem>>) semaphore(%run_scoped3A_355 : memref<!tpu.dma_semaphore, #tpu.memory_space<semaphore_mem>>) {add = true}
        %dma_wait3A_366 = arith.constant 0 : i32
        %dma_wait3A_367 = arith.constant 0 : i32
        %dma_wait3A_368 = tpu.memref_slice %arg11[%run_scoped3A_266, %dma_wait3A_366, %dma_wait3A_367] : memref<4x128x64xf32, #tpu.memory_space<vmem>> -> memref<1x128x64xf32, #tpu.memory_space<vmem>>
        %dma_wait3A_369 = tpu.memref_squeeze %dma_wait3A_368 : memref<1x128x64xf32, #tpu.memory_space<vmem>> -> memref<128x64xf32, #tpu.memory_space<vmem>>
        %dma_wait3A_370 = arith.constant 0 : i32
        %dma_wait3A_371 = tpu.memref_slice %arg10[%add3A_249, %dma_wait3A_370] : memref<80x128xi32, #tpu.memory_space<vmem>> -> memref<1x128xi32, #tpu.memory_space<vmem>>
        %dma_wait3A_372 = tpu.memref_squeeze %dma_wait3A_371 : memref<1x128xi32, #tpu.memory_space<vmem>> -> memref<128xi32, #tpu.memory_space<vmem>>
        %dma_wait3A_373 = arith.constant 0 : i32
        %dma_wait3A_374 = arith.constant 0 : i32
        %dma_wait3A_375 = tpu.memref_slice %arg16[%dma_wait3A_373, %dma_wait3A_374] : memref<10240x64xf32, #tpu.memory_space<vmem_shared>> -> memref<10240x64xf32, #tpu.memory_space<vmem_shared>>
        tpu.wait_indirect_dma semaphore(%run_scoped3A_355 : memref<!tpu.dma_semaphore, #tpu.memory_space<semaphore_mem>>) src(%dma_wait3A_369 : memref<128x64xf32, #tpu.memory_space<vmem>>) dst(%dma_wait3A_375 : memref<10240x64xf32, #tpu.memory_space<vmem_shared>>)
        tpu.yield
      }) : () -> ()
      %add3A_267 = arith.constant 4 : i32
      %add3A_268 = arith.addi %add3A_249, %add3A_267 : i32
      %lt3A = arith.constant 80 : i32
      %lt3A_269 = arith.cmpi slt, %add3A_268, %lt3A : i32
      %convert_element_type3A = arith.extui %lt3A_269 : i1 to i32
      %cond3A = arith.constant 0 : i32
      %cond3A_270 = arith.cmpi ne, %convert_element_type3A, %cond3A : i32
      scf.if %cond3A_270 {
        %add3A_355 = arith.constant 4 : i32
        %add3A_356 = arith.addi %add3A_249, %add3A_355 : i32
        %dma_start3A_357 = arith.constant 0 : i32
        %dma_start3A_358 = arith.constant 0 : i32
        %dma_start3A_359 = arith.constant 0 : i32
        %dma_start3A_360 = tpu.memref_slice %arg11[%dma_start3A_357, %dma_start3A_358, %dma_start3A_359] : memref<4x128x64xf32, #tpu.memory_space<vmem>> -> memref<1x128x64xf32, #tpu.memory_space<vmem>>
        %dma_start3A_361 = tpu.memref_squeeze %dma_start3A_360 : memref<1x128x64xf32, #tpu.memory_space<vmem>> -> memref<128x64xf32, #tpu.memory_space<vmem>>
        %dma_start3A_362 = arith.constant 0 : i32
        %dma_start3A_363 = tpu.memref_slice %arg9[%add3A_356, %dma_start3A_362] : memref<80x128xi32, #tpu.memory_space<vmem>> -> memref<1x128xi32, #tpu.memory_space<vmem>>
        %dma_start3A_364 = tpu.memref_squeeze %dma_start3A_363 : memref<1x128xi32, #tpu.memory_space<vmem>> -> memref<128xi32, #tpu.memory_space<vmem>>
        %dma_start3A_365 = arith.constant 0 : i32
        %dma_start3A_366 = arith.constant 0 : i32
        %dma_start3A_367 = tpu.memref_slice %arg2[%arg0, %dma_start3A_365, %dma_start3A_366] : memref<2x10000x64xf32, #tpu.memory_space<hbm>> -> memref<1x10000x64xf32, #tpu.memory_space<hbm>>
        %dma_start3A_368 = tpu.memref_squeeze %dma_start3A_367 : memref<1x10000x64xf32, #tpu.memory_space<hbm>> -> memref<10000x64xf32, #tpu.memory_space<hbm>>
        %dma_start3A_369 = arith.constant 0 : i32
        %dma_start3A_370 = arith.constant 0 : i32
        %dma_start3A_371 = tpu.memref_slice %dma_start3A_368[%dma_start3A_369, %dma_start3A_370] : memref<10000x64xf32, #tpu.memory_space<hbm>> -> memref<10000x64xf32, #tpu.memory_space<hbm>>
        tpu.enqueue_indirect_dma source(%dma_start3A_371 : memref<10000x64xf32, #tpu.memory_space<hbm>>) target(%dma_start3A_361 : memref<128x64xf32, #tpu.memory_space<vmem>>) offsets(%dma_start3A_364 : memref<128xi32, #tpu.memory_space<vmem>>) semaphore(%arg17 : memref<!tpu.dma_semaphore, #tpu.memory_space<semaphore_mem>>)
      } else {
      }
      %mul3A_271 = arith.constant 4 : i32
      %mul3A_272 = arith.muli %mul3A_271, %scan3A_245 : i32
      %add3A_273 = arith.constant 1 : i32
      %add3A_274 = arith.addi %mul3A_272, %add3A_273 : i32
      %dma_wait3A_275 = arith.constant 0 : i32
      %dma_wait3A_276 = arith.constant 1 : i32
      %dma_wait3A_277 = arith.constant 0 : i32
      %dma_wait3A_278 = arith.constant 0 : i32
      %dma_wait3A_279 = tpu.memref_slice %arg11[%dma_wait3A_276, %dma_wait3A_277, %dma_wait3A_278] : memref<4x128x64xf32, #tpu.memory_space<vmem>> -> memref<1x128x64xf32, #tpu.memory_space<vmem>>
      %dma_wait3A_280 = tpu.memref_squeeze %dma_wait3A_279 : memref<1x128x64xf32, #tpu.memory_space<vmem>> -> memref<128x64xf32, #tpu.memory_space<vmem>>
      %dma_wait3A_281 = arith.constant 0 : i32
      %dma_wait3A_282 = tpu.memref_slice %arg9[%dma_wait3A_275, %dma_wait3A_281] : memref<80x128xi32, #tpu.memory_space<vmem>> -> memref<1x128xi32, #tpu.memory_space<vmem>>
      %dma_wait3A_283 = tpu.memref_squeeze %dma_wait3A_282 : memref<1x128xi32, #tpu.memory_space<vmem>> -> memref<128xi32, #tpu.memory_space<vmem>>
      %dma_wait3A_284 = arith.constant 0 : i32
      %dma_wait3A_285 = arith.constant 0 : i32
      %dma_wait3A_286 = tpu.memref_slice %arg2[%arg0, %dma_wait3A_284, %dma_wait3A_285] : memref<2x10000x64xf32, #tpu.memory_space<hbm>> -> memref<1x10000x64xf32, #tpu.memory_space<hbm>>
      %dma_wait3A_287 = tpu.memref_squeeze %dma_wait3A_286 : memref<1x10000x64xf32, #tpu.memory_space<hbm>> -> memref<10000x64xf32, #tpu.memory_space<hbm>>
      %dma_wait3A_288 = arith.constant 0 : i32
      %dma_wait3A_289 = arith.constant 0 : i32
      %dma_wait3A_290 = tpu.memref_slice %dma_wait3A_287[%dma_wait3A_288, %dma_wait3A_289] : memref<10000x64xf32, #tpu.memory_space<hbm>> -> memref<10000x64xf32, #tpu.memory_space<hbm>>
      tpu.wait_indirect_dma semaphore(%arg18 : memref<!tpu.dma_semaphore, #tpu.memory_space<semaphore_mem>>) src(%dma_wait3A_290 : memref<10000x64xf32, #tpu.memory_space<hbm>>) dst(%dma_wait3A_280 : memref<128x64xf32, #tpu.memory_space<vmem>>)
      %run_scoped3A_291 = arith.constant 1 : i32
      "tpu.region"() ({
        %run_scoped3A_355 = tpu.sem_alloc : memref<!tpu.dma_semaphore, #tpu.memory_space<semaphore_mem>>
        %dma_start3A_356 = arith.constant 0 : i32
        %dma_start3A_357 = arith.constant 0 : i32
        %dma_start3A_358 = tpu.memref_slice %arg11[%run_scoped3A_291, %dma_start3A_356, %dma_start3A_357] : memref<4x128x64xf32, #tpu.memory_space<vmem>> -> memref<1x128x64xf32, #tpu.memory_space<vmem>>
        %dma_start3A_359 = tpu.memref_squeeze %dma_start3A_358 : memref<1x128x64xf32, #tpu.memory_space<vmem>> -> memref<128x64xf32, #tpu.memory_space<vmem>>
        %dma_start3A_360 = arith.constant 0 : i32
        %dma_start3A_361 = tpu.memref_slice %arg10[%add3A_274, %dma_start3A_360] : memref<80x128xi32, #tpu.memory_space<vmem>> -> memref<1x128xi32, #tpu.memory_space<vmem>>
        %dma_start3A_362 = tpu.memref_squeeze %dma_start3A_361 : memref<1x128xi32, #tpu.memory_space<vmem>> -> memref<128xi32, #tpu.memory_space<vmem>>
        %dma_start3A_363 = arith.constant 0 : i32
        %dma_start3A_364 = arith.constant 0 : i32
        %dma_start3A_365 = tpu.memref_slice %arg16[%dma_start3A_363, %dma_start3A_364] : memref<10240x64xf32, #tpu.memory_space<vmem_shared>> -> memref<10240x64xf32, #tpu.memory_space<vmem_shared>>
        tpu.enqueue_indirect_dma source(%dma_start3A_359 : memref<128x64xf32, #tpu.memory_space<vmem>>) target(%dma_start3A_365 : memref<10240x64xf32, #tpu.memory_space<vmem_shared>>) offsets(%dma_start3A_362 : memref<128xi32, #tpu.memory_space<vmem>>) semaphore(%run_scoped3A_355 : memref<!tpu.dma_semaphore, #tpu.memory_space<semaphore_mem>>) {add = true}
        %dma_wait3A_366 = arith.constant 0 : i32
        %dma_wait3A_367 = arith.constant 0 : i32
        %dma_wait3A_368 = tpu.memref_slice %arg11[%run_scoped3A_291, %dma_wait3A_366, %dma_wait3A_367] : memref<4x128x64xf32, #tpu.memory_space<vmem>> -> memref<1x128x64xf32, #tpu.memory_space<vmem>>
        %dma_wait3A_369 = tpu.memref_squeeze %dma_wait3A_368 : memref<1x128x64xf32, #tpu.memory_space<vmem>> -> memref<128x64xf32, #tpu.memory_space<vmem>>
        %dma_wait3A_370 = arith.constant 0 : i32
        %dma_wait3A_371 = tpu.memref_slice %arg10[%add3A_274, %dma_wait3A_370] : memref<80x128xi32, #tpu.memory_space<vmem>> -> memref<1x128xi32, #tpu.memory_space<vmem>>
        %dma_wait3A_372 = tpu.memref_squeeze %dma_wait3A_371 : memref<1x128xi32, #tpu.memory_space<vmem>> -> memref<128xi32, #tpu.memory_space<vmem>>
        %dma_wait3A_373 = arith.constant 0 : i32
        %dma_wait3A_374 = arith.constant 0 : i32
        %dma_wait3A_375 = tpu.memref_slice %arg16[%dma_wait3A_373, %dma_wait3A_374] : memref<10240x64xf32, #tpu.memory_space<vmem_shared>> -> memref<10240x64xf32, #tpu.memory_space<vmem_shared>>
        tpu.wait_indirect_dma semaphore(%run_scoped3A_355 : memref<!tpu.dma_semaphore, #tpu.memory_space<semaphore_mem>>) src(%dma_wait3A_369 : memref<128x64xf32, #tpu.memory_space<vmem>>) dst(%dma_wait3A_375 : memref<10240x64xf32, #tpu.memory_space<vmem_shared>>)
        tpu.yield
      }) : () -> ()
      %add3A_292 = arith.constant 4 : i32
      %add3A_293 = arith.addi %add3A_274, %add3A_292 : i32
      %lt3A_294 = arith.constant 80 : i32
      %lt3A_295 = arith.cmpi slt, %add3A_293, %lt3A_294 : i32
      %convert_element_type3A_296 = arith.extui %lt3A_295 : i1 to i32
      %cond3A_297 = arith.constant 0 : i32
      %cond3A_298 = arith.cmpi ne, %convert_element_type3A_296, %cond3A_297 : i32
      scf.if %cond3A_298 {
        %add3A_355 = arith.constant 4 : i32
        %add3A_356 = arith.addi %add3A_274, %add3A_355 : i32
        %dma_start3A_357 = arith.constant 1 : i32
        %dma_start3A_358 = arith.constant 0 : i32
        %dma_start3A_359 = arith.constant 0 : i32
        %dma_start3A_360 = tpu.memref_slice %arg11[%dma_start3A_357, %dma_start3A_358, %dma_start3A_359] : memref<4x128x64xf32, #tpu.memory_space<vmem>> -> memref<1x128x64xf32, #tpu.memory_space<vmem>>
        %dma_start3A_361 = tpu.memref_squeeze %dma_start3A_360 : memref<1x128x64xf32, #tpu.memory_space<vmem>> -> memref<128x64xf32, #tpu.memory_space<vmem>>
        %dma_start3A_362 = arith.constant 0 : i32
        %dma_start3A_363 = tpu.memref_slice %arg9[%add3A_356, %dma_start3A_362] : memref<80x128xi32, #tpu.memory_space<vmem>> -> memref<1x128xi32, #tpu.memory_space<vmem>>
        %dma_start3A_364 = tpu.memref_squeeze %dma_start3A_363 : memref<1x128xi32, #tpu.memory_space<vmem>> -> memref<128xi32, #tpu.memory_space<vmem>>
        %dma_start3A_365 = arith.constant 0 : i32
        %dma_start3A_366 = arith.constant 0 : i32
        %dma_start3A_367 = tpu.memref_slice %arg2[%arg0, %dma_start3A_365, %dma_start3A_366] : memref<2x10000x64xf32, #tpu.memory_space<hbm>> -> memref<1x10000x64xf32, #tpu.memory_space<hbm>>
        %dma_start3A_368 = tpu.memref_squeeze %dma_start3A_367 : memref<1x10000x64xf32, #tpu.memory_space<hbm>> -> memref<10000x64xf32, #tpu.memory_space<hbm>>
        %dma_start3A_369 = arith.constant 0 : i32
        %dma_start3A_370 = arith.constant 0 : i32
        %dma_start3A_371 = tpu.memref_slice %dma_start3A_368[%dma_start3A_369, %dma_start3A_370] : memref<10000x64xf32, #tpu.memory_space<hbm>> -> memref<10000x64xf32, #tpu.memory_space<hbm>>
        tpu.enqueue_indirect_dma source(%dma_start3A_371 : memref<10000x64xf32, #tpu.memory_space<hbm>>) target(%dma_start3A_361 : memref<128x64xf32, #tpu.memory_space<vmem>>) offsets(%dma_start3A_364 : memref<128xi32, #tpu.memory_space<vmem>>) semaphore(%arg18 : memref<!tpu.dma_semaphore, #tpu.memory_space<semaphore_mem>>)
      } else {
      }
      %mul3A_299 = arith.constant 4 : i32
      %mul3A_300 = arith.muli %mul3A_299, %scan3A_245 : i32
      %add3A_301 = arith.constant 2 : i32
      %add3A_302 = arith.addi %mul3A_300, %add3A_301 : i32
      %dma_wait3A_303 = arith.constant 0 : i32
      %dma_wait3A_304 = arith.constant 2 : i32
      %dma_wait3A_305 = arith.constant 0 : i32
      %dma_wait3A_306 = arith.constant 0 : i32
      %dma_wait3A_307 = tpu.memref_slice %arg11[%dma_wait3A_304, %dma_wait3A_305, %dma_wait3A_306] : memref<4x128x64xf32, #tpu.memory_space<vmem>> -> memref<1x128x64xf32, #tpu.memory_space<vmem>>
      %dma_wait3A_308 = tpu.memref_squeeze %dma_wait3A_307 : memref<1x128x64xf32, #tpu.memory_space<vmem>> -> memref<128x64xf32, #tpu.memory_space<vmem>>
      %dma_wait3A_309 = arith.constant 0 : i32
      %dma_wait3A_310 = tpu.memref_slice %arg9[%dma_wait3A_303, %dma_wait3A_309] : memref<80x128xi32, #tpu.memory_space<vmem>> -> memref<1x128xi32, #tpu.memory_space<vmem>>
      %dma_wait3A_311 = tpu.memref_squeeze %dma_wait3A_310 : memref<1x128xi32, #tpu.memory_space<vmem>> -> memref<128xi32, #tpu.memory_space<vmem>>
      %dma_wait3A_312 = arith.constant 0 : i32
      %dma_wait3A_313 = arith.constant 0 : i32
      %dma_wait3A_314 = tpu.memref_slice %arg2[%arg0, %dma_wait3A_312, %dma_wait3A_313] : memref<2x10000x64xf32, #tpu.memory_space<hbm>> -> memref<1x10000x64xf32, #tpu.memory_space<hbm>>
      %dma_wait3A_315 = tpu.memref_squeeze %dma_wait3A_314 : memref<1x10000x64xf32, #tpu.memory_space<hbm>> -> memref<10000x64xf32, #tpu.memory_space<hbm>>
      %dma_wait3A_316 = arith.constant 0 : i32
      %dma_wait3A_317 = arith.constant 0 : i32
      %dma_wait3A_318 = tpu.memref_slice %dma_wait3A_315[%dma_wait3A_316, %dma_wait3A_317] : memref<10000x64xf32, #tpu.memory_space<hbm>> -> memref<10000x64xf32, #tpu.memory_space<hbm>>
      tpu.wait_indirect_dma semaphore(%arg19 : memref<!tpu.dma_semaphore, #tpu.memory_space<semaphore_mem>>) src(%dma_wait3A_318 : memref<10000x64xf32, #tpu.memory_space<hbm>>) dst(%dma_wait3A_308 : memref<128x64xf32, #tpu.memory_space<vmem>>)
      %run_scoped3A_319 = arith.constant 2 : i32
      "tpu.region"() ({
        %run_scoped3A_355 = tpu.sem_alloc : memref<!tpu.dma_semaphore, #tpu.memory_space<semaphore_mem>>
        %dma_start3A_356 = arith.constant 0 : i32
        %dma_start3A_357 = arith.constant 0 : i32
        %dma_start3A_358 = tpu.memref_slice %arg11[%run_scoped3A_319, %dma_start3A_356, %dma_start3A_357] : memref<4x128x64xf32, #tpu.memory_space<vmem>> -> memref<1x128x64xf32, #tpu.memory_space<vmem>>
        %dma_start3A_359 = tpu.memref_squeeze %dma_start3A_358 : memref<1x128x64xf32, #tpu.memory_space<vmem>> -> memref<128x64xf32, #tpu.memory_space<vmem>>
        %dma_start3A_360 = arith.constant 0 : i32
        %dma_start3A_361 = tpu.memref_slice %arg10[%add3A_302, %dma_start3A_360] : memref<80x128xi32, #tpu.memory_space<vmem>> -> memref<1x128xi32, #tpu.memory_space<vmem>>
        %dma_start3A_362 = tpu.memref_squeeze %dma_start3A_361 : memref<1x128xi32, #tpu.memory_space<vmem>> -> memref<128xi32, #tpu.memory_space<vmem>>
        %dma_start3A_363 = arith.constant 0 : i32
        %dma_start3A_364 = arith.constant 0 : i32
        %dma_start3A_365 = tpu.memref_slice %arg16[%dma_start3A_363, %dma_start3A_364] : memref<10240x64xf32, #tpu.memory_space<vmem_shared>> -> memref<10240x64xf32, #tpu.memory_space<vmem_shared>>
        tpu.enqueue_indirect_dma source(%dma_start3A_359 : memref<128x64xf32, #tpu.memory_space<vmem>>) target(%dma_start3A_365 : memref<10240x64xf32, #tpu.memory_space<vmem_shared>>) offsets(%dma_start3A_362 : memref<128xi32, #tpu.memory_space<vmem>>) semaphore(%run_scoped3A_355 : memref<!tpu.dma_semaphore, #tpu.memory_space<semaphore_mem>>) {add = true}
        %dma_wait3A_366 = arith.constant 0 : i32
        %dma_wait3A_367 = arith.constant 0 : i32
        %dma_wait3A_368 = tpu.memref_slice %arg11[%run_scoped3A_319, %dma_wait3A_366, %dma_wait3A_367] : memref<4x128x64xf32, #tpu.memory_space<vmem>> -> memref<1x128x64xf32, #tpu.memory_space<vmem>>
        %dma_wait3A_369 = tpu.memref_squeeze %dma_wait3A_368 : memref<1x128x64xf32, #tpu.memory_space<vmem>> -> memref<128x64xf32, #tpu.memory_space<vmem>>
        %dma_wait3A_370 = arith.constant 0 : i32
        %dma_wait3A_371 = tpu.memref_slice %arg10[%add3A_302, %dma_wait3A_370] : memref<80x128xi32, #tpu.memory_space<vmem>> -> memref<1x128xi32, #tpu.memory_space<vmem>>
        %dma_wait3A_372 = tpu.memref_squeeze %dma_wait3A_371 : memref<1x128xi32, #tpu.memory_space<vmem>> -> memref<128xi32, #tpu.memory_space<vmem>>
        %dma_wait3A_373 = arith.constant 0 : i32
        %dma_wait3A_374 = arith.constant 0 : i32
        %dma_wait3A_375 = tpu.memref_slice %arg16[%dma_wait3A_373, %dma_wait3A_374] : memref<10240x64xf32, #tpu.memory_space<vmem_shared>> -> memref<10240x64xf32, #tpu.memory_space<vmem_shared>>
        tpu.wait_indirect_dma semaphore(%run_scoped3A_355 : memref<!tpu.dma_semaphore, #tpu.memory_space<semaphore_mem>>) src(%dma_wait3A_369 : memref<128x64xf32, #tpu.memory_space<vmem>>) dst(%dma_wait3A_375 : memref<10240x64xf32, #tpu.memory_space<vmem_shared>>)
        tpu.yield
      }) : () -> ()
      %add3A_320 = arith.constant 4 : i32
      %add3A_321 = arith.addi %add3A_302, %add3A_320 : i32
      %lt3A_322 = arith.constant 80 : i32
      %lt3A_323 = arith.cmpi slt, %add3A_321, %lt3A_322 : i32
      %convert_element_type3A_324 = arith.extui %lt3A_323 : i1 to i32
      %cond3A_325 = arith.constant 0 : i32
      %cond3A_326 = arith.cmpi ne, %convert_element_type3A_324, %cond3A_325 : i32
      scf.if %cond3A_326 {
        %add3A_355 = arith.constant 4 : i32
        %add3A_356 = arith.addi %add3A_302, %add3A_355 : i32
        %dma_start3A_357 = arith.constant 2 : i32
        %dma_start3A_358 = arith.constant 0 : i32
        %dma_start3A_359 = arith.constant 0 : i32
        %dma_start3A_360 = tpu.memref_slice %arg11[%dma_start3A_357, %dma_start3A_358, %dma_start3A_359] : memref<4x128x64xf32, #tpu.memory_space<vmem>> -> memref<1x128x64xf32, #tpu.memory_space<vmem>>
        %dma_start3A_361 = tpu.memref_squeeze %dma_start3A_360 : memref<1x128x64xf32, #tpu.memory_space<vmem>> -> memref<128x64xf32, #tpu.memory_space<vmem>>
        %dma_start3A_362 = arith.constant 0 : i32
        %dma_start3A_363 = tpu.memref_slice %arg9[%add3A_356, %dma_start3A_362] : memref<80x128xi32, #tpu.memory_space<vmem>> -> memref<1x128xi32, #tpu.memory_space<vmem>>
        %dma_start3A_364 = tpu.memref_squeeze %dma_start3A_363 : memref<1x128xi32, #tpu.memory_space<vmem>> -> memref<128xi32, #tpu.memory_space<vmem>>
        %dma_start3A_365 = arith.constant 0 : i32
        %dma_start3A_366 = arith.constant 0 : i32
        %dma_start3A_367 = tpu.memref_slice %arg2[%arg0, %dma_start3A_365, %dma_start3A_366] : memref<2x10000x64xf32, #tpu.memory_space<hbm>> -> memref<1x10000x64xf32, #tpu.memory_space<hbm>>
        %dma_start3A_368 = tpu.memref_squeeze %dma_start3A_367 : memref<1x10000x64xf32, #tpu.memory_space<hbm>> -> memref<10000x64xf32, #tpu.memory_space<hbm>>
        %dma_start3A_369 = arith.constant 0 : i32
        %dma_start3A_370 = arith.constant 0 : i32
        %dma_start3A_371 = tpu.memref_slice %dma_start3A_368[%dma_start3A_369, %dma_start3A_370] : memref<10000x64xf32, #tpu.memory_space<hbm>> -> memref<10000x64xf32, #tpu.memory_space<hbm>>
        tpu.enqueue_indirect_dma source(%dma_start3A_371 : memref<10000x64xf32, #tpu.memory_space<hbm>>) target(%dma_start3A_361 : memref<128x64xf32, #tpu.memory_space<vmem>>) offsets(%dma_start3A_364 : memref<128xi32, #tpu.memory_space<vmem>>) semaphore(%arg19 : memref<!tpu.dma_semaphore, #tpu.memory_space<semaphore_mem>>)
      } else {
      }
      %mul3A_327 = arith.constant 4 : i32
      %mul3A_328 = arith.muli %mul3A_327, %scan3A_245 : i32
      %add3A_329 = arith.constant 3 : i32
      %add3A_330 = arith.addi %mul3A_328, %add3A_329 : i32
      %dma_wait3A_331 = arith.constant 0 : i32
      %dma_wait3A_332 = arith.constant 3 : i32
      %dma_wait3A_333 = arith.constant 0 : i32
      %dma_wait3A_334 = arith.constant 0 : i32
      %dma_wait3A_335 = tpu.memref_slice %arg11[%dma_wait3A_332, %dma_wait3A_333, %dma_wait3A_334] : memref<4x128x64xf32, #tpu.memory_space<vmem>> -> memref<1x128x64xf32, #tpu.memory_space<vmem>>
      %dma_wait3A_336 = tpu.memref_squeeze %dma_wait3A_335 : memref<1x128x64xf32, #tpu.memory_space<vmem>> -> memref<128x64xf32, #tpu.memory_space<vmem>>
      %dma_wait3A_337 = arith.constant 0 : i32
      %dma_wait3A_338 = tpu.memref_slice %arg9[%dma_wait3A_331, %dma_wait3A_337] : memref<80x128xi32, #tpu.memory_space<vmem>> -> memref<1x128xi32, #tpu.memory_space<vmem>>
      %dma_wait3A_339 = tpu.memref_squeeze %dma_wait3A_338 : memref<1x128xi32, #tpu.memory_space<vmem>> -> memref<128xi32, #tpu.memory_space<vmem>>
      %dma_wait3A_340 = arith.constant 0 : i32
      %dma_wait3A_341 = arith.constant 0 : i32
      %dma_wait3A_342 = tpu.memref_slice %arg2[%arg0, %dma_wait3A_340, %dma_wait3A_341] : memref<2x10000x64xf32, #tpu.memory_space<hbm>> -> memref<1x10000x64xf32, #tpu.memory_space<hbm>>
      %dma_wait3A_343 = tpu.memref_squeeze %dma_wait3A_342 : memref<1x10000x64xf32, #tpu.memory_space<hbm>> -> memref<10000x64xf32, #tpu.memory_space<hbm>>
      %dma_wait3A_344 = arith.constant 0 : i32
      %dma_wait3A_345 = arith.constant 0 : i32
      %dma_wait3A_346 = tpu.memref_slice %dma_wait3A_343[%dma_wait3A_344, %dma_wait3A_345] : memref<10000x64xf32, #tpu.memory_space<hbm>> -> memref<10000x64xf32, #tpu.memory_space<hbm>>
      tpu.wait_indirect_dma semaphore(%arg20 : memref<!tpu.dma_semaphore, #tpu.memory_space<semaphore_mem>>) src(%dma_wait3A_346 : memref<10000x64xf32, #tpu.memory_space<hbm>>) dst(%dma_wait3A_336 : memref<128x64xf32, #tpu.memory_space<vmem>>)
      %run_scoped3A_347 = arith.constant 3 : i32
      "tpu.region"() ({
        %run_scoped3A_355 = tpu.sem_alloc : memref<!tpu.dma_semaphore, #tpu.memory_space<semaphore_mem>>
        %dma_start3A_356 = arith.constant 0 : i32
        %dma_start3A_357 = arith.constant 0 : i32
        %dma_start3A_358 = tpu.memref_slice %arg11[%run_scoped3A_347, %dma_start3A_356, %dma_start3A_357] : memref<4x128x64xf32, #tpu.memory_space<vmem>> -> memref<1x128x64xf32, #tpu.memory_space<vmem>>
        %dma_start3A_359 = tpu.memref_squeeze %dma_start3A_358 : memref<1x128x64xf32, #tpu.memory_space<vmem>> -> memref<128x64xf32, #tpu.memory_space<vmem>>
        %dma_start3A_360 = arith.constant 0 : i32
        %dma_start3A_361 = tpu.memref_slice %arg10[%add3A_330, %dma_start3A_360] : memref<80x128xi32, #tpu.memory_space<vmem>> -> memref<1x128xi32, #tpu.memory_space<vmem>>
        %dma_start3A_362 = tpu.memref_squeeze %dma_start3A_361 : memref<1x128xi32, #tpu.memory_space<vmem>> -> memref<128xi32, #tpu.memory_space<vmem>>
        %dma_start3A_363 = arith.constant 0 : i32
        %dma_start3A_364 = arith.constant 0 : i32
        %dma_start3A_365 = tpu.memref_slice %arg16[%dma_start3A_363, %dma_start3A_364] : memref<10240x64xf32, #tpu.memory_space<vmem_shared>> -> memref<10240x64xf32, #tpu.memory_space<vmem_shared>>
        tpu.enqueue_indirect_dma source(%dma_start3A_359 : memref<128x64xf32, #tpu.memory_space<vmem>>) target(%dma_start3A_365 : memref<10240x64xf32, #tpu.memory_space<vmem_shared>>) offsets(%dma_start3A_362 : memref<128xi32, #tpu.memory_space<vmem>>) semaphore(%run_scoped3A_355 : memref<!tpu.dma_semaphore, #tpu.memory_space<semaphore_mem>>) {add = true}
        %dma_wait3A_366 = arith.constant 0 : i32
        %dma_wait3A_367 = arith.constant 0 : i32
        %dma_wait3A_368 = tpu.memref_slice %arg11[%run_scoped3A_347, %dma_wait3A_366, %dma_wait3A_367] : memref<4x128x64xf32, #tpu.memory_space<vmem>> -> memref<1x128x64xf32, #tpu.memory_space<vmem>>
        %dma_wait3A_369 = tpu.memref_squeeze %dma_wait3A_368 : memref<1x128x64xf32, #tpu.memory_space<vmem>> -> memref<128x64xf32, #tpu.memory_space<vmem>>
        %dma_wait3A_370 = arith.constant 0 : i32
        %dma_wait3A_371 = tpu.memref_slice %arg10[%add3A_330, %dma_wait3A_370] : memref<80x128xi32, #tpu.memory_space<vmem>> -> memref<1x128xi32, #tpu.memory_space<vmem>>
        %dma_wait3A_372 = tpu.memref_squeeze %dma_wait3A_371 : memref<1x128xi32, #tpu.memory_space<vmem>> -> memref<128xi32, #tpu.memory_space<vmem>>
        %dma_wait3A_373 = arith.constant 0 : i32
        %dma_wait3A_374 = arith.constant 0 : i32
        %dma_wait3A_375 = tpu.memref_slice %arg16[%dma_wait3A_373, %dma_wait3A_374] : memref<10240x64xf32, #tpu.memory_space<vmem_shared>> -> memref<10240x64xf32, #tpu.memory_space<vmem_shared>>
        tpu.wait_indirect_dma semaphore(%run_scoped3A_355 : memref<!tpu.dma_semaphore, #tpu.memory_space<semaphore_mem>>) src(%dma_wait3A_369 : memref<128x64xf32, #tpu.memory_space<vmem>>) dst(%dma_wait3A_375 : memref<10240x64xf32, #tpu.memory_space<vmem_shared>>)
        tpu.yield
      }) : () -> ()
      %add3A_348 = arith.constant 4 : i32
      %add3A_349 = arith.addi %add3A_330, %add3A_348 : i32
      %lt3A_350 = arith.constant 80 : i32
      %lt3A_351 = arith.cmpi slt, %add3A_349, %lt3A_350 : i32
      %convert_element_type3A_352 = arith.extui %lt3A_351 : i1 to i32
      %cond3A_353 = arith.constant 0 : i32
      %cond3A_354 = arith.cmpi ne, %convert_element_type3A_352, %cond3A_353 : i32
      scf.if %cond3A_354 {
        %add3A_355 = arith.constant 4 : i32
        %add3A_356 = arith.addi %add3A_330, %add3A_355 : i32
        %dma_start3A_357 = arith.constant 3 : i32
        %dma_start3A_358 = arith.constant 0 : i32
        %dma_start3A_359 = arith.constant 0 : i32
        %dma_start3A_360 = tpu.memref_slice %arg11[%dma_start3A_357, %dma_start3A_358, %dma_start3A_359] : memref<4x128x64xf32, #tpu.memory_space<vmem>> -> memref<1x128x64xf32, #tpu.memory_space<vmem>>
        %dma_start3A_361 = tpu.memref_squeeze %dma_start3A_360 : memref<1x128x64xf32, #tpu.memory_space<vmem>> -> memref<128x64xf32, #tpu.memory_space<vmem>>
        %dma_start3A_362 = arith.constant 0 : i32
        %dma_start3A_363 = tpu.memref_slice %arg9[%add3A_356, %dma_start3A_362] : memref<80x128xi32, #tpu.memory_space<vmem>> -> memref<1x128xi32, #tpu.memory_space<vmem>>
        %dma_start3A_364 = tpu.memref_squeeze %dma_start3A_363 : memref<1x128xi32, #tpu.memory_space<vmem>> -> memref<128xi32, #tpu.memory_space<vmem>>
        %dma_start3A_365 = arith.constant 0 : i32
        %dma_start3A_366 = arith.constant 0 : i32
        %dma_start3A_367 = tpu.memref_slice %arg2[%arg0, %dma_start3A_365, %dma_start3A_366] : memref<2x10000x64xf32, #tpu.memory_space<hbm>> -> memref<1x10000x64xf32, #tpu.memory_space<hbm>>
        %dma_start3A_368 = tpu.memref_squeeze %dma_start3A_367 : memref<1x10000x64xf32, #tpu.memory_space<hbm>> -> memref<10000x64xf32, #tpu.memory_space<hbm>>
        %dma_start3A_369 = arith.constant 0 : i32
        %dma_start3A_370 = arith.constant 0 : i32
        %dma_start3A_371 = tpu.memref_slice %dma_start3A_368[%dma_start3A_369, %dma_start3A_370] : memref<10000x64xf32, #tpu.memory_space<hbm>> -> memref<10000x64xf32, #tpu.memory_space<hbm>>
        tpu.enqueue_indirect_dma source(%dma_start3A_371 : memref<10000x64xf32, #tpu.memory_space<hbm>>) target(%dma_start3A_361 : memref<128x64xf32, #tpu.memory_space<vmem>>) offsets(%dma_start3A_364 : memref<128xi32, #tpu.memory_space<vmem>>) semaphore(%arg20 : memref<!tpu.dma_semaphore, #tpu.memory_space<semaphore_mem>>)
      } else {
      }
    }
    %scan3A_97 = arith.constant 20 : i32
    %run_scoped3A_98 = arith.constant 1 : i32
    "tpu.region"() ({
      %run_scoped3A_245 = tpu.sem_alloc : memref<!tpu.dma_semaphore, #tpu.memory_space<semaphore_mem>>
      %dma_start3A_246 = arith.constant 0 : i32
      %dma_start3A_247 = arith.constant 0 : i32
      %dma_start3A_248 = tpu.memref_slice %arg3[%arg1, %run_scoped3A_98, %dma_start3A_246, %dma_start3A_247] : memref<16x2x80x128xi32, #tpu.memory_space<hbm>> -> memref<1x1x80x128xi32, #tpu.memory_space<hbm>>
      %dma_start3A_249 = tpu.memref_squeeze %dma_start3A_248 : memref<1x1x80x128xi32, #tpu.memory_space<hbm>> -> memref<80x128xi32, #tpu.memory_space<hbm>>
      %dma_start3A_250 = arith.constant 0 : i32
      %dma_start3A_251 = arith.constant 0 : i32
      %dma_start3A_252 = tpu.memref_slice %arg3[%arg1, %run_scoped3A_98, %dma_start3A_250, %dma_start3A_251] : memref<16x2x80x128xi32, #tpu.memory_space<hbm>> -> memref<1x1x80x128xi32, #tpu.memory_space<hbm>>
      %dma_start3A_253 = tpu.memref_squeeze %dma_start3A_252 : memref<1x1x80x128xi32, #tpu.memory_space<hbm>> -> memref<80x128xi32, #tpu.memory_space<hbm>>
      tpu.enqueue_dma source(%dma_start3A_253 : memref<80x128xi32, #tpu.memory_space<hbm>>) target(%arg9 : memref<80x128xi32, #tpu.memory_space<vmem>>) target_semaphore(%run_scoped3A_245 : memref<!tpu.dma_semaphore, #tpu.memory_space<semaphore_mem>>)
      %dma_wait3A_254 = arith.constant 0 : i32
      %dma_wait3A_255 = arith.constant 0 : i32
      %dma_wait3A_256 = tpu.memref_slice %arg3[%arg1, %run_scoped3A_98, %dma_wait3A_254, %dma_wait3A_255] : memref<16x2x80x128xi32, #tpu.memory_space<hbm>> -> memref<1x1x80x128xi32, #tpu.memory_space<hbm>>
      %dma_wait3A_257 = tpu.memref_squeeze %dma_wait3A_256 : memref<1x1x80x128xi32, #tpu.memory_space<hbm>> -> memref<80x128xi32, #tpu.memory_space<hbm>>
      %dma_wait3A_258 = arith.constant 0 : i32
      %dma_wait3A_259 = arith.constant 0 : i32
      %dma_wait3A_260 = tpu.memref_slice %arg3[%arg1, %run_scoped3A_98, %dma_wait3A_258, %dma_wait3A_259] : memref<16x2x80x128xi32, #tpu.memory_space<hbm>> -> memref<1x1x80x128xi32, #tpu.memory_space<hbm>>
      %dma_wait3A_261 = tpu.memref_squeeze %dma_wait3A_260 : memref<1x1x80x128xi32, #tpu.memory_space<hbm>> -> memref<80x128xi32, #tpu.memory_space<hbm>>
      tpu.wait_dma2 semaphore(%run_scoped3A_245 : memref<!tpu.dma_semaphore, #tpu.memory_space<semaphore_mem>>) src(%dma_wait3A_261 : memref<80x128xi32, #tpu.memory_space<hbm>>) dst(%arg9 : memref<80x128xi32, #tpu.memory_space<vmem>>)
      tpu.yield
    }) : () -> ()
    %run_scoped3A_99 = arith.constant 1 : i32
    "tpu.region"() ({
      %run_scoped3A_245 = tpu.sem_alloc : memref<!tpu.dma_semaphore, #tpu.memory_space<semaphore_mem>>
      %dma_start3A_246 = arith.constant 0 : i32
      %dma_start3A_247 = arith.constant 0 : i32
      %dma_start3A_248 = tpu.memref_slice %arg4[%arg1, %run_scoped3A_99, %dma_start3A_246, %dma_start3A_247] : memref<16x2x80x128xi32, #tpu.memory_space<hbm>> -> memref<1x1x80x128xi32, #tpu.memory_space<hbm>>
      %dma_start3A_249 = tpu.memref_squeeze %dma_start3A_248 : memref<1x1x80x128xi32, #tpu.memory_space<hbm>> -> memref<80x128xi32, #tpu.memory_space<hbm>>
      %dma_start3A_250 = arith.constant 0 : i32
      %dma_start3A_251 = arith.constant 0 : i32
      %dma_start3A_252 = tpu.memref_slice %arg4[%arg1, %run_scoped3A_99, %dma_start3A_250, %dma_start3A_251] : memref<16x2x80x128xi32, #tpu.memory_space<hbm>> -> memref<1x1x80x128xi32, #tpu.memory_space<hbm>>
      %dma_start3A_253 = tpu.memref_squeeze %dma_start3A_252 : memref<1x1x80x128xi32, #tpu.memory_space<hbm>> -> memref<80x128xi32, #tpu.memory_space<hbm>>
      tpu.enqueue_dma source(%dma_start3A_253 : memref<80x128xi32, #tpu.memory_space<hbm>>) target(%arg10 : memref<80x128xi32, #tpu.memory_space<vmem>>) target_semaphore(%run_scoped3A_245 : memref<!tpu.dma_semaphore, #tpu.memory_space<semaphore_mem>>)
      %dma_wait3A_254 = arith.constant 0 : i32
      %dma_wait3A_255 = arith.constant 0 : i32
      %dma_wait3A_256 = tpu.memref_slice %arg4[%arg1, %run_scoped3A_99, %dma_wait3A_254, %dma_wait3A_255] : memref<16x2x80x128xi32, #tpu.memory_space<hbm>> -> memref<1x1x80x128xi32, #tpu.memory_space<hbm>>
      %dma_wait3A_257 = tpu.memref_squeeze %dma_wait3A_256 : memref<1x1x80x128xi32, #tpu.memory_space<hbm>> -> memref<80x128xi32, #tpu.memory_space<hbm>>
      %dma_wait3A_258 = arith.constant 0 : i32
      %dma_wait3A_259 = arith.constant 0 : i32
      %dma_wait3A_260 = tpu.memref_slice %arg4[%arg1, %run_scoped3A_99, %dma_wait3A_258, %dma_wait3A_259] : memref<16x2x80x128xi32, #tpu.memory_space<hbm>> -> memref<1x1x80x128xi32, #tpu.memory_space<hbm>>
      %dma_wait3A_261 = tpu.memref_squeeze %dma_wait3A_260 : memref<1x1x80x128xi32, #tpu.memory_space<hbm>> -> memref<80x128xi32, #tpu.memory_space<hbm>>
      tpu.wait_dma2 semaphore(%run_scoped3A_245 : memref<!tpu.dma_semaphore, #tpu.memory_space<semaphore_mem>>) src(%dma_wait3A_261 : memref<80x128xi32, #tpu.memory_space<hbm>>) dst(%arg10 : memref<80x128xi32, #tpu.memory_space<vmem>>)
      tpu.yield
    }) : () -> ()
    %dma_start3A_100 = arith.constant 0 : i32
    %dma_start3A_101 = arith.constant 0 : i32
    %dma_start3A_102 = arith.constant 0 : i32
    %dma_start3A_103 = arith.constant 0 : i32
    %dma_start3A_104 = tpu.memref_slice %arg11[%dma_start3A_101, %dma_start3A_102, %dma_start3A_103] : memref<4x128x64xf32, #tpu.memory_space<vmem>> -> memref<1x128x64xf32, #tpu.memory_space<vmem>>
    %dma_start3A_105 = tpu.memref_squeeze %dma_start3A_104 : memref<1x128x64xf32, #tpu.memory_space<vmem>> -> memref<128x64xf32, #tpu.memory_space<vmem>>
    %dma_start3A_106 = arith.constant 0 : i32
    %dma_start3A_107 = tpu.memref_slice %arg9[%dma_start3A_100, %dma_start3A_106] : memref<80x128xi32, #tpu.memory_space<vmem>> -> memref<1x128xi32, #tpu.memory_space<vmem>>
    %dma_start3A_108 = tpu.memref_squeeze %dma_start3A_107 : memref<1x128xi32, #tpu.memory_space<vmem>> -> memref<128xi32, #tpu.memory_space<vmem>>
    %dma_start3A_109 = arith.constant 0 : i32
    %dma_start3A_110 = arith.constant 0 : i32
    %dma_start3A_111 = tpu.memref_slice %arg2[%arg0, %dma_start3A_109, %dma_start3A_110] : memref<2x10000x64xf32, #tpu.memory_space<hbm>> -> memref<1x10000x64xf32, #tpu.memory_space<hbm>>
    %dma_start3A_112 = tpu.memref_squeeze %dma_start3A_111 : memref<1x10000x64xf32, #tpu.memory_space<hbm>> -> memref<10000x64xf32, #tpu.memory_space<hbm>>
    %dma_start3A_113 = arith.constant 0 : i32
    %dma_start3A_114 = arith.constant 0 : i32
    %dma_start3A_115 = tpu.memref_slice %dma_start3A_112[%dma_start3A_113, %dma_start3A_114] : memref<10000x64xf32, #tpu.memory_space<hbm>> -> memref<10000x64xf32, #tpu.memory_space<hbm>>
    tpu.enqueue_indirect_dma source(%dma_start3A_115 : memref<10000x64xf32, #tpu.memory_space<hbm>>) target(%dma_start3A_105 : memref<128x64xf32, #tpu.memory_space<vmem>>) offsets(%dma_start3A_108 : memref<128xi32, #tpu.memory_space<vmem>>) semaphore(%arg17 : memref<!tpu.dma_semaphore, #tpu.memory_space<semaphore_mem>>)
    %dma_start3A_116 = arith.constant 1 : i32
    %dma_start3A_117 = arith.constant 1 : i32
    %dma_start3A_118 = arith.constant 0 : i32
    %dma_start3A_119 = arith.constant 0 : i32
    %dma_start3A_120 = tpu.memref_slice %arg11[%dma_start3A_117, %dma_start3A_118, %dma_start3A_119] : memref<4x128x64xf32, #tpu.memory_space<vmem>> -> memref<1x128x64xf32, #tpu.memory_space<vmem>>
    %dma_start3A_121 = tpu.memref_squeeze %dma_start3A_120 : memref<1x128x64xf32, #tpu.memory_space<vmem>> -> memref<128x64xf32, #tpu.memory_space<vmem>>
    %dma_start3A_122 = arith.constant 0 : i32
    %dma_start3A_123 = tpu.memref_slice %arg9[%dma_start3A_116, %dma_start3A_122] : memref<80x128xi32, #tpu.memory_space<vmem>> -> memref<1x128xi32, #tpu.memory_space<vmem>>
    %dma_start3A_124 = tpu.memref_squeeze %dma_start3A_123 : memref<1x128xi32, #tpu.memory_space<vmem>> -> memref<128xi32, #tpu.memory_space<vmem>>
    %dma_start3A_125 = arith.constant 0 : i32
    %dma_start3A_126 = arith.constant 0 : i32
    %dma_start3A_127 = tpu.memref_slice %arg2[%arg0, %dma_start3A_125, %dma_start3A_126] : memref<2x10000x64xf32, #tpu.memory_space<hbm>> -> memref<1x10000x64xf32, #tpu.memory_space<hbm>>
    %dma_start3A_128 = tpu.memref_squeeze %dma_start3A_127 : memref<1x10000x64xf32, #tpu.memory_space<hbm>> -> memref<10000x64xf32, #tpu.memory_space<hbm>>
    %dma_start3A_129 = arith.constant 0 : i32
    %dma_start3A_130 = arith.constant 0 : i32
    %dma_start3A_131 = tpu.memref_slice %dma_start3A_128[%dma_start3A_129, %dma_start3A_130] : memref<10000x64xf32, #tpu.memory_space<hbm>> -> memref<10000x64xf32, #tpu.memory_space<hbm>>
    tpu.enqueue_indirect_dma source(%dma_start3A_131 : memref<10000x64xf32, #tpu.memory_space<hbm>>) target(%dma_start3A_121 : memref<128x64xf32, #tpu.memory_space<vmem>>) offsets(%dma_start3A_124 : memref<128xi32, #tpu.memory_space<vmem>>) semaphore(%arg18 : memref<!tpu.dma_semaphore, #tpu.memory_space<semaphore_mem>>)
    %dma_start3A_132 = arith.constant 2 : i32
    %dma_start3A_133 = arith.constant 2 : i32
    %dma_start3A_134 = arith.constant 0 : i32
    %dma_start3A_135 = arith.constant 0 : i32
    %dma_start3A_136 = tpu.memref_slice %arg11[%dma_start3A_133, %dma_start3A_134, %dma_start3A_135] : memref<4x128x64xf32, #tpu.memory_space<vmem>> -> memref<1x128x64xf32, #tpu.memory_space<vmem>>
    %dma_start3A_137 = tpu.memref_squeeze %dma_start3A_136 : memref<1x128x64xf32, #tpu.memory_space<vmem>> -> memref<128x64xf32, #tpu.memory_space<vmem>>
    %dma_start3A_138 = arith.constant 0 : i32
    %dma_start3A_139 = tpu.memref_slice %arg9[%dma_start3A_132, %dma_start3A_138] : memref<80x128xi32, #tpu.memory_space<vmem>> -> memref<1x128xi32, #tpu.memory_space<vmem>>
    %dma_start3A_140 = tpu.memref_squeeze %dma_start3A_139 : memref<1x128xi32, #tpu.memory_space<vmem>> -> memref<128xi32, #tpu.memory_space<vmem>>
    %dma_start3A_141 = arith.constant 0 : i32
    %dma_start3A_142 = arith.constant 0 : i32
    %dma_start3A_143 = tpu.memref_slice %arg2[%arg0, %dma_start3A_141, %dma_start3A_142] : memref<2x10000x64xf32, #tpu.memory_space<hbm>> -> memref<1x10000x64xf32, #tpu.memory_space<hbm>>
    %dma_start3A_144 = tpu.memref_squeeze %dma_start3A_143 : memref<1x10000x64xf32, #tpu.memory_space<hbm>> -> memref<10000x64xf32, #tpu.memory_space<hbm>>
    %dma_start3A_145 = arith.constant 0 : i32
    %dma_start3A_146 = arith.constant 0 : i32
    %dma_start3A_147 = tpu.memref_slice %dma_start3A_144[%dma_start3A_145, %dma_start3A_146] : memref<10000x64xf32, #tpu.memory_space<hbm>> -> memref<10000x64xf32, #tpu.memory_space<hbm>>
    tpu.enqueue_indirect_dma source(%dma_start3A_147 : memref<10000x64xf32, #tpu.memory_space<hbm>>) target(%dma_start3A_137 : memref<128x64xf32, #tpu.memory_space<vmem>>) offsets(%dma_start3A_140 : memref<128xi32, #tpu.memory_space<vmem>>) semaphore(%arg19 : memref<!tpu.dma_semaphore, #tpu.memory_space<semaphore_mem>>)
    %dma_start3A_148 = arith.constant 3 : i32
    %dma_start3A_149 = arith.constant 3 : i32
    %dma_start3A_150 = arith.constant 0 : i32
    %dma_start3A_151 = arith.constant 0 : i32
    %dma_start3A_152 = tpu.memref_slice %arg11[%dma_start3A_149, %dma_start3A_150, %dma_start3A_151] : memref<4x128x64xf32, #tpu.memory_space<vmem>> -> memref<1x128x64xf32, #tpu.memory_space<vmem>>
    %dma_start3A_153 = tpu.memref_squeeze %dma_start3A_152 : memref<1x128x64xf32, #tpu.memory_space<vmem>> -> memref<128x64xf32, #tpu.memory_space<vmem>>
    %dma_start3A_154 = arith.constant 0 : i32
    %dma_start3A_155 = tpu.memref_slice %arg9[%dma_start3A_148, %dma_start3A_154] : memref<80x128xi32, #tpu.memory_space<vmem>> -> memref<1x128xi32, #tpu.memory_space<vmem>>
    %dma_start3A_156 = tpu.memref_squeeze %dma_start3A_155 : memref<1x128xi32, #tpu.memory_space<vmem>> -> memref<128xi32, #tpu.memory_space<vmem>>
    %dma_start3A_157 = arith.constant 0 : i32
    %dma_start3A_158 = arith.constant 0 : i32
    %dma_start3A_159 = tpu.memref_slice %arg2[%arg0, %dma_start3A_157, %dma_start3A_158] : memref<2x10000x64xf32, #tpu.memory_space<hbm>> -> memref<1x10000x64xf32, #tpu.memory_space<hbm>>
    %dma_start3A_160 = tpu.memref_squeeze %dma_start3A_159 : memref<1x10000x64xf32, #tpu.memory_space<hbm>> -> memref<10000x64xf32, #tpu.memory_space<hbm>>
    %dma_start3A_161 = arith.constant 0 : i32
    %dma_start3A_162 = arith.constant 0 : i32
    %dma_start3A_163 = tpu.memref_slice %dma_start3A_160[%dma_start3A_161, %dma_start3A_162] : memref<10000x64xf32, #tpu.memory_space<hbm>> -> memref<10000x64xf32, #tpu.memory_space<hbm>>
    tpu.enqueue_indirect_dma source(%dma_start3A_163 : memref<10000x64xf32, #tpu.memory_space<hbm>>) target(%dma_start3A_153 : memref<128x64xf32, #tpu.memory_space<vmem>>) offsets(%dma_start3A_156 : memref<128xi32, #tpu.memory_space<vmem>>) semaphore(%arg20 : memref<!tpu.dma_semaphore, #tpu.memory_space<semaphore_mem>>)
    %scan3A_164 = arith.constant 0 : i32
    %scan3A_165 = arith.constant 0 : i32
    %scan3A_166 = arith.constant 20 : i32
    %scan3A_167 = arith.addi %scan3A_165, %scan3A_166 : i32
    %scan3A_168 = arith.constant 1 : i32
    scf.for %scan3A_245 = %scan3A_165 to %scan3A_167 step %scan3A_168  : i32 {
      %mul3A_246 = arith.constant 4 : i32
      %mul3A_247 = arith.muli %mul3A_246, %scan3A_245 : i32
      %add3A_248 = arith.constant 0 : i32
      %add3A_249 = arith.addi %mul3A_247, %add3A_248 : i32
      %dma_wait3A_250 = arith.constant 0 : i32
      %dma_wait3A_251 = arith.constant 0 : i32
      %dma_wait3A_252 = arith.constant 0 : i32
      %dma_wait3A_253 = arith.constant 0 : i32
      %dma_wait3A_254 = tpu.memref_slice %arg11[%dma_wait3A_251, %dma_wait3A_252, %dma_wait3A_253] : memref<4x128x64xf32, #tpu.memory_space<vmem>> -> memref<1x128x64xf32, #tpu.memory_space<vmem>>
      %dma_wait3A_255 = tpu.memref_squeeze %dma_wait3A_254 : memref<1x128x64xf32, #tpu.memory_space<vmem>> -> memref<128x64xf32, #tpu.memory_space<vmem>>
      %dma_wait3A_256 = arith.constant 0 : i32
      %dma_wait3A_257 = tpu.memref_slice %arg9[%dma_wait3A_250, %dma_wait3A_256] : memref<80x128xi32, #tpu.memory_space<vmem>> -> memref<1x128xi32, #tpu.memory_space<vmem>>
      %dma_wait3A_258 = tpu.memref_squeeze %dma_wait3A_257 : memref<1x128xi32, #tpu.memory_space<vmem>> -> memref<128xi32, #tpu.memory_space<vmem>>
      %dma_wait3A_259 = arith.constant 0 : i32
      %dma_wait3A_260 = arith.constant 0 : i32
      %dma_wait3A_261 = tpu.memref_slice %arg2[%arg0, %dma_wait3A_259, %dma_wait3A_260] : memref<2x10000x64xf32, #tpu.memory_space<hbm>> -> memref<1x10000x64xf32, #tpu.memory_space<hbm>>
      %dma_wait3A_262 = tpu.memref_squeeze %dma_wait3A_261 : memref<1x10000x64xf32, #tpu.memory_space<hbm>> -> memref<10000x64xf32, #tpu.memory_space<hbm>>
      %dma_wait3A_263 = arith.constant 0 : i32
      %dma_wait3A_264 = arith.constant 0 : i32
      %dma_wait3A_265 = tpu.memref_slice %dma_wait3A_262[%dma_wait3A_263, %dma_wait3A_264] : memref<10000x64xf32, #tpu.memory_space<hbm>> -> memref<10000x64xf32, #tpu.memory_space<hbm>>
      tpu.wait_indirect_dma semaphore(%arg17 : memref<!tpu.dma_semaphore, #tpu.memory_space<semaphore_mem>>) src(%dma_wait3A_265 : memref<10000x64xf32, #tpu.memory_space<hbm>>) dst(%dma_wait3A_255 : memref<128x64xf32, #tpu.memory_space<vmem>>)
      %run_scoped3A_266 = arith.constant 0 : i32
      "tpu.region"() ({
        %run_scoped3A_355 = tpu.sem_alloc : memref<!tpu.dma_semaphore, #tpu.memory_space<semaphore_mem>>
        %dma_start3A_356 = arith.constant 0 : i32
        %dma_start3A_357 = arith.constant 0 : i32
        %dma_start3A_358 = tpu.memref_slice %arg11[%run_scoped3A_266, %dma_start3A_356, %dma_start3A_357] : memref<4x128x64xf32, #tpu.memory_space<vmem>> -> memref<1x128x64xf32, #tpu.memory_space<vmem>>
        %dma_start3A_359 = tpu.memref_squeeze %dma_start3A_358 : memref<1x128x64xf32, #tpu.memory_space<vmem>> -> memref<128x64xf32, #tpu.memory_space<vmem>>
        %dma_start3A_360 = arith.constant 0 : i32
        %dma_start3A_361 = tpu.memref_slice %arg10[%add3A_249, %dma_start3A_360] : memref<80x128xi32, #tpu.memory_space<vmem>> -> memref<1x128xi32, #tpu.memory_space<vmem>>
        %dma_start3A_362 = tpu.memref_squeeze %dma_start3A_361 : memref<1x128xi32, #tpu.memory_space<vmem>> -> memref<128xi32, #tpu.memory_space<vmem>>
        %dma_start3A_363 = arith.constant 0 : i32
        %dma_start3A_364 = arith.constant 0 : i32
        %dma_start3A_365 = tpu.memref_slice %arg16[%dma_start3A_363, %dma_start3A_364] : memref<10240x64xf32, #tpu.memory_space<vmem_shared>> -> memref<10240x64xf32, #tpu.memory_space<vmem_shared>>
        tpu.enqueue_indirect_dma source(%dma_start3A_359 : memref<128x64xf32, #tpu.memory_space<vmem>>) target(%dma_start3A_365 : memref<10240x64xf32, #tpu.memory_space<vmem_shared>>) offsets(%dma_start3A_362 : memref<128xi32, #tpu.memory_space<vmem>>) semaphore(%run_scoped3A_355 : memref<!tpu.dma_semaphore, #tpu.memory_space<semaphore_mem>>) {add = true}
        %dma_wait3A_366 = arith.constant 0 : i32
        %dma_wait3A_367 = arith.constant 0 : i32
        %dma_wait3A_368 = tpu.memref_slice %arg11[%run_scoped3A_266, %dma_wait3A_366, %dma_wait3A_367] : memref<4x128x64xf32, #tpu.memory_space<vmem>> -> memref<1x128x64xf32, #tpu.memory_space<vmem>>
        %dma_wait3A_369 = tpu.memref_squeeze %dma_wait3A_368 : memref<1x128x64xf32, #tpu.memory_space<vmem>> -> memref<128x64xf32, #tpu.memory_space<vmem>>
        %dma_wait3A_370 = arith.constant 0 : i32
        %dma_wait3A_371 = tpu.memref_slice %arg10[%add3A_249, %dma_wait3A_370] : memref<80x128xi32, #tpu.memory_space<vmem>> -> memref<1x128xi32, #tpu.memory_space<vmem>>
        %dma_wait3A_372 = tpu.memref_squeeze %dma_wait3A_371 : memref<1x128xi32, #tpu.memory_space<vmem>> -> memref<128xi32, #tpu.memory_space<vmem>>
        %dma_wait3A_373 = arith.constant 0 : i32
        %dma_wait3A_374 = arith.constant 0 : i32
        %dma_wait3A_375 = tpu.memref_slice %arg16[%dma_wait3A_373, %dma_wait3A_374] : memref<10240x64xf32, #tpu.memory_space<vmem_shared>> -> memref<10240x64xf32, #tpu.memory_space<vmem_shared>>
        tpu.wait_indirect_dma semaphore(%run_scoped3A_355 : memref<!tpu.dma_semaphore, #tpu.memory_space<semaphore_mem>>) src(%dma_wait3A_369 : memref<128x64xf32, #tpu.memory_space<vmem>>) dst(%dma_wait3A_375 : memref<10240x64xf32, #tpu.memory_space<vmem_shared>>)
        tpu.yield
      }) : () -> ()
      %add3A_267 = arith.constant 4 : i32
      %add3A_268 = arith.addi %add3A_249, %add3A_267 : i32
      %lt3A = arith.constant 80 : i32
      %lt3A_269 = arith.cmpi slt, %add3A_268, %lt3A : i32
      %convert_element_type3A = arith.extui %lt3A_269 : i1 to i32
      %cond3A = arith.constant 0 : i32
      %cond3A_270 = arith.cmpi ne, %convert_element_type3A, %cond3A : i32
      scf.if %cond3A_270 {
        %add3A_355 = arith.constant 4 : i32
        %add3A_356 = arith.addi %add3A_249, %add3A_355 : i32
        %dma_start3A_357 = arith.constant 0 : i32
        %dma_start3A_358 = arith.constant 0 : i32
        %dma_start3A_359 = arith.constant 0 : i32
        %dma_start3A_360 = tpu.memref_slice %arg11[%dma_start3A_357, %dma_start3A_358, %dma_start3A_359] : memref<4x128x64xf32, #tpu.memory_space<vmem>> -> memref<1x128x64xf32, #tpu.memory_space<vmem>>
        %dma_start3A_361 = tpu.memref_squeeze %dma_start3A_360 : memref<1x128x64xf32, #tpu.memory_space<vmem>> -> memref<128x64xf32, #tpu.memory_space<vmem>>
        %dma_start3A_362 = arith.constant 0 : i32
        %dma_start3A_363 = tpu.memref_slice %arg9[%add3A_356, %dma_start3A_362] : memref<80x128xi32, #tpu.memory_space<vmem>> -> memref<1x128xi32, #tpu.memory_space<vmem>>
        %dma_start3A_364 = tpu.memref_squeeze %dma_start3A_363 : memref<1x128xi32, #tpu.memory_space<vmem>> -> memref<128xi32, #tpu.memory_space<vmem>>
        %dma_start3A_365 = arith.constant 0 : i32
        %dma_start3A_366 = arith.constant 0 : i32
        %dma_start3A_367 = tpu.memref_slice %arg2[%arg0, %dma_start3A_365, %dma_start3A_366] : memref<2x10000x64xf32, #tpu.memory_space<hbm>> -> memref<1x10000x64xf32, #tpu.memory_space<hbm>>
        %dma_start3A_368 = tpu.memref_squeeze %dma_start3A_367 : memref<1x10000x64xf32, #tpu.memory_space<hbm>> -> memref<10000x64xf32, #tpu.memory_space<hbm>>
        %dma_start3A_369 = arith.constant 0 : i32
        %dma_start3A_370 = arith.constant 0 : i32
        %dma_start3A_371 = tpu.memref_slice %dma_start3A_368[%dma_start3A_369, %dma_start3A_370] : memref<10000x64xf32, #tpu.memory_space<hbm>> -> memref<10000x64xf32, #tpu.memory_space<hbm>>
        tpu.enqueue_indirect_dma source(%dma_start3A_371 : memref<10000x64xf32, #tpu.memory_space<hbm>>) target(%dma_start3A_361 : memref<128x64xf32, #tpu.memory_space<vmem>>) offsets(%dma_start3A_364 : memref<128xi32, #tpu.memory_space<vmem>>) semaphore(%arg17 : memref<!tpu.dma_semaphore, #tpu.memory_space<semaphore_mem>>)
      } else {
      }
      %mul3A_271 = arith.constant 4 : i32
      %mul3A_272 = arith.muli %mul3A_271, %scan3A_245 : i32
      %add3A_273 = arith.constant 1 : i32
      %add3A_274 = arith.addi %mul3A_272, %add3A_273 : i32
      %dma_wait3A_275 = arith.constant 0 : i32
      %dma_wait3A_276 = arith.constant 1 : i32
      %dma_wait3A_277 = arith.constant 0 : i32
      %dma_wait3A_278 = arith.constant 0 : i32
      %dma_wait3A_279 = tpu.memref_slice %arg11[%dma_wait3A_276, %dma_wait3A_277, %dma_wait3A_278] : memref<4x128x64xf32, #tpu.memory_space<vmem>> -> memref<1x128x64xf32, #tpu.memory_space<vmem>>
      %dma_wait3A_280 = tpu.memref_squeeze %dma_wait3A_279 : memref<1x128x64xf32, #tpu.memory_space<vmem>> -> memref<128x64xf32, #tpu.memory_space<vmem>>
      %dma_wait3A_281 = arith.constant 0 : i32
      %dma_wait3A_282 = tpu.memref_slice %arg9[%dma_wait3A_275, %dma_wait3A_281] : memref<80x128xi32, #tpu.memory_space<vmem>> -> memref<1x128xi32, #tpu.memory_space<vmem>>
      %dma_wait3A_283 = tpu.memref_squeeze %dma_wait3A_282 : memref<1x128xi32, #tpu.memory_space<vmem>> -> memref<128xi32, #tpu.memory_space<vmem>>
      %dma_wait3A_284 = arith.constant 0 : i32
      %dma_wait3A_285 = arith.constant 0 : i32
      %dma_wait3A_286 = tpu.memref_slice %arg2[%arg0, %dma_wait3A_284, %dma_wait3A_285] : memref<2x10000x64xf32, #tpu.memory_space<hbm>> -> memref<1x10000x64xf32, #tpu.memory_space<hbm>>
      %dma_wait3A_287 = tpu.memref_squeeze %dma_wait3A_286 : memref<1x10000x64xf32, #tpu.memory_space<hbm>> -> memref<10000x64xf32, #tpu.memory_space<hbm>>
      %dma_wait3A_288 = arith.constant 0 : i32
      %dma_wait3A_289 = arith.constant 0 : i32
      %dma_wait3A_290 = tpu.memref_slice %dma_wait3A_287[%dma_wait3A_288, %dma_wait3A_289] : memref<10000x64xf32, #tpu.memory_space<hbm>> -> memref<10000x64xf32, #tpu.memory_space<hbm>>
      tpu.wait_indirect_dma semaphore(%arg18 : memref<!tpu.dma_semaphore, #tpu.memory_space<semaphore_mem>>) src(%dma_wait3A_290 : memref<10000x64xf32, #tpu.memory_space<hbm>>) dst(%dma_wait3A_280 : memref<128x64xf32, #tpu.memory_space<vmem>>)
      %run_scoped3A_291 = arith.constant 1 : i32
      "tpu.region"() ({
        %run_scoped3A_355 = tpu.sem_alloc : memref<!tpu.dma_semaphore, #tpu.memory_space<semaphore_mem>>
        %dma_start3A_356 = arith.constant 0 : i32
        %dma_start3A_357 = arith.constant 0 : i32
        %dma_start3A_358 = tpu.memref_slice %arg11[%run_scoped3A_291, %dma_start3A_356, %dma_start3A_357] : memref<4x128x64xf32, #tpu.memory_space<vmem>> -> memref<1x128x64xf32, #tpu.memory_space<vmem>>
        %dma_start3A_359 = tpu.memref_squeeze %dma_start3A_358 : memref<1x128x64xf32, #tpu.memory_space<vmem>> -> memref<128x64xf32, #tpu.memory_space<vmem>>
        %dma_start3A_360 = arith.constant 0 : i32
        %dma_start3A_361 = tpu.memref_slice %arg10[%add3A_274, %dma_start3A_360] : memref<80x128xi32, #tpu.memory_space<vmem>> -> memref<1x128xi32, #tpu.memory_space<vmem>>
        %dma_start3A_362 = tpu.memref_squeeze %dma_start3A_361 : memref<1x128xi32, #tpu.memory_space<vmem>> -> memref<128xi32, #tpu.memory_space<vmem>>
        %dma_start3A_363 = arith.constant 0 : i32
        %dma_start3A_364 = arith.constant 0 : i32
        %dma_start3A_365 = tpu.memref_slice %arg16[%dma_start3A_363, %dma_start3A_364] : memref<10240x64xf32, #tpu.memory_space<vmem_shared>> -> memref<10240x64xf32, #tpu.memory_space<vmem_shared>>
        tpu.enqueue_indirect_dma source(%dma_start3A_359 : memref<128x64xf32, #tpu.memory_space<vmem>>) target(%dma_start3A_365 : memref<10240x64xf32, #tpu.memory_space<vmem_shared>>) offsets(%dma_start3A_362 : memref<128xi32, #tpu.memory_space<vmem>>) semaphore(%run_scoped3A_355 : memref<!tpu.dma_semaphore, #tpu.memory_space<semaphore_mem>>) {add = true}
        %dma_wait3A_366 = arith.constant 0 : i32
        %dma_wait3A_367 = arith.constant 0 : i32
        %dma_wait3A_368 = tpu.memref_slice %arg11[%run_scoped3A_291, %dma_wait3A_366, %dma_wait3A_367] : memref<4x128x64xf32, #tpu.memory_space<vmem>> -> memref<1x128x64xf32, #tpu.memory_space<vmem>>
        %dma_wait3A_369 = tpu.memref_squeeze %dma_wait3A_368 : memref<1x128x64xf32, #tpu.memory_space<vmem>> -> memref<128x64xf32, #tpu.memory_space<vmem>>
        %dma_wait3A_370 = arith.constant 0 : i32
        %dma_wait3A_371 = tpu.memref_slice %arg10[%add3A_274, %dma_wait3A_370] : memref<80x128xi32, #tpu.memory_space<vmem>> -> memref<1x128xi32, #tpu.memory_space<vmem>>
        %dma_wait3A_372 = tpu.memref_squeeze %dma_wait3A_371 : memref<1x128xi32, #tpu.memory_space<vmem>> -> memref<128xi32, #tpu.memory_space<vmem>>
        %dma_wait3A_373 = arith.constant 0 : i32
        %dma_wait3A_374 = arith.constant 0 : i32
        %dma_wait3A_375 = tpu.memref_slice %arg16[%dma_wait3A_373, %dma_wait3A_374] : memref<10240x64xf32, #tpu.memory_space<vmem_shared>> -> memref<10240x64xf32, #tpu.memory_space<vmem_shared>>
        tpu.wait_indirect_dma semaphore(%run_scoped3A_355 : memref<!tpu.dma_semaphore, #tpu.memory_space<semaphore_mem>>) src(%dma_wait3A_369 : memref<128x64xf32, #tpu.memory_space<vmem>>) dst(%dma_wait3A_375 : memref<10240x64xf32, #tpu.memory_space<vmem_shared>>)
        tpu.yield
      }) : () -> ()
      %add3A_292 = arith.constant 4 : i32
      %add3A_293 = arith.addi %add3A_274, %add3A_292 : i32
      %lt3A_294 = arith.constant 80 : i32
      %lt3A_295 = arith.cmpi slt, %add3A_293, %lt3A_294 : i32
      %convert_element_type3A_296 = arith.extui %lt3A_295 : i1 to i32
      %cond3A_297 = arith.constant 0 : i32
      %cond3A_298 = arith.cmpi ne, %convert_element_type3A_296, %cond3A_297 : i32
      scf.if %cond3A_298 {
        %add3A_355 = arith.constant 4 : i32
        %add3A_356 = arith.addi %add3A_274, %add3A_355 : i32
        %dma_start3A_357 = arith.constant 1 : i32
        %dma_start3A_358 = arith.constant 0 : i32
        %dma_start3A_359 = arith.constant 0 : i32
        %dma_start3A_360 = tpu.memref_slice %arg11[%dma_start3A_357, %dma_start3A_358, %dma_start3A_359] : memref<4x128x64xf32, #tpu.memory_space<vmem>> -> memref<1x128x64xf32, #tpu.memory_space<vmem>>
        %dma_start3A_361 = tpu.memref_squeeze %dma_start3A_360 : memref<1x128x64xf32, #tpu.memory_space<vmem>> -> memref<128x64xf32, #tpu.memory_space<vmem>>
        %dma_start3A_362 = arith.constant 0 : i32
        %dma_start3A_363 = tpu.memref_slice %arg9[%add3A_356, %dma_start3A_362] : memref<80x128xi32, #tpu.memory_space<vmem>> -> memref<1x128xi32, #tpu.memory_space<vmem>>
        %dma_start3A_364 = tpu.memref_squeeze %dma_start3A_363 : memref<1x128xi32, #tpu.memory_space<vmem>> -> memref<128xi32, #tpu.memory_space<vmem>>
        %dma_start3A_365 = arith.constant 0 : i32
        %dma_start3A_366 = arith.constant 0 : i32
        %dma_start3A_367 = tpu.memref_slice %arg2[%arg0, %dma_start3A_365, %dma_start3A_366] : memref<2x10000x64xf32, #tpu.memory_space<hbm>> -> memref<1x10000x64xf32, #tpu.memory_space<hbm>>
        %dma_start3A_368 = tpu.memref_squeeze %dma_start3A_367 : memref<1x10000x64xf32, #tpu.memory_space<hbm>> -> memref<10000x64xf32, #tpu.memory_space<hbm>>
        %dma_start3A_369 = arith.constant 0 : i32
        %dma_start3A_370 = arith.constant 0 : i32
        %dma_start3A_371 = tpu.memref_slice %dma_start3A_368[%dma_start3A_369, %dma_start3A_370] : memref<10000x64xf32, #tpu.memory_space<hbm>> -> memref<10000x64xf32, #tpu.memory_space<hbm>>
        tpu.enqueue_indirect_dma source(%dma_start3A_371 : memref<10000x64xf32, #tpu.memory_space<hbm>>) target(%dma_start3A_361 : memref<128x64xf32, #tpu.memory_space<vmem>>) offsets(%dma_start3A_364 : memref<128xi32, #tpu.memory_space<vmem>>) semaphore(%arg18 : memref<!tpu.dma_semaphore, #tpu.memory_space<semaphore_mem>>)
      } else {
      }
      %mul3A_299 = arith.constant 4 : i32
      %mul3A_300 = arith.muli %mul3A_299, %scan3A_245 : i32
      %add3A_301 = arith.constant 2 : i32
      %add3A_302 = arith.addi %mul3A_300, %add3A_301 : i32
      %dma_wait3A_303 = arith.constant 0 : i32
      %dma_wait3A_304 = arith.constant 2 : i32
      %dma_wait3A_305 = arith.constant 0 : i32
      %dma_wait3A_306 = arith.constant 0 : i32
      %dma_wait3A_307 = tpu.memref_slice %arg11[%dma_wait3A_304, %dma_wait3A_305, %dma_wait3A_306] : memref<4x128x64xf32, #tpu.memory_space<vmem>> -> memref<1x128x64xf32, #tpu.memory_space<vmem>>
      %dma_wait3A_308 = tpu.memref_squeeze %dma_wait3A_307 : memref<1x128x64xf32, #tpu.memory_space<vmem>> -> memref<128x64xf32, #tpu.memory_space<vmem>>
      %dma_wait3A_309 = arith.constant 0 : i32
      %dma_wait3A_310 = tpu.memref_slice %arg9[%dma_wait3A_303, %dma_wait3A_309] : memref<80x128xi32, #tpu.memory_space<vmem>> -> memref<1x128xi32, #tpu.memory_space<vmem>>
      %dma_wait3A_311 = tpu.memref_squeeze %dma_wait3A_310 : memref<1x128xi32, #tpu.memory_space<vmem>> -> memref<128xi32, #tpu.memory_space<vmem>>
      %dma_wait3A_312 = arith.constant 0 : i32
      %dma_wait3A_313 = arith.constant 0 : i32
      %dma_wait3A_314 = tpu.memref_slice %arg2[%arg0, %dma_wait3A_312, %dma_wait3A_313] : memref<2x10000x64xf32, #tpu.memory_space<hbm>> -> memref<1x10000x64xf32, #tpu.memory_space<hbm>>
      %dma_wait3A_315 = tpu.memref_squeeze %dma_wait3A_314 : memref<1x10000x64xf32, #tpu.memory_space<hbm>> -> memref<10000x64xf32, #tpu.memory_space<hbm>>
      %dma_wait3A_316 = arith.constant 0 : i32
      %dma_wait3A_317 = arith.constant 0 : i32
      %dma_wait3A_318 = tpu.memref_slice %dma_wait3A_315[%dma_wait3A_316, %dma_wait3A_317] : memref<10000x64xf32, #tpu.memory_space<hbm>> -> memref<10000x64xf32, #tpu.memory_space<hbm>>
      tpu.wait_indirect_dma semaphore(%arg19 : memref<!tpu.dma_semaphore, #tpu.memory_space<semaphore_mem>>) src(%dma_wait3A_318 : memref<10000x64xf32, #tpu.memory_space<hbm>>) dst(%dma_wait3A_308 : memref<128x64xf32, #tpu.memory_space<vmem>>)
      %run_scoped3A_319 = arith.constant 2 : i32
      "tpu.region"() ({
        %run_scoped3A_355 = tpu.sem_alloc : memref<!tpu.dma_semaphore, #tpu.memory_space<semaphore_mem>>
        %dma_start3A_356 = arith.constant 0 : i32
        %dma_start3A_357 = arith.constant 0 : i32
        %dma_start3A_358 = tpu.memref_slice %arg11[%run_scoped3A_319, %dma_start3A_356, %dma_start3A_357] : memref<4x128x64xf32, #tpu.memory_space<vmem>> -> memref<1x128x64xf32, #tpu.memory_space<vmem>>
        %dma_start3A_359 = tpu.memref_squeeze %dma_start3A_358 : memref<1x128x64xf32, #tpu.memory_space<vmem>> -> memref<128x64xf32, #tpu.memory_space<vmem>>
        %dma_start3A_360 = arith.constant 0 : i32
        %dma_start3A_361 = tpu.memref_slice %arg10[%add3A_302, %dma_start3A_360] : memref<80x128xi32, #tpu.memory_space<vmem>> -> memref<1x128xi32, #tpu.memory_space<vmem>>
        %dma_start3A_362 = tpu.memref_squeeze %dma_start3A_361 : memref<1x128xi32, #tpu.memory_space<vmem>> -> memref<128xi32, #tpu.memory_space<vmem>>
        %dma_start3A_363 = arith.constant 0 : i32
        %dma_start3A_364 = arith.constant 0 : i32
        %dma_start3A_365 = tpu.memref_slice %arg16[%dma_start3A_363, %dma_start3A_364] : memref<10240x64xf32, #tpu.memory_space<vmem_shared>> -> memref<10240x64xf32, #tpu.memory_space<vmem_shared>>
        tpu.enqueue_indirect_dma source(%dma_start3A_359 : memref<128x64xf32, #tpu.memory_space<vmem>>) target(%dma_start3A_365 : memref<10240x64xf32, #tpu.memory_space<vmem_shared>>) offsets(%dma_start3A_362 : memref<128xi32, #tpu.memory_space<vmem>>) semaphore(%run_scoped3A_355 : memref<!tpu.dma_semaphore, #tpu.memory_space<semaphore_mem>>) {add = true}
        %dma_wait3A_366 = arith.constant 0 : i32
        %dma_wait3A_367 = arith.constant 0 : i32
        %dma_wait3A_368 = tpu.memref_slice %arg11[%run_scoped3A_319, %dma_wait3A_366, %dma_wait3A_367] : memref<4x128x64xf32, #tpu.memory_space<vmem>> -> memref<1x128x64xf32, #tpu.memory_space<vmem>>
        %dma_wait3A_369 = tpu.memref_squeeze %dma_wait3A_368 : memref<1x128x64xf32, #tpu.memory_space<vmem>> -> memref<128x64xf32, #tpu.memory_space<vmem>>
        %dma_wait3A_370 = arith.constant 0 : i32
        %dma_wait3A_371 = tpu.memref_slice %arg10[%add3A_302, %dma_wait3A_370] : memref<80x128xi32, #tpu.memory_space<vmem>> -> memref<1x128xi32, #tpu.memory_space<vmem>>
        %dma_wait3A_372 = tpu.memref_squeeze %dma_wait3A_371 : memref<1x128xi32, #tpu.memory_space<vmem>> -> memref<128xi32, #tpu.memory_space<vmem>>
        %dma_wait3A_373 = arith.constant 0 : i32
        %dma_wait3A_374 = arith.constant 0 : i32
        %dma_wait3A_375 = tpu.memref_slice %arg16[%dma_wait3A_373, %dma_wait3A_374] : memref<10240x64xf32, #tpu.memory_space<vmem_shared>> -> memref<10240x64xf32, #tpu.memory_space<vmem_shared>>
        tpu.wait_indirect_dma semaphore(%run_scoped3A_355 : memref<!tpu.dma_semaphore, #tpu.memory_space<semaphore_mem>>) src(%dma_wait3A_369 : memref<128x64xf32, #tpu.memory_space<vmem>>) dst(%dma_wait3A_375 : memref<10240x64xf32, #tpu.memory_space<vmem_shared>>)
        tpu.yield
      }) : () -> ()
      %add3A_320 = arith.constant 4 : i32
      %add3A_321 = arith.addi %add3A_302, %add3A_320 : i32
      %lt3A_322 = arith.constant 80 : i32
      %lt3A_323 = arith.cmpi slt, %add3A_321, %lt3A_322 : i32
      %convert_element_type3A_324 = arith.extui %lt3A_323 : i1 to i32
      %cond3A_325 = arith.constant 0 : i32
      %cond3A_326 = arith.cmpi ne, %convert_element_type3A_324, %cond3A_325 : i32
      scf.if %cond3A_326 {
        %add3A_355 = arith.constant 4 : i32
        %add3A_356 = arith.addi %add3A_302, %add3A_355 : i32
        %dma_start3A_357 = arith.constant 2 : i32
        %dma_start3A_358 = arith.constant 0 : i32
        %dma_start3A_359 = arith.constant 0 : i32
        %dma_start3A_360 = tpu.memref_slice %arg11[%dma_start3A_357, %dma_start3A_358, %dma_start3A_359] : memref<4x128x64xf32, #tpu.memory_space<vmem>> -> memref<1x128x64xf32, #tpu.memory_space<vmem>>
        %dma_start3A_361 = tpu.memref_squeeze %dma_start3A_360 : memref<1x128x64xf32, #tpu.memory_space<vmem>> -> memref<128x64xf32, #tpu.memory_space<vmem>>
        %dma_start3A_362 = arith.constant 0 : i32
        %dma_start3A_363 = tpu.memref_slice %arg9[%add3A_356, %dma_start3A_362] : memref<80x128xi32, #tpu.memory_space<vmem>> -> memref<1x128xi32, #tpu.memory_space<vmem>>
        %dma_start3A_364 = tpu.memref_squeeze %dma_start3A_363 : memref<1x128xi32, #tpu.memory_space<vmem>> -> memref<128xi32, #tpu.memory_space<vmem>>
        %dma_start3A_365 = arith.constant 0 : i32
        %dma_start3A_366 = arith.constant 0 : i32
        %dma_start3A_367 = tpu.memref_slice %arg2[%arg0, %dma_start3A_365, %dma_start3A_366] : memref<2x10000x64xf32, #tpu.memory_space<hbm>> -> memref<1x10000x64xf32, #tpu.memory_space<hbm>>
        %dma_start3A_368 = tpu.memref_squeeze %dma_start3A_367 : memref<1x10000x64xf32, #tpu.memory_space<hbm>> -> memref<10000x64xf32, #tpu.memory_space<hbm>>
        %dma_start3A_369 = arith.constant 0 : i32
        %dma_start3A_370 = arith.constant 0 : i32
        %dma_start3A_371 = tpu.memref_slice %dma_start3A_368[%dma_start3A_369, %dma_start3A_370] : memref<10000x64xf32, #tpu.memory_space<hbm>> -> memref<10000x64xf32, #tpu.memory_space<hbm>>
        tpu.enqueue_indirect_dma source(%dma_start3A_371 : memref<10000x64xf32, #tpu.memory_space<hbm>>) target(%dma_start3A_361 : memref<128x64xf32, #tpu.memory_space<vmem>>) offsets(%dma_start3A_364 : memref<128xi32, #tpu.memory_space<vmem>>) semaphore(%arg19 : memref<!tpu.dma_semaphore, #tpu.memory_space<semaphore_mem>>)
      } else {
      }
      %mul3A_327 = arith.constant 4 : i32
      %mul3A_328 = arith.muli %mul3A_327, %scan3A_245 : i32
      %add3A_329 = arith.constant 3 : i32
      %add3A_330 = arith.addi %mul3A_328, %add3A_329 : i32
      %dma_wait3A_331 = arith.constant 0 : i32
      %dma_wait3A_332 = arith.constant 3 : i32
      %dma_wait3A_333 = arith.constant 0 : i32
      %dma_wait3A_334 = arith.constant 0 : i32
      %dma_wait3A_335 = tpu.memref_slice %arg11[%dma_wait3A_332, %dma_wait3A_333, %dma_wait3A_334] : memref<4x128x64xf32, #tpu.memory_space<vmem>> -> memref<1x128x64xf32, #tpu.memory_space<vmem>>
      %dma_wait3A_336 = tpu.memref_squeeze %dma_wait3A_335 : memref<1x128x64xf32, #tpu.memory_space<vmem>> -> memref<128x64xf32, #tpu.memory_space<vmem>>
      %dma_wait3A_337 = arith.constant 0 : i32
      %dma_wait3A_338 = tpu.memref_slice %arg9[%dma_wait3A_331, %dma_wait3A_337] : memref<80x128xi32, #tpu.memory_space<vmem>> -> memref<1x128xi32, #tpu.memory_space<vmem>>
      %dma_wait3A_339 = tpu.memref_squeeze %dma_wait3A_338 : memref<1x128xi32, #tpu.memory_space<vmem>> -> memref<128xi32, #tpu.memory_space<vmem>>
      %dma_wait3A_340 = arith.constant 0 : i32
      %dma_wait3A_341 = arith.constant 0 : i32
      %dma_wait3A_342 = tpu.memref_slice %arg2[%arg0, %dma_wait3A_340, %dma_wait3A_341] : memref<2x10000x64xf32, #tpu.memory_space<hbm>> -> memref<1x10000x64xf32, #tpu.memory_space<hbm>>
      %dma_wait3A_343 = tpu.memref_squeeze %dma_wait3A_342 : memref<1x10000x64xf32, #tpu.memory_space<hbm>> -> memref<10000x64xf32, #tpu.memory_space<hbm>>
      %dma_wait3A_344 = arith.constant 0 : i32
      %dma_wait3A_345 = arith.constant 0 : i32
      %dma_wait3A_346 = tpu.memref_slice %dma_wait3A_343[%dma_wait3A_344, %dma_wait3A_345] : memref<10000x64xf32, #tpu.memory_space<hbm>> -> memref<10000x64xf32, #tpu.memory_space<hbm>>
      tpu.wait_indirect_dma semaphore(%arg20 : memref<!tpu.dma_semaphore, #tpu.memory_space<semaphore_mem>>) src(%dma_wait3A_346 : memref<10000x64xf32, #tpu.memory_space<hbm>>) dst(%dma_wait3A_336 : memref<128x64xf32, #tpu.memory_space<vmem>>)
      %run_scoped3A_347 = arith.constant 3 : i32
      "tpu.region"() ({
        %run_scoped3A_355 = tpu.sem_alloc : memref<!tpu.dma_semaphore, #tpu.memory_space<semaphore_mem>>
        %dma_start3A_356 = arith.constant 0 : i32
        %dma_start3A_357 = arith.constant 0 : i32
        %dma_start3A_358 = tpu.memref_slice %arg11[%run_scoped3A_347, %dma_start3A_356, %dma_start3A_357] : memref<4x128x64xf32, #tpu.memory_space<vmem>> -> memref<1x128x64xf32, #tpu.memory_space<vmem>>
        %dma_start3A_359 = tpu.memref_squeeze %dma_start3A_358 : memref<1x128x64xf32, #tpu.memory_space<vmem>> -> memref<128x64xf32, #tpu.memory_space<vmem>>
        %dma_start3A_360 = arith.constant 0 : i32
        %dma_start3A_361 = tpu.memref_slice %arg10[%add3A_330, %dma_start3A_360] : memref<80x128xi32, #tpu.memory_space<vmem>> -> memref<1x128xi32, #tpu.memory_space<vmem>>
        %dma_start3A_362 = tpu.memref_squeeze %dma_start3A_361 : memref<1x128xi32, #tpu.memory_space<vmem>> -> memref<128xi32, #tpu.memory_space<vmem>>
        %dma_start3A_363 = arith.constant 0 : i32
        %dma_start3A_364 = arith.constant 0 : i32
        %dma_start3A_365 = tpu.memref_slice %arg16[%dma_start3A_363, %dma_start3A_364] : memref<10240x64xf32, #tpu.memory_space<vmem_shared>> -> memref<10240x64xf32, #tpu.memory_space<vmem_shared>>
        tpu.enqueue_indirect_dma source(%dma_start3A_359 : memref<128x64xf32, #tpu.memory_space<vmem>>) target(%dma_start3A_365 : memref<10240x64xf32, #tpu.memory_space<vmem_shared>>) offsets(%dma_start3A_362 : memref<128xi32, #tpu.memory_space<vmem>>) semaphore(%run_scoped3A_355 : memref<!tpu.dma_semaphore, #tpu.memory_space<semaphore_mem>>) {add = true}
        %dma_wait3A_366 = arith.constant 0 : i32
        %dma_wait3A_367 = arith.constant 0 : i32
        %dma_wait3A_368 = tpu.memref_slice %arg11[%run_scoped3A_347, %dma_wait3A_366, %dma_wait3A_367] : memref<4x128x64xf32, #tpu.memory_space<vmem>> -> memref<1x128x64xf32, #tpu.memory_space<vmem>>
        %dma_wait3A_369 = tpu.memref_squeeze %dma_wait3A_368 : memref<1x128x64xf32, #tpu.memory_space<vmem>> -> memref<128x64xf32, #tpu.memory_space<vmem>>
        %dma_wait3A_370 = arith.constant 0 : i32
        %dma_wait3A_371 = tpu.memref_slice %arg10[%add3A_330, %dma_wait3A_370] : memref<80x128xi32, #tpu.memory_space<vmem>> -> memref<1x128xi32, #tpu.memory_space<vmem>>
        %dma_wait3A_372 = tpu.memref_squeeze %dma_wait3A_371 : memref<1x128xi32, #tpu.memory_space<vmem>> -> memref<128xi32, #tpu.memory_space<vmem>>
        %dma_wait3A_373 = arith.constant 0 : i32
        %dma_wait3A_374 = arith.constant 0 : i32
        %dma_wait3A_375 = tpu.memref_slice %arg16[%dma_wait3A_373, %dma_wait3A_374] : memref<10240x64xf32, #tpu.memory_space<vmem_shared>> -> memref<10240x64xf32, #tpu.memory_space<vmem_shared>>
        tpu.wait_indirect_dma semaphore(%run_scoped3A_355 : memref<!tpu.dma_semaphore, #tpu.memory_space<semaphore_mem>>) src(%dma_wait3A_369 : memref<128x64xf32, #tpu.memory_space<vmem>>) dst(%dma_wait3A_375 : memref<10240x64xf32, #tpu.memory_space<vmem_shared>>)
        tpu.yield
      }) : () -> ()
      %add3A_348 = arith.constant 4 : i32
      %add3A_349 = arith.addi %add3A_330, %add3A_348 : i32
      %lt3A_350 = arith.constant 80 : i32
      %lt3A_351 = arith.cmpi slt, %add3A_349, %lt3A_350 : i32
      %convert_element_type3A_352 = arith.extui %lt3A_351 : i1 to i32
      %cond3A_353 = arith.constant 0 : i32
      %cond3A_354 = arith.cmpi ne, %convert_element_type3A_352, %cond3A_353 : i32
      scf.if %cond3A_354 {
        %add3A_355 = arith.constant 4 : i32
        %add3A_356 = arith.addi %add3A_330, %add3A_355 : i32
        %dma_start3A_357 = arith.constant 3 : i32
        %dma_start3A_358 = arith.constant 0 : i32
        %dma_start3A_359 = arith.constant 0 : i32
        %dma_start3A_360 = tpu.memref_slice %arg11[%dma_start3A_357, %dma_start3A_358, %dma_start3A_359] : memref<4x128x64xf32, #tpu.memory_space<vmem>> -> memref<1x128x64xf32, #tpu.memory_space<vmem>>
        %dma_start3A_361 = tpu.memref_squeeze %dma_start3A_360 : memref<1x128x64xf32, #tpu.memory_space<vmem>> -> memref<128x64xf32, #tpu.memory_space<vmem>>
        %dma_start3A_362 = arith.constant 0 : i32
        %dma_start3A_363 = tpu.memref_slice %arg9[%add3A_356, %dma_start3A_362] : memref<80x128xi32, #tpu.memory_space<vmem>> -> memref<1x128xi32, #tpu.memory_space<vmem>>
        %dma_start3A_364 = tpu.memref_squeeze %dma_start3A_363 : memref<1x128xi32, #tpu.memory_space<vmem>> -> memref<128xi32, #tpu.memory_space<vmem>>
        %dma_start3A_365 = arith.constant 0 : i32
        %dma_start3A_366 = arith.constant 0 : i32
        %dma_start3A_367 = tpu.memref_slice %arg2[%arg0, %dma_start3A_365, %dma_start3A_366] : memref<2x10000x64xf32, #tpu.memory_space<hbm>> -> memref<1x10000x64xf32, #tpu.memory_space<hbm>>
        %dma_start3A_368 = tpu.memref_squeeze %dma_start3A_367 : memref<1x10000x64xf32, #tpu.memory_space<hbm>> -> memref<10000x64xf32, #tpu.memory_space<hbm>>
        %dma_start3A_369 = arith.constant 0 : i32
        %dma_start3A_370 = arith.constant 0 : i32
        %dma_start3A_371 = tpu.memref_slice %dma_start3A_368[%dma_start3A_369, %dma_start3A_370] : memref<10000x64xf32, #tpu.memory_space<hbm>> -> memref<10000x64xf32, #tpu.memory_space<hbm>>
        tpu.enqueue_indirect_dma source(%dma_start3A_371 : memref<10000x64xf32, #tpu.memory_space<hbm>>) target(%dma_start3A_361 : memref<128x64xf32, #tpu.memory_space<vmem>>) offsets(%dma_start3A_364 : memref<128xi32, #tpu.memory_space<vmem>>) semaphore(%arg20 : memref<!tpu.dma_semaphore, #tpu.memory_space<semaphore_mem>>)
      } else {
      }
    }
    %scan3A_169 = arith.constant 20 : i32
    %barrier3A_170 = arith.constant 0 : index
    tpu.barrier barrier_id(%barrier3A_170)
    "tpu.region"() ({
      %run_scoped3A_245 = tpu.sem_alloc : memref<!tpu.dma_semaphore, #tpu.memory_space<semaphore_mem>>
      %dma_start3A_246 = arith.constant 0 : i32
      %dma_start3A_247 = tpu.memref_slice %arg7[%arg0, %dma_start3A_246] : memref<2x64xf32, #tpu.memory_space<hbm>> -> memref<1x64xf32, #tpu.memory_space<hbm>>
      %dma_start3A_248 = tpu.memref_squeeze %dma_start3A_247 : memref<1x64xf32, #tpu.memory_space<hbm>> -> memref<64xf32, #tpu.memory_space<hbm>>
      %dma_start3A_249 = arith.constant 0 : i32
      %dma_start3A_250 = tpu.memref_slice %arg7[%arg0, %dma_start3A_249] : memref<2x64xf32, #tpu.memory_space<hbm>> -> memref<1x64xf32, #tpu.memory_space<hbm>>
      %dma_start3A_251 = tpu.memref_squeeze %dma_start3A_250 : memref<1x64xf32, #tpu.memory_space<hbm>> -> memref<64xf32, #tpu.memory_space<hbm>>
      tpu.enqueue_dma source(%dma_start3A_251 : memref<64xf32, #tpu.memory_space<hbm>>) target(%arg15 : memref<64xf32, #tpu.memory_space<vmem>>) target_semaphore(%run_scoped3A_245 : memref<!tpu.dma_semaphore, #tpu.memory_space<semaphore_mem>>)
      %dma_wait3A_252 = arith.constant 0 : i32
      %dma_wait3A_253 = tpu.memref_slice %arg7[%arg0, %dma_wait3A_252] : memref<2x64xf32, #tpu.memory_space<hbm>> -> memref<1x64xf32, #tpu.memory_space<hbm>>
      %dma_wait3A_254 = tpu.memref_squeeze %dma_wait3A_253 : memref<1x64xf32, #tpu.memory_space<hbm>> -> memref<64xf32, #tpu.memory_space<hbm>>
      %dma_wait3A_255 = arith.constant 0 : i32
      %dma_wait3A_256 = tpu.memref_slice %arg7[%arg0, %dma_wait3A_255] : memref<2x64xf32, #tpu.memory_space<hbm>> -> memref<1x64xf32, #tpu.memory_space<hbm>>
      %dma_wait3A_257 = tpu.memref_squeeze %dma_wait3A_256 : memref<1x64xf32, #tpu.memory_space<hbm>> -> memref<64xf32, #tpu.memory_space<hbm>>
      tpu.wait_dma2 semaphore(%run_scoped3A_245 : memref<!tpu.dma_semaphore, #tpu.memory_space<semaphore_mem>>) src(%dma_wait3A_257 : memref<64xf32, #tpu.memory_space<hbm>>) dst(%arg15 : memref<64xf32, #tpu.memory_space<vmem>>)
      tpu.yield
    }) : () -> ()
    "tpu.region"() ({
      %run_scoped3A_245 = tpu.sem_alloc : memref<!tpu.dma_semaphore, #tpu.memory_space<semaphore_mem>>
      %dma_start3A_246 = arith.constant 0 : i32
      %dma_start3A_247 = arith.constant 0 : i32
      %dma_start3A_248 = tpu.memref_slice %arg5[%arg1, %dma_start3A_246, %dma_start3A_247] : memref<16x50x128xi32, #tpu.memory_space<hbm>> -> memref<1x50x128xi32, #tpu.memory_space<hbm>>
      %dma_start3A_249 = tpu.memref_squeeze %dma_start3A_248 : memref<1x50x128xi32, #tpu.memory_space<hbm>> -> memref<50x128xi32, #tpu.memory_space<hbm>>
      %dma_start3A_250 = arith.constant 0 : i32
      %dma_start3A_251 = arith.constant 0 : i32
      %dma_start3A_252 = tpu.memref_slice %arg5[%arg1, %dma_start3A_250, %dma_start3A_251] : memref<16x50x128xi32, #tpu.memory_space<hbm>> -> memref<1x50x128xi32, #tpu.memory_space<hbm>>
      %dma_start3A_253 = tpu.memref_squeeze %dma_start3A_252 : memref<1x50x128xi32, #tpu.memory_space<hbm>> -> memref<50x128xi32, #tpu.memory_space<hbm>>
      tpu.enqueue_dma source(%dma_start3A_253 : memref<50x128xi32, #tpu.memory_space<hbm>>) target(%arg12 : memref<50x128xi32, #tpu.memory_space<vmem>>) target_semaphore(%run_scoped3A_245 : memref<!tpu.dma_semaphore, #tpu.memory_space<semaphore_mem>>)
      %dma_wait3A_254 = arith.constant 0 : i32
      %dma_wait3A_255 = arith.constant 0 : i32
      %dma_wait3A_256 = tpu.memref_slice %arg5[%arg1, %dma_wait3A_254, %dma_wait3A_255] : memref<16x50x128xi32, #tpu.memory_space<hbm>> -> memref<1x50x128xi32, #tpu.memory_space<hbm>>
      %dma_wait3A_257 = tpu.memref_squeeze %dma_wait3A_256 : memref<1x50x128xi32, #tpu.memory_space<hbm>> -> memref<50x128xi32, #tpu.memory_space<hbm>>
      %dma_wait3A_258 = arith.constant 0 : i32
      %dma_wait3A_259 = arith.constant 0 : i32
      %dma_wait3A_260 = tpu.memref_slice %arg5[%arg1, %dma_wait3A_258, %dma_wait3A_259] : memref<16x50x128xi32, #tpu.memory_space<hbm>> -> memref<1x50x128xi32, #tpu.memory_space<hbm>>
      %dma_wait3A_261 = tpu.memref_squeeze %dma_wait3A_260 : memref<1x50x128xi32, #tpu.memory_space<hbm>> -> memref<50x128xi32, #tpu.memory_space<hbm>>
      tpu.wait_dma2 semaphore(%run_scoped3A_245 : memref<!tpu.dma_semaphore, #tpu.memory_space<semaphore_mem>>) src(%dma_wait3A_261 : memref<50x128xi32, #tpu.memory_space<hbm>>) dst(%arg12 : memref<50x128xi32, #tpu.memory_space<vmem>>)
      tpu.yield
    }) : () -> ()
    "tpu.region"() ({
      %run_scoped3A_245 = tpu.sem_alloc : memref<!tpu.dma_semaphore, #tpu.memory_space<semaphore_mem>>
      %dma_start3A_246 = arith.constant 0 : i32
      %dma_start3A_247 = arith.constant 0 : i32
      %dma_start3A_248 = tpu.memref_slice %arg6[%arg1, %dma_start3A_246, %dma_start3A_247] : memref<16x50x128xi32, #tpu.memory_space<hbm>> -> memref<1x50x128xi32, #tpu.memory_space<hbm>>
      %dma_start3A_249 = tpu.memref_squeeze %dma_start3A_248 : memref<1x50x128xi32, #tpu.memory_space<hbm>> -> memref<50x128xi32, #tpu.memory_space<hbm>>
      %dma_start3A_250 = arith.constant 0 : i32
      %dma_start3A_251 = arith.constant 0 : i32
      %dma_start3A_252 = tpu.memref_slice %arg6[%arg1, %dma_start3A_250, %dma_start3A_251] : memref<16x50x128xi32, #tpu.memory_space<hbm>> -> memref<1x50x128xi32, #tpu.memory_space<hbm>>
      %dma_start3A_253 = tpu.memref_squeeze %dma_start3A_252 : memref<1x50x128xi32, #tpu.memory_space<hbm>> -> memref<50x128xi32, #tpu.memory_space<hbm>>
      tpu.enqueue_dma source(%dma_start3A_253 : memref<50x128xi32, #tpu.memory_space<hbm>>) target(%arg13 : memref<50x128xi32, #tpu.memory_space<vmem>>) target_semaphore(%run_scoped3A_245 : memref<!tpu.dma_semaphore, #tpu.memory_space<semaphore_mem>>)
      %dma_wait3A_254 = arith.constant 0 : i32
      %dma_wait3A_255 = arith.constant 0 : i32
      %dma_wait3A_256 = tpu.memref_slice %arg6[%arg1, %dma_wait3A_254, %dma_wait3A_255] : memref<16x50x128xi32, #tpu.memory_space<hbm>> -> memref<1x50x128xi32, #tpu.memory_space<hbm>>
      %dma_wait3A_257 = tpu.memref_squeeze %dma_wait3A_256 : memref<1x50x128xi32, #tpu.memory_space<hbm>> -> memref<50x128xi32, #tpu.memory_space<hbm>>
      %dma_wait3A_258 = arith.constant 0 : i32
      %dma_wait3A_259 = arith.constant 0 : i32
      %dma_wait3A_260 = tpu.memref_slice %arg6[%arg1, %dma_wait3A_258, %dma_wait3A_259] : memref<16x50x128xi32, #tpu.memory_space<hbm>> -> memref<1x50x128xi32, #tpu.memory_space<hbm>>
      %dma_wait3A_261 = tpu.memref_squeeze %dma_wait3A_260 : memref<1x50x128xi32, #tpu.memory_space<hbm>> -> memref<50x128xi32, #tpu.memory_space<hbm>>
      tpu.wait_dma2 semaphore(%run_scoped3A_245 : memref<!tpu.dma_semaphore, #tpu.memory_space<semaphore_mem>>) src(%dma_wait3A_261 : memref<50x128xi32, #tpu.memory_space<hbm>>) dst(%arg13 : memref<50x128xi32, #tpu.memory_space<vmem>>)
      tpu.yield
    }) : () -> ()
    %get3A = arith.constant 0 : index
    %get3A_171 = tpu.vector_load %arg15[%get3A] {strides = array<i32>} : memref<64xf32, #tpu.memory_space<vmem>>, vector<16xf32>,
    %get3A_172 = vector.shape_cast %get3A_171 : vector<16xf32> to vector<16xf32>
    %get3A_173 = arith.constant 16 : index
    %get3A_174 = tpu.vector_load %arg15[%get3A_173] {strides = array<i32>} : memref<64xf32, #tpu.memory_space<vmem>>, vector<16xf32>,
    %get3A_175 = vector.shape_cast %get3A_174 : vector<16xf32> to vector<16xf32>
    %get3A_176 = arith.constant 32 : index
    %get3A_177 = tpu.vector_load %arg15[%get3A_176] {strides = array<i32>} : memref<64xf32, #tpu.memory_space<vmem>>, vector<16xf32>,
    %get3A_178 = vector.shape_cast %get3A_177 : vector<16xf32> to vector<16xf32>
    %get3A_179 = arith.constant 48 : index
    %get3A_180 = tpu.vector_load %arg15[%get3A_179] {strides = array<i32>} : memref<64xf32, #tpu.memory_space<vmem>>, vector<16xf32>,
    %get3A_181 = vector.shape_cast %get3A_180 : vector<16xf32> to vector<16xf32>
    %dma_start3A_182 = arith.constant 0 : i32
    %dma_start3A_183 = arith.constant 0 : i32
    %dma_start3A_184 = arith.constant 0 : i32
    %dma_start3A_185 = arith.constant 0 : i32
    %dma_start3A_186 = tpu.memref_slice %arg11[%dma_start3A_183, %dma_start3A_184, %dma_start3A_185] : memref<4x128x64xf32, #tpu.memory_space<vmem>> -> memref<1x128x64xf32, #tpu.memory_space<vmem>>
    %dma_start3A_187 = tpu.memref_squeeze %dma_start3A_186 : memref<1x128x64xf32, #tpu.memory_space<vmem>> -> memref<128x64xf32, #tpu.memory_space<vmem>>
    %dma_start3A_188 = arith.constant 0 : i32
    %dma_start3A_189 = tpu.memref_slice %arg12[%dma_start3A_182, %dma_start3A_188] : memref<50x128xi32, #tpu.memory_space<vmem>> -> memref<1x128xi32, #tpu.memory_space<vmem>>
    %dma_start3A_190 = tpu.memref_squeeze %dma_start3A_189 : memref<1x128xi32, #tpu.memory_space<vmem>> -> memref<128xi32, #tpu.memory_space<vmem>>
    %dma_start3A_191 = arith.constant 0 : i32
    %dma_start3A_192 = arith.constant 0 : i32
    %dma_start3A_193 = tpu.memref_slice %arg16[%dma_start3A_191, %dma_start3A_192] : memref<10240x64xf32, #tpu.memory_space<vmem_shared>> -> memref<10240x64xf32, #tpu.memory_space<vmem_shared>>
    tpu.enqueue_indirect_dma source(%dma_start3A_193 : memref<10240x64xf32, #tpu.memory_space<vmem_shared>>) target(%dma_start3A_187 : memref<128x64xf32, #tpu.memory_space<vmem>>) offsets(%dma_start3A_190 : memref<128xi32, #tpu.memory_space<vmem>>) semaphore(%arg17 : memref<!tpu.dma_semaphore, #tpu.memory_space<semaphore_mem>>)
    %dma_start3A_194 = arith.constant 0 : i32
    %dma_start3A_195 = arith.constant 1 : i32
    %dma_start3A_196 = arith.constant 0 : i32
    %dma_start3A_197 = arith.constant 0 : i32
    %dma_start3A_198 = tpu.memref_slice %arg11[%dma_start3A_195, %dma_start3A_196, %dma_start3A_197] : memref<4x128x64xf32, #tpu.memory_space<vmem>> -> memref<1x128x64xf32, #tpu.memory_space<vmem>>
    %dma_start3A_199 = tpu.memref_squeeze %dma_start3A_198 : memref<1x128x64xf32, #tpu.memory_space<vmem>> -> memref<128x64xf32, #tpu.memory_space<vmem>>
    %dma_start3A_200 = arith.constant 0 : i32
    %dma_start3A_201 = tpu.memref_slice %arg13[%dma_start3A_194, %dma_start3A_200] : memref<50x128xi32, #tpu.memory_space<vmem>> -> memref<1x128xi32, #tpu.memory_space<vmem>>
    %dma_start3A_202 = tpu.memref_squeeze %dma_start3A_201 : memref<1x128xi32, #tpu.memory_space<vmem>> -> memref<128xi32, #tpu.memory_space<vmem>>
    %dma_start3A_203 = arith.constant 0 : i32
    %dma_start3A_204 = arith.constant 0 : i32
    %dma_start3A_205 = tpu.memref_slice %arg16[%dma_start3A_203, %dma_start3A_204] : memref<10240x64xf32, #tpu.memory_space<vmem_shared>> -> memref<10240x64xf32, #tpu.memory_space<vmem_shared>>
    tpu.enqueue_indirect_dma source(%dma_start3A_205 : memref<10240x64xf32, #tpu.memory_space<vmem_shared>>) target(%dma_start3A_199 : memref<128x64xf32, #tpu.memory_space<vmem>>) offsets(%dma_start3A_202 : memref<128xi32, #tpu.memory_space<vmem>>) semaphore(%arg18 : memref<!tpu.dma_semaphore, #tpu.memory_space<semaphore_mem>>)
    %scan3A_206 = arith.constant 0 : i32
    %scan3A_207 = arith.constant 0 : i32
    %scan3A_208 = arith.constant 25 : i32
    %scan3A_209 = arith.addi %scan3A_207, %scan3A_208 : i32
    %scan3A_210 = arith.constant 1 : i32
    scf.for %scan3A_245 = %scan3A_207 to %scan3A_209 step %scan3A_210  : i32 {
      %mul3A_246 = arith.constant 2 : i32
      %mul3A_247 = arith.muli %mul3A_246, %scan3A_245 : i32
      %add3A_248 = arith.constant 0 : i32
      %add3A_249 = arith.addi %mul3A_247, %add3A_248 : i32
      %dma_wait3A_250 = arith.constant 0 : i32
      %dma_wait3A_251 = arith.constant 0 : i32
      %dma_wait3A_252 = arith.constant 0 : i32
      %dma_wait3A_253 = arith.constant 0 : i32
      %dma_wait3A_254 = tpu.memref_slice %arg11[%dma_wait3A_251, %dma_wait3A_252, %dma_wait3A_253] : memref<4x128x64xf32, #tpu.memory_space<vmem>> -> memref<1x128x64xf32, #tpu.memory_space<vmem>>
      %dma_wait3A_255 = tpu.memref_squeeze %dma_wait3A_254 : memref<1x128x64xf32, #tpu.memory_space<vmem>> -> memref<128x64xf32, #tpu.memory_space<vmem>>
      %dma_wait3A_256 = arith.constant 0 : i32
      %dma_wait3A_257 = tpu.memref_slice %arg12[%dma_wait3A_250, %dma_wait3A_256] : memref<50x128xi32, #tpu.memory_space<vmem>> -> memref<1x128xi32, #tpu.memory_space<vmem>>
      %dma_wait3A_258 = tpu.memref_squeeze %dma_wait3A_257 : memref<1x128xi32, #tpu.memory_space<vmem>> -> memref<128xi32, #tpu.memory_space<vmem>>
      %dma_wait3A_259 = arith.constant 0 : i32
      %dma_wait3A_260 = arith.constant 0 : i32
      %dma_wait3A_261 = tpu.memref_slice %arg16[%dma_wait3A_259, %dma_wait3A_260] : memref<10240x64xf32, #tpu.memory_space<vmem_shared>> -> memref<10240x64xf32, #tpu.memory_space<vmem_shared>>
      tpu.wait_indirect_dma semaphore(%arg17 : memref<!tpu.dma_semaphore, #tpu.memory_space<semaphore_mem>>) src(%dma_wait3A_261 : memref<10240x64xf32, #tpu.memory_space<vmem_shared>>) dst(%dma_wait3A_255 : memref<128x64xf32, #tpu.memory_space<vmem>>)
      %dma_wait3A_262 = arith.constant 0 : i32
      %dma_wait3A_263 = arith.constant 1 : i32
      %dma_wait3A_264 = arith.constant 0 : i32
      %dma_wait3A_265 = arith.constant 0 : i32
      %dma_wait3A_266 = tpu.memref_slice %arg11[%dma_wait3A_263, %dma_wait3A_264, %dma_wait3A_265] : memref<4x128x64xf32, #tpu.memory_space<vmem>> -> memref<1x128x64xf32, #tpu.memory_space<vmem>>
      %dma_wait3A_267 = tpu.memref_squeeze %dma_wait3A_266 : memref<1x128x64xf32, #tpu.memory_space<vmem>> -> memref<128x64xf32, #tpu.memory_space<vmem>>
      %dma_wait3A_268 = arith.constant 0 : i32
      %dma_wait3A_269 = tpu.memref_slice %arg13[%dma_wait3A_262, %dma_wait3A_268] : memref<50x128xi32, #tpu.memory_space<vmem>> -> memref<1x128xi32, #tpu.memory_space<vmem>>
      %dma_wait3A_270 = tpu.memref_squeeze %dma_wait3A_269 : memref<1x128xi32, #tpu.memory_space<vmem>> -> memref<128xi32, #tpu.memory_space<vmem>>
      %dma_wait3A_271 = arith.constant 0 : i32
      %dma_wait3A_272 = arith.constant 0 : i32
      %dma_wait3A_273 = tpu.memref_slice %arg16[%dma_wait3A_271, %dma_wait3A_272] : memref<10240x64xf32, #tpu.memory_space<vmem_shared>> -> memref<10240x64xf32, #tpu.memory_space<vmem_shared>>
      tpu.wait_indirect_dma semaphore(%arg18 : memref<!tpu.dma_semaphore, #tpu.memory_space<semaphore_mem>>) src(%dma_wait3A_273 : memref<10240x64xf32, #tpu.memory_space<vmem_shared>>) dst(%dma_wait3A_267 : memref<128x64xf32, #tpu.memory_space<vmem>>)
      %add3A_274 = arith.constant 1 : i32
      %add3A_275 = arith.addi %add3A_249, %add3A_274 : i32
      %lt3A = arith.constant 50 : i32
      %lt3A_276 = arith.cmpi slt, %add3A_275, %lt3A : i32
      %convert_element_type3A = arith.extui %lt3A_276 : i1 to i32
      %cond3A = arith.constant 0 : i32
      %cond3A_277 = arith.cmpi ne, %convert_element_type3A, %cond3A : i32
      scf.if %cond3A_277 {
        %add3A_374 = arith.constant 1 : i32
        %add3A_375 = arith.addi %add3A_249, %add3A_374 : i32
        %dma_start3A_376 = arith.constant 2 : i32
        %dma_start3A_377 = arith.constant 0 : i32
        %dma_start3A_378 = arith.constant 0 : i32
        %dma_start3A_379 = tpu.memref_slice %arg11[%dma_start3A_376, %dma_start3A_377, %dma_start3A_378] : memref<4x128x64xf32, #tpu.memory_space<vmem>> -> memref<1x128x64xf32, #tpu.memory_space<vmem>>
        %dma_start3A_380 = tpu.memref_squeeze %dma_start3A_379 : memref<1x128x64xf32, #tpu.memory_space<vmem>> -> memref<128x64xf32, #tpu.memory_space<vmem>>
        %dma_start3A_381 = arith.constant 0 : i32
        %dma_start3A_382 = tpu.memref_slice %arg12[%add3A_375, %dma_start3A_381] : memref<50x128xi32, #tpu.memory_space<vmem>> -> memref<1x128xi32, #tpu.memory_space<vmem>>
        %dma_start3A_383 = tpu.memref_squeeze %dma_start3A_382 : memref<1x128xi32, #tpu.memory_space<vmem>> -> memref<128xi32, #tpu.memory_space<vmem>>
        %dma_start3A_384 = arith.constant 0 : i32
        %dma_start3A_385 = arith.constant 0 : i32
        %dma_start3A_386 = tpu.memref_slice %arg16[%dma_start3A_384, %dma_start3A_385] : memref<10240x64xf32, #tpu.memory_space<vmem_shared>> -> memref<10240x64xf32, #tpu.memory_space<vmem_shared>>
        tpu.enqueue_indirect_dma source(%dma_start3A_386 : memref<10240x64xf32, #tpu.memory_space<vmem_shared>>) target(%dma_start3A_380 : memref<128x64xf32, #tpu.memory_space<vmem>>) offsets(%dma_start3A_383 : memref<128xi32, #tpu.memory_space<vmem>>) semaphore(%arg19 : memref<!tpu.dma_semaphore, #tpu.memory_space<semaphore_mem>>)
        %add3A_387 = arith.constant 1 : i32
        %add3A_388 = arith.addi %add3A_249, %add3A_387 : i32
        %dma_start3A_389 = arith.constant 3 : i32
        %dma_start3A_390 = arith.constant 0 : i32
        %dma_start3A_391 = arith.constant 0 : i32
        %dma_start3A_392 = tpu.memref_slice %arg11[%dma_start3A_389, %dma_start3A_390, %dma_start3A_391] : memref<4x128x64xf32, #tpu.memory_space<vmem>> -> memref<1x128x64xf32, #tpu.memory_space<vmem>>
        %dma_start3A_393 = tpu.memref_squeeze %dma_start3A_392 : memref<1x128x64xf32, #tpu.memory_space<vmem>> -> memref<128x64xf32, #tpu.memory_space<vmem>>
        %dma_start3A_394 = arith.constant 0 : i32
        %dma_start3A_395 = tpu.memref_slice %arg13[%add3A_388, %dma_start3A_394] : memref<50x128xi32, #tpu.memory_space<vmem>> -> memref<1x128xi32, #tpu.memory_space<vmem>>
        %dma_start3A_396 = tpu.memref_squeeze %dma_start3A_395 : memref<1x128xi32, #tpu.memory_space<vmem>> -> memref<128xi32, #tpu.memory_space<vmem>>
        %dma_start3A_397 = arith.constant 0 : i32
        %dma_start3A_398 = arith.constant 0 : i32
        %dma_start3A_399 = tpu.memref_slice %arg16[%dma_start3A_397, %dma_start3A_398] : memref<10240x64xf32, #tpu.memory_space<vmem_shared>> -> memref<10240x64xf32, #tpu.memory_space<vmem_shared>>
        tpu.enqueue_indirect_dma source(%dma_start3A_399 : memref<10240x64xf32, #tpu.memory_space<vmem_shared>>) target(%dma_start3A_393 : memref<128x64xf32, #tpu.memory_space<vmem>>) offsets(%dma_start3A_396 : memref<128xi32, #tpu.memory_space<vmem>>) semaphore(%arg20 : memref<!tpu.dma_semaphore, #tpu.memory_space<semaphore_mem>>)
      } else {
      }
      %ge3A = arith.constant 2 : i32
      %ge3A_278 = arith.cmpi sge, %add3A_249, %ge3A : i32
      %convert_element_type3A_279 = arith.extui %ge3A_278 : i1 to i32
      %cond3A_280 = arith.constant 0 : i32
      %cond3A_281 = arith.cmpi ne, %convert_element_type3A_279, %cond3A_280 : i32
      scf.if %cond3A_281 {
        %dma_wait3A_374 = arith.constant 0 : i32
        %dma_wait3A_375 = arith.constant 0 : i32
        %dma_wait3A_376 = arith.constant 0 : i32
        %dma_wait3A_377 = tpu.memref_slice %arg14[%dma_wait3A_374, %dma_wait3A_375, %dma_wait3A_376] : memref<2x128x64xf32, #tpu.memory_space<vmem>> -> memref<1x128x64xf32, #tpu.memory_space<vmem>>
        %dma_wait3A_378 = tpu.memref_squeeze %dma_wait3A_377 : memref<1x128x64xf32, #tpu.memory_space<vmem>> -> memref<128x64xf32, #tpu.memory_space<vmem>>
        %dma_wait3A_379 = arith.constant 0 : i32
        %dma_wait3A_380 = arith.constant 0 : i32
        %dma_wait3A_381 = tpu.memref_slice %arg8[%arg0, %dma_wait3A_379, %dma_wait3A_380] : memref<2x102400x64xf32, #tpu.memory_space<hbm>> -> memref<1x128x64xf32, #tpu.memory_space<hbm>>
        %dma_wait3A_382 = tpu.memref_squeeze %dma_wait3A_381 : memref<1x128x64xf32, #tpu.memory_space<hbm>> -> memref<128x64xf32, #tpu.memory_space<hbm>>
        %dma_wait3A_383 = arith.constant 0 : i32
        %dma_wait3A_384 = arith.constant 0 : i32
        %dma_wait3A_385 = tpu.memref_slice %arg8[%arg0, %dma_wait3A_383, %dma_wait3A_384] : memref<2x102400x64xf32, #tpu.memory_space<hbm>> -> memref<1x128x64xf32, #tpu.memory_space<hbm>>
        %dma_wait3A_386 = tpu.memref_squeeze %dma_wait3A_385 : memref<1x128x64xf32, #tpu.memory_space<hbm>> -> memref<128x64xf32, #tpu.memory_space<hbm>>
        %dma_wait3A_387 = arith.constant 0 : i32
        %dma_wait3A_388 = arith.constant 0 : i32
        %dma_wait3A_389 = tpu.memref_slice %arg14[%dma_wait3A_374, %dma_wait3A_387, %dma_wait3A_388] : memref<2x128x64xf32, #tpu.memory_space<vmem>> -> memref<1x128x64xf32, #tpu.memory_space<vmem>>
        %dma_wait3A_390 = tpu.memref_squeeze %dma_wait3A_389 : memref<1x128x64xf32, #tpu.memory_space<vmem>> -> memref<128x64xf32, #tpu.memory_space<vmem>>
        tpu.wait_dma2 semaphore(%arg21 : memref<!tpu.dma_semaphore, #tpu.memory_space<semaphore_mem>>) src(%dma_wait3A_390 : memref<128x64xf32, #tpu.memory_space<vmem>>) dst(%dma_wait3A_386 : memref<128x64xf32, #tpu.memory_space<hbm>>)
      } else {
      }
      %scan3A_282 = arith.constant 0 : i32
      %scan3A_283 = arith.constant 0 : i32
      %scan3A_284 = arith.constant 64 : i32
      %scan3A_285 = arith.addi %scan3A_283, %scan3A_284 : i32
      %scan3A_286 = arith.constant 1 : i32
      scf.for %scan3A_374 = %scan3A_283 to %scan3A_285 step %scan3A_286  : i32 {
        %mul3A_375 = arith.constant 2 : i32
        %mul3A_376 = arith.muli %mul3A_375, %scan3A_374 : i32
        %add3A_377 = arith.constant 0 : i32
        %add3A_378 = arith.addi %mul3A_376, %add3A_377 : i32
        %get3A_379 = arith.constant 0 : i32
        %get3A_380 = arith.index_cast %get3A_379 : i32 to index
        %get3A_381 = arith.index_cast %add3A_378 : i32 to index
        %get3A_382 = arith.constant 0 : index
        %get3A_383 = tpu.vector_load %arg11[%get3A_380, %get3A_381, %get3A_382] {strides = array<i32>} : memref<4x128x64xf32, #tpu.memory_space<vmem>>, vector<1x1x16xf32>,
        %get3A_384 = vector.shape_cast %get3A_383 : vector<1x1x16xf32> to vector<16xf32>
        %add3A_385 = arith.addf %get3A_384, %get3A_172 : vector<16xf32>
        %max3A = arith.constant 0.000000e+00 : f32
        %max3A_386 = vector.broadcast %max3A : f32 to vector<16xf32>
        %max3A_387 = arith.maximumf %add3A_385, %max3A_386 : vector<16xf32>
        %get3A_388 = arith.constant 1 : i32
        %get3A_389 = arith.index_cast %get3A_388 : i32 to index
        %get3A_390 = arith.index_cast %add3A_378 : i32 to index
        %get3A_391 = arith.constant 0 : index
        %get3A_392 = tpu.vector_load %arg11[%get3A_389, %get3A_390, %get3A_391] {strides = array<i32>} : memref<4x128x64xf32, #tpu.memory_space<vmem>>, vector<1x1x16xf32>,
        %get3A_393 = vector.shape_cast %get3A_392 : vector<1x1x16xf32> to vector<16xf32>
        %add3A_394 = arith.addf %get3A_393, %get3A_172 : vector<16xf32>
        %max3A_395 = arith.constant 0.000000e+00 : f32
        %max3A_396 = vector.broadcast %max3A_395 : f32 to vector<16xf32>
        %max3A_397 = arith.maximumf %add3A_394, %max3A_396 : vector<16xf32>
        %mul3A_398 = arith.mulf %max3A_387, %max3A_397 : vector<16xf32>
        %swap3A = arith.constant 0 : i32
        %swap3A_399 = arith.index_cast %swap3A : i32 to index
        %swap3A_400 = arith.index_cast %add3A_378 : i32 to index
        %swap3A_401 = arith.constant 0 : index
        %swap3A_402 = tpu.vector_load %arg14[%swap3A_399, %swap3A_400, %swap3A_401] {strides = array<i32>} : memref<2x128x64xf32, #tpu.memory_space<vmem>>, vector<1x1x16xf32>,
        %swap3A_403 = vector.shape_cast %swap3A_402 : vector<1x1x16xf32> to vector<16xf32>
        %swap3A_404 = vector.shape_cast %mul3A_398 : vector<16xf32> to vector<1x1x16xf32>
        tpu.vector_store %arg14[%swap3A_399, %swap3A_400, %swap3A_401], %swap3A_404 {strides = array<i32>} : memref<2x128x64xf32, #tpu.memory_space<vmem>>, vector<1x1x16xf32>,
        %get3A_405 = arith.constant 0 : i32
        %get3A_406 = arith.index_cast %get3A_405 : i32 to index
        %get3A_407 = arith.index_cast %add3A_378 : i32 to index
        %get3A_408 = arith.constant 16 : index
        %get3A_409 = tpu.vector_load %arg11[%get3A_406, %get3A_407, %get3A_408] {strides = array<i32>} : memref<4x128x64xf32, #tpu.memory_space<vmem>>, vector<1x1x16xf32>,
        %get3A_410 = vector.shape_cast %get3A_409 : vector<1x1x16xf32> to vector<16xf32>
        %add3A_411 = arith.addf %get3A_410, %get3A_175 : vector<16xf32>
        %max3A_412 = arith.constant 0.000000e+00 : f32
        %max3A_413 = vector.broadcast %max3A_412 : f32 to vector<16xf32>
        %max3A_414 = arith.maximumf %add3A_411, %max3A_413 : vector<16xf32>
        %get3A_415 = arith.constant 1 : i32
        %get3A_416 = arith.index_cast %get3A_415 : i32 to index
        %get3A_417 = arith.index_cast %add3A_378 : i32 to index
        %get3A_418 = arith.constant 16 : index
        %get3A_419 = tpu.vector_load %arg11[%get3A_416, %get3A_417, %get3A_418] {strides = array<i32>} : memref<4x128x64xf32, #tpu.memory_space<vmem>>, vector<1x1x16xf32>,
        %get3A_420 = vector.shape_cast %get3A_419 : vector<1x1x16xf32> to vector<16xf32>
        %add3A_421 = arith.addf %get3A_420, %get3A_175 : vector<16xf32>
        %max3A_422 = arith.constant 0.000000e+00 : f32
        %max3A_423 = vector.broadcast %max3A_422 : f32 to vector<16xf32>
        %max3A_424 = arith.maximumf %add3A_421, %max3A_423 : vector<16xf32>
        %mul3A_425 = arith.mulf %max3A_414, %max3A_424 : vector<16xf32>
        %swap3A_426 = arith.constant 0 : i32
        %swap3A_427 = arith.index_cast %swap3A_426 : i32 to index
        %swap3A_428 = arith.index_cast %add3A_378 : i32 to index
        %swap3A_429 = arith.constant 16 : index
        %swap3A_430 = tpu.vector_load %arg14[%swap3A_427, %swap3A_428, %swap3A_429] {strides = array<i32>} : memref<2x128x64xf32, #tpu.memory_space<vmem>>, vector<1x1x16xf32>,
        %swap3A_431 = vector.shape_cast %swap3A_430 : vector<1x1x16xf32> to vector<16xf32>
        %swap3A_432 = vector.shape_cast %mul3A_425 : vector<16xf32> to vector<1x1x16xf32>
        tpu.vector_store %arg14[%swap3A_427, %swap3A_428, %swap3A_429], %swap3A_432 {strides = array<i32>} : memref<2x128x64xf32, #tpu.memory_space<vmem>>, vector<1x1x16xf32>,
        %get3A_433 = arith.constant 0 : i32
        %get3A_434 = arith.index_cast %get3A_433 : i32 to index
        %get3A_435 = arith.index_cast %add3A_378 : i32 to index
        %get3A_436 = arith.constant 32 : index
        %get3A_437 = tpu.vector_load %arg11[%get3A_434, %get3A_435, %get3A_436] {strides = array<i32>} : memref<4x128x64xf32, #tpu.memory_space<vmem>>, vector<1x1x16xf32>,
        %get3A_438 = vector.shape_cast %get3A_437 : vector<1x1x16xf32> to vector<16xf32>
        %add3A_439 = arith.addf %get3A_438, %get3A_178 : vector<16xf32>
        %max3A_440 = arith.constant 0.000000e+00 : f32
        %max3A_441 = vector.broadcast %max3A_440 : f32 to vector<16xf32>
        %max3A_442 = arith.maximumf %add3A_439, %max3A_441 : vector<16xf32>
        %get3A_443 = arith.constant 1 : i32
        %get3A_444 = arith.index_cast %get3A_443 : i32 to index
        %get3A_445 = arith.index_cast %add3A_378 : i32 to index
        %get3A_446 = arith.constant 32 : index
        %get3A_447 = tpu.vector_load %arg11[%get3A_444, %get3A_445, %get3A_446] {strides = array<i32>} : memref<4x128x64xf32, #tpu.memory_space<vmem>>, vector<1x1x16xf32>,
        %get3A_448 = vector.shape_cast %get3A_447 : vector<1x1x16xf32> to vector<16xf32>
        %add3A_449 = arith.addf %get3A_448, %get3A_178 : vector<16xf32>
        %max3A_450 = arith.constant 0.000000e+00 : f32
        %max3A_451 = vector.broadcast %max3A_450 : f32 to vector<16xf32>
        %max3A_452 = arith.maximumf %add3A_449, %max3A_451 : vector<16xf32>
        %mul3A_453 = arith.mulf %max3A_442, %max3A_452 : vector<16xf32>
        %swap3A_454 = arith.constant 0 : i32
        %swap3A_455 = arith.index_cast %swap3A_454 : i32 to index
        %swap3A_456 = arith.index_cast %add3A_378 : i32 to index
        %swap3A_457 = arith.constant 32 : index
        %swap3A_458 = tpu.vector_load %arg14[%swap3A_455, %swap3A_456, %swap3A_457] {strides = array<i32>} : memref<2x128x64xf32, #tpu.memory_space<vmem>>, vector<1x1x16xf32>,
        %swap3A_459 = vector.shape_cast %swap3A_458 : vector<1x1x16xf32> to vector<16xf32>
        %swap3A_460 = vector.shape_cast %mul3A_453 : vector<16xf32> to vector<1x1x16xf32>
        tpu.vector_store %arg14[%swap3A_455, %swap3A_456, %swap3A_457], %swap3A_460 {strides = array<i32>} : memref<2x128x64xf32, #tpu.memory_space<vmem>>, vector<1x1x16xf32>,
        %get3A_461 = arith.constant 0 : i32
        %get3A_462 = arith.index_cast %get3A_461 : i32 to index
        %get3A_463 = arith.index_cast %add3A_378 : i32 to index
        %get3A_464 = arith.constant 48 : index
        %get3A_465 = tpu.vector_load %arg11[%get3A_462, %get3A_463, %get3A_464] {strides = array<i32>} : memref<4x128x64xf32, #tpu.memory_space<vmem>>, vector<1x1x16xf32>,
        %get3A_466 = vector.shape_cast %get3A_465 : vector<1x1x16xf32> to vector<16xf32>
        %add3A_467 = arith.addf %get3A_466, %get3A_181 : vector<16xf32>
        %max3A_468 = arith.constant 0.000000e+00 : f32
        %max3A_469 = vector.broadcast %max3A_468 : f32 to vector<16xf32>
        %max3A_470 = arith.maximumf %add3A_467, %max3A_469 : vector<16xf32>
        %get3A_471 = arith.constant 1 : i32
        %get3A_472 = arith.index_cast %get3A_471 : i32 to index
        %get3A_473 = arith.index_cast %add3A_378 : i32 to index
        %get3A_474 = arith.constant 48 : index
        %get3A_475 = tpu.vector_load %arg11[%get3A_472, %get3A_473, %get3A_474] {strides = array<i32>} : memref<4x128x64xf32, #tpu.memory_space<vmem>>, vector<1x1x16xf32>,
        %get3A_476 = vector.shape_cast %get3A_475 : vector<1x1x16xf32> to vector<16xf32>
        %add3A_477 = arith.addf %get3A_476, %get3A_181 : vector<16xf32>
        %max3A_478 = arith.constant 0.000000e+00 : f32
        %max3A_479 = vector.broadcast %max3A_478 : f32 to vector<16xf32>
        %max3A_480 = arith.maximumf %add3A_477, %max3A_479 : vector<16xf32>
        %mul3A_481 = arith.mulf %max3A_470, %max3A_480 : vector<16xf32>
        %swap3A_482 = arith.constant 0 : i32
        %swap3A_483 = arith.index_cast %swap3A_482 : i32 to index
        %swap3A_484 = arith.index_cast %add3A_378 : i32 to index
        %swap3A_485 = arith.constant 48 : index
        %swap3A_486 = tpu.vector_load %arg14[%swap3A_483, %swap3A_484, %swap3A_485] {strides = array<i32>} : memref<2x128x64xf32, #tpu.memory_space<vmem>>, vector<1x1x16xf32>,
        %swap3A_487 = vector.shape_cast %swap3A_486 : vector<1x1x16xf32> to vector<16xf32>
        %swap3A_488 = vector.shape_cast %mul3A_481 : vector<16xf32> to vector<1x1x16xf32>
        tpu.vector_store %arg14[%swap3A_483, %swap3A_484, %swap3A_485], %swap3A_488 {strides = array<i32>} : memref<2x128x64xf32, #tpu.memory_space<vmem>>, vector<1x1x16xf32>,
        %mul3A_489 = arith.constant 2 : i32
        %mul3A_490 = arith.muli %mul3A_489, %scan3A_374 : i32
        %add3A_491 = arith.constant 1 : i32
        %add3A_492 = arith.addi %mul3A_490, %add3A_491 : i32
        %get3A_493 = arith.constant 0 : i32
        %get3A_494 = arith.index_cast %get3A_493 : i32 to index
        %get3A_495 = arith.index_cast %add3A_492 : i32 to index
        %get3A_496 = arith.constant 0 : index
        %get3A_497 = tpu.vector_load %arg11[%get3A_494, %get3A_495, %get3A_496] {strides = array<i32>} : memref<4x128x64xf32, #tpu.memory_space<vmem>>, vector<1x1x16xf32>,
        %get3A_498 = vector.shape_cast %get3A_497 : vector<1x1x16xf32> to vector<16xf32>
        %add3A_499 = arith.addf %get3A_498, %get3A_172 : vector<16xf32>
        %max3A_500 = arith.constant 0.000000e+00 : f32
        %max3A_501 = vector.broadcast %max3A_500 : f32 to vector<16xf32>
        %max3A_502 = arith.maximumf %add3A_499, %max3A_501 : vector<16xf32>
        %get3A_503 = arith.constant 1 : i32
        %get3A_504 = arith.index_cast %get3A_503 : i32 to index
        %get3A_505 = arith.index_cast %add3A_492 : i32 to index
        %get3A_506 = arith.constant 0 : index
        %get3A_507 = tpu.vector_load %arg11[%get3A_504, %get3A_505, %get3A_506] {strides = array<i32>} : memref<4x128x64xf32, #tpu.memory_space<vmem>>, vector<1x1x16xf32>,
        %get3A_508 = vector.shape_cast %get3A_507 : vector<1x1x16xf32> to vector<16xf32>
        %add3A_509 = arith.addf %get3A_508, %get3A_172 : vector<16xf32>
        %max3A_510 = arith.constant 0.000000e+00 : f32
        %max3A_511 = vector.broadcast %max3A_510 : f32 to vector<16xf32>
        %max3A_512 = arith.maximumf %add3A_509, %max3A_511 : vector<16xf32>
        %mul3A_513 = arith.mulf %max3A_502, %max3A_512 : vector<16xf32>
        %swap3A_514 = arith.constant 0 : i32
        %swap3A_515 = arith.index_cast %swap3A_514 : i32 to index
        %swap3A_516 = arith.index_cast %add3A_492 : i32 to index
        %swap3A_517 = arith.constant 0 : index
        %swap3A_518 = tpu.vector_load %arg14[%swap3A_515, %swap3A_516, %swap3A_517] {strides = array<i32>} : memref<2x128x64xf32, #tpu.memory_space<vmem>>, vector<1x1x16xf32>,
        %swap3A_519 = vector.shape_cast %swap3A_518 : vector<1x1x16xf32> to vector<16xf32>
        %swap3A_520 = vector.shape_cast %mul3A_513 : vector<16xf32> to vector<1x1x16xf32>
        tpu.vector_store %arg14[%swap3A_515, %swap3A_516, %swap3A_517], %swap3A_520 {strides = array<i32>} : memref<2x128x64xf32, #tpu.memory_space<vmem>>, vector<1x1x16xf32>,
        %get3A_521 = arith.constant 0 : i32
        %get3A_522 = arith.index_cast %get3A_521 : i32 to index
        %get3A_523 = arith.index_cast %add3A_492 : i32 to index
        %get3A_524 = arith.constant 16 : index
        %get3A_525 = tpu.vector_load %arg11[%get3A_522, %get3A_523, %get3A_524] {strides = array<i32>} : memref<4x128x64xf32, #tpu.memory_space<vmem>>, vector<1x1x16xf32>,
        %get3A_526 = vector.shape_cast %get3A_525 : vector<1x1x16xf32> to vector<16xf32>
        %add3A_527 = arith.addf %get3A_526, %get3A_175 : vector<16xf32>
        %max3A_528 = arith.constant 0.000000e+00 : f32
        %max3A_529 = vector.broadcast %max3A_528 : f32 to vector<16xf32>
        %max3A_530 = arith.maximumf %add3A_527, %max3A_529 : vector<16xf32>
        %get3A_531 = arith.constant 1 : i32
        %get3A_532 = arith.index_cast %get3A_531 : i32 to index
        %get3A_533 = arith.index_cast %add3A_492 : i32 to index
        %get3A_534 = arith.constant 16 : index
        %get3A_535 = tpu.vector_load %arg11[%get3A_532, %get3A_533, %get3A_534] {strides = array<i32>} : memref<4x128x64xf32, #tpu.memory_space<vmem>>, vector<1x1x16xf32>,
        %get3A_536 = vector.shape_cast %get3A_535 : vector<1x1x16xf32> to vector<16xf32>
        %add3A_537 = arith.addf %get3A_536, %get3A_175 : vector<16xf32>
        %max3A_538 = arith.constant 0.000000e+00 : f32
        %max3A_539 = vector.broadcast %max3A_538 : f32 to vector<16xf32>
        %max3A_540 = arith.maximumf %add3A_537, %max3A_539 : vector<16xf32>
        %mul3A_541 = arith.mulf %max3A_530, %max3A_540 : vector<16xf32>
        %swap3A_542 = arith.constant 0 : i32
        %swap3A_543 = arith.index_cast %swap3A_542 : i32 to index
        %swap3A_544 = arith.index_cast %add3A_492 : i32 to index
        %swap3A_545 = arith.constant 16 : index
        %swap3A_546 = tpu.vector_load %arg14[%swap3A_543, %swap3A_544, %swap3A_545] {strides = array<i32>} : memref<2x128x64xf32, #tpu.memory_space<vmem>>, vector<1x1x16xf32>,
        %swap3A_547 = vector.shape_cast %swap3A_546 : vector<1x1x16xf32> to vector<16xf32>
        %swap3A_548 = vector.shape_cast %mul3A_541 : vector<16xf32> to vector<1x1x16xf32>
        tpu.vector_store %arg14[%swap3A_543, %swap3A_544, %swap3A_545], %swap3A_548 {strides = array<i32>} : memref<2x128x64xf32, #tpu.memory_space<vmem>>, vector<1x1x16xf32>,
        %get3A_549 = arith.constant 0 : i32
        %get3A_550 = arith.index_cast %get3A_549 : i32 to index
        %get3A_551 = arith.index_cast %add3A_492 : i32 to index
        %get3A_552 = arith.constant 32 : index
        %get3A_553 = tpu.vector_load %arg11[%get3A_550, %get3A_551, %get3A_552] {strides = array<i32>} : memref<4x128x64xf32, #tpu.memory_space<vmem>>, vector<1x1x16xf32>,
        %get3A_554 = vector.shape_cast %get3A_553 : vector<1x1x16xf32> to vector<16xf32>
        %add3A_555 = arith.addf %get3A_554, %get3A_178 : vector<16xf32>
        %max3A_556 = arith.constant 0.000000e+00 : f32
        %max3A_557 = vector.broadcast %max3A_556 : f32 to vector<16xf32>
        %max3A_558 = arith.maximumf %add3A_555, %max3A_557 : vector<16xf32>
        %get3A_559 = arith.constant 1 : i32
        %get3A_560 = arith.index_cast %get3A_559 : i32 to index
        %get3A_561 = arith.index_cast %add3A_492 : i32 to index
        %get3A_562 = arith.constant 32 : index
        %get3A_563 = tpu.vector_load %arg11[%get3A_560, %get3A_561, %get3A_562] {strides = array<i32>} : memref<4x128x64xf32, #tpu.memory_space<vmem>>, vector<1x1x16xf32>,
        %get3A_564 = vector.shape_cast %get3A_563 : vector<1x1x16xf32> to vector<16xf32>
        %add3A_565 = arith.addf %get3A_564, %get3A_178 : vector<16xf32>
        %max3A_566 = arith.constant 0.000000e+00 : f32
        %max3A_567 = vector.broadcast %max3A_566 : f32 to vector<16xf32>
        %max3A_568 = arith.maximumf %add3A_565, %max3A_567 : vector<16xf32>
        %mul3A_569 = arith.mulf %max3A_558, %max3A_568 : vector<16xf32>
        %swap3A_570 = arith.constant 0 : i32
        %swap3A_571 = arith.index_cast %swap3A_570 : i32 to index
        %swap3A_572 = arith.index_cast %add3A_492 : i32 to index
        %swap3A_573 = arith.constant 32 : index
        %swap3A_574 = tpu.vector_load %arg14[%swap3A_571, %swap3A_572, %swap3A_573] {strides = array<i32>} : memref<2x128x64xf32, #tpu.memory_space<vmem>>, vector<1x1x16xf32>,
        %swap3A_575 = vector.shape_cast %swap3A_574 : vector<1x1x16xf32> to vector<16xf32>
        %swap3A_576 = vector.shape_cast %mul3A_569 : vector<16xf32> to vector<1x1x16xf32>
        tpu.vector_store %arg14[%swap3A_571, %swap3A_572, %swap3A_573], %swap3A_576 {strides = array<i32>} : memref<2x128x64xf32, #tpu.memory_space<vmem>>, vector<1x1x16xf32>,
        %get3A_577 = arith.constant 0 : i32
        %get3A_578 = arith.index_cast %get3A_577 : i32 to index
        %get3A_579 = arith.index_cast %add3A_492 : i32 to index
        %get3A_580 = arith.constant 48 : index
        %get3A_581 = tpu.vector_load %arg11[%get3A_578, %get3A_579, %get3A_580] {strides = array<i32>} : memref<4x128x64xf32, #tpu.memory_space<vmem>>, vector<1x1x16xf32>,
        %get3A_582 = vector.shape_cast %get3A_581 : vector<1x1x16xf32> to vector<16xf32>
        %add3A_583 = arith.addf %get3A_582, %get3A_181 : vector<16xf32>
        %max3A_584 = arith.constant 0.000000e+00 : f32
        %max3A_585 = vector.broadcast %max3A_584 : f32 to vector<16xf32>
        %max3A_586 = arith.maximumf %add3A_583, %max3A_585 : vector<16xf32>
        %get3A_587 = arith.constant 1 : i32
        %get3A_588 = arith.index_cast %get3A_587 : i32 to index
        %get3A_589 = arith.index_cast %add3A_492 : i32 to index
        %get3A_590 = arith.constant 48 : index
        %get3A_591 = tpu.vector_load %arg11[%get3A_588, %get3A_589, %get3A_590] {strides = array<i32>} : memref<4x128x64xf32, #tpu.memory_space<vmem>>, vector<1x1x16xf32>,
        %get3A_592 = vector.shape_cast %get3A_591 : vector<1x1x16xf32> to vector<16xf32>
        %add3A_593 = arith.addf %get3A_592, %get3A_181 : vector<16xf32>
        %max3A_594 = arith.constant 0.000000e+00 : f32
        %max3A_595 = vector.broadcast %max3A_594 : f32 to vector<16xf32>
        %max3A_596 = arith.maximumf %add3A_593, %max3A_595 : vector<16xf32>
        %mul3A_597 = arith.mulf %max3A_586, %max3A_596 : vector<16xf32>
        %swap3A_598 = arith.constant 0 : i32
        %swap3A_599 = arith.index_cast %swap3A_598 : i32 to index
        %swap3A_600 = arith.index_cast %add3A_492 : i32 to index
        %swap3A_601 = arith.constant 48 : index
        %swap3A_602 = tpu.vector_load %arg14[%swap3A_599, %swap3A_600, %swap3A_601] {strides = array<i32>} : memref<2x128x64xf32, #tpu.memory_space<vmem>>, vector<1x1x16xf32>,
        %swap3A_603 = vector.shape_cast %swap3A_602 : vector<1x1x16xf32> to vector<16xf32>
        %swap3A_604 = vector.shape_cast %mul3A_597 : vector<16xf32> to vector<1x1x16xf32>
        tpu.vector_store %arg14[%swap3A_599, %swap3A_600, %swap3A_601], %swap3A_604 {strides = array<i32>} : memref<2x128x64xf32, #tpu.memory_space<vmem>>, vector<1x1x16xf32>,
      }
      %scan3A_287 = arith.constant 64 : i32
      %mul3A_288 = arith.constant 50 : i32
      %mul3A_289 = arith.muli %arg1, %mul3A_288 : i32
      %add3A_290 = arith.addi %mul3A_289, %add3A_249 : i32
      %mul3A_291 = arith.constant 128 : i32
      %mul3A_292 = arith.muli %add3A_290, %mul3A_291 : i32
      %dma_start3A_293 = arith.constant 0 : i32
      %dma_start3A_294 = arith.constant 0 : i32
      %dma_start3A_295 = arith.constant 0 : i32
      %dma_start3A_296 = tpu.memref_slice %arg14[%dma_start3A_293, %dma_start3A_294, %dma_start3A_295] : memref<2x128x64xf32, #tpu.memory_space<vmem>> -> memref<1x128x64xf32, #tpu.memory_space<vmem>>
      %dma_start3A_297 = tpu.memref_squeeze %dma_start3A_296 : memref<1x128x64xf32, #tpu.memory_space<vmem>> -> memref<128x64xf32, #tpu.memory_space<vmem>>
      %dma_start3A_298 = arith.constant 0 : i32
      %dma_start3A_299 = tpu.memref_slice %arg8[%arg0, %mul3A_292, %dma_start3A_298] : memref<2x102400x64xf32, #tpu.memory_space<hbm>> -> memref<1x128x64xf32, #tpu.memory_space<hbm>>
      %dma_start3A_300 = tpu.memref_squeeze %dma_start3A_299 : memref<1x128x64xf32, #tpu.memory_space<hbm>> -> memref<128x64xf32, #tpu.memory_space<hbm>>
      %dma_start3A_301 = arith.constant 0 : i32
      %dma_start3A_302 = tpu.memref_slice %arg8[%arg0, %mul3A_292, %dma_start3A_301] : memref<2x102400x64xf32, #tpu.memory_space<hbm>> -> memref<1x128x64xf32, #tpu.memory_space<hbm>>
      %dma_start3A_303 = tpu.memref_squeeze %dma_start3A_302 : memref<1x128x64xf32, #tpu.memory_space<hbm>> -> memref<128x64xf32, #tpu.memory_space<hbm>>
      %dma_start3A_304 = arith.constant 0 : i32
      %dma_start3A_305 = arith.constant 0 : i32
      %dma_start3A_306 = tpu.memref_slice %arg14[%dma_start3A_293, %dma_start3A_304, %dma_start3A_305] : memref<2x128x64xf32, #tpu.memory_space<vmem>> -> memref<1x128x64xf32, #tpu.memory_space<vmem>>
      %dma_start3A_307 = tpu.memref_squeeze %dma_start3A_306 : memref<1x128x64xf32, #tpu.memory_space<vmem>> -> memref<128x64xf32, #tpu.memory_space<vmem>>
      tpu.enqueue_dma source(%dma_start3A_307 : memref<128x64xf32, #tpu.memory_space<vmem>>) target(%dma_start3A_303 : memref<128x64xf32, #tpu.memory_space<hbm>>) target_semaphore(%arg21 : memref<!tpu.dma_semaphore, #tpu.memory_space<semaphore_mem>>)
      %mul3A_308 = arith.constant 2 : i32
      %mul3A_309 = arith.muli %mul3A_308, %scan3A_245 : i32
      %add3A_310 = arith.constant 1 : i32
      %add3A_311 = arith.addi %mul3A_309, %add3A_310 : i32
      %dma_wait3A_312 = arith.constant 0 : i32
      %dma_wait3A_313 = arith.constant 2 : i32
      %dma_wait3A_314 = arith.constant 0 : i32
      %dma_wait3A_315 = arith.constant 0 : i32
      %dma_wait3A_316 = tpu.memref_slice %arg11[%dma_wait3A_313, %dma_wait3A_314, %dma_wait3A_315] : memref<4x128x64xf32, #tpu.memory_space<vmem>> -> memref<1x128x64xf32, #tpu.memory_space<vmem>>
      %dma_wait3A_317 = tpu.memref_squeeze %dma_wait3A_316 : memref<1x128x64xf32, #tpu.memory_space<vmem>> -> memref<128x64xf32, #tpu.memory_space<vmem>>
      %dma_wait3A_318 = arith.constant 0 : i32
      %dma_wait3A_319 = tpu.memref_slice %arg12[%dma_wait3A_312, %dma_wait3A_318] : memref<50x128xi32, #tpu.memory_space<vmem>> -> memref<1x128xi32, #tpu.memory_space<vmem>>
      %dma_wait3A_320 = tpu.memref_squeeze %dma_wait3A_319 : memref<1x128xi32, #tpu.memory_space<vmem>> -> memref<128xi32, #tpu.memory_space<vmem>>
      %dma_wait3A_321 = arith.constant 0 : i32
      %dma_wait3A_322 = arith.constant 0 : i32
      %dma_wait3A_323 = tpu.memref_slice %arg16[%dma_wait3A_321, %dma_wait3A_322] : memref<10240x64xf32, #tpu.memory_space<vmem_shared>> -> memref<10240x64xf32, #tpu.memory_space<vmem_shared>>
      tpu.wait_indirect_dma semaphore(%arg19 : memref<!tpu.dma_semaphore, #tpu.memory_space<semaphore_mem>>) src(%dma_wait3A_323 : memref<10240x64xf32, #tpu.memory_space<vmem_shared>>) dst(%dma_wait3A_317 : memref<128x64xf32, #tpu.memory_space<vmem>>)
      %dma_wait3A_324 = arith.constant 0 : i32
      %dma_wait3A_325 = arith.constant 3 : i32
      %dma_wait3A_326 = arith.constant 0 : i32
      %dma_wait3A_327 = arith.constant 0 : i32
      %dma_wait3A_328 = tpu.memref_slice %arg11[%dma_wait3A_325, %dma_wait3A_326, %dma_wait3A_327] : memref<4x128x64xf32, #tpu.memory_space<vmem>> -> memref<1x128x64xf32, #tpu.memory_space<vmem>>
      %dma_wait3A_329 = tpu.memref_squeeze %dma_wait3A_328 : memref<1x128x64xf32, #tpu.memory_space<vmem>> -> memref<128x64xf32, #tpu.memory_space<vmem>>
      %dma_wait3A_330 = arith.constant 0 : i32
      %dma_wait3A_331 = tpu.memref_slice %arg13[%dma_wait3A_324, %dma_wait3A_330] : memref<50x128xi32, #tpu.memory_space<vmem>> -> memref<1x128xi32, #tpu.memory_space<vmem>>
      %dma_wait3A_332 = tpu.memref_squeeze %dma_wait3A_331 : memref<1x128xi32, #tpu.memory_space<vmem>> -> memref<128xi32, #tpu.memory_space<vmem>>
      %dma_wait3A_333 = arith.constant 0 : i32
      %dma_wait3A_334 = arith.constant 0 : i32
      %dma_wait3A_335 = tpu.memref_slice %arg16[%dma_wait3A_333, %dma_wait3A_334] : memref<10240x64xf32, #tpu.memory_space<vmem_shared>> -> memref<10240x64xf32, #tpu.memory_space<vmem_shared>>
      tpu.wait_indirect_dma semaphore(%arg20 : memref<!tpu.dma_semaphore, #tpu.memory_space<semaphore_mem>>) src(%dma_wait3A_335 : memref<10240x64xf32, #tpu.memory_space<vmem_shared>>) dst(%dma_wait3A_329 : memref<128x64xf32, #tpu.memory_space<vmem>>)
      %add3A_336 = arith.constant 1 : i32
      %add3A_337 = arith.addi %add3A_311, %add3A_336 : i32
      %lt3A_338 = arith.constant 50 : i32
      %lt3A_339 = arith.cmpi slt, %add3A_337, %lt3A_338 : i32
      %convert_element_type3A_340 = arith.extui %lt3A_339 : i1 to i32
      %cond3A_341 = arith.constant 0 : i32
      %cond3A_342 = arith.cmpi ne, %convert_element_type3A_340, %cond3A_341 : i32
      scf.if %cond3A_342 {
        %add3A_374 = arith.constant 1 : i32
        %add3A_375 = arith.addi %add3A_311, %add3A_374 : i32
        %dma_start3A_376 = arith.constant 0 : i32
        %dma_start3A_377 = arith.constant 0 : i32
        %dma_start3A_378 = arith.constant 0 : i32
        %dma_start3A_379 = tpu.memref_slice %arg11[%dma_start3A_376, %dma_start3A_377, %dma_start3A_378] : memref<4x128x64xf32, #tpu.memory_space<vmem>> -> memref<1x128x64xf32, #tpu.memory_space<vmem>>
        %dma_start3A_380 = tpu.memref_squeeze %dma_start3A_379 : memref<1x128x64xf32, #tpu.memory_space<vmem>> -> memref<128x64xf32, #tpu.memory_space<vmem>>
        %dma_start3A_381 = arith.constant 0 : i32
        %dma_start3A_382 = tpu.memref_slice %arg12[%add3A_375, %dma_start3A_381] : memref<50x128xi32, #tpu.memory_space<vmem>> -> memref<1x128xi32, #tpu.memory_space<vmem>>
        %dma_start3A_383 = tpu.memref_squeeze %dma_start3A_382 : memref<1x128xi32, #tpu.memory_space<vmem>> -> memref<128xi32, #tpu.memory_space<vmem>>
        %dma_start3A_384 = arith.constant 0 : i32
        %dma_start3A_385 = arith.constant 0 : i32
        %dma_start3A_386 = tpu.memref_slice %arg16[%dma_start3A_384, %dma_start3A_385] : memref<10240x64xf32, #tpu.memory_space<vmem_shared>> -> memref<10240x64xf32, #tpu.memory_space<vmem_shared>>
        tpu.enqueue_indirect_dma source(%dma_start3A_386 : memref<10240x64xf32, #tpu.memory_space<vmem_shared>>) target(%dma_start3A_380 : memref<128x64xf32, #tpu.memory_space<vmem>>) offsets(%dma_start3A_383 : memref<128xi32, #tpu.memory_space<vmem>>) semaphore(%arg17 : memref<!tpu.dma_semaphore, #tpu.memory_space<semaphore_mem>>)
        %add3A_387 = arith.constant 1 : i32
        %add3A_388 = arith.addi %add3A_311, %add3A_387 : i32
        %dma_start3A_389 = arith.constant 1 : i32
        %dma_start3A_390 = arith.constant 0 : i32
        %dma_start3A_391 = arith.constant 0 : i32
        %dma_start3A_392 = tpu.memref_slice %arg11[%dma_start3A_389, %dma_start3A_390, %dma_start3A_391] : memref<4x128x64xf32, #tpu.memory_space<vmem>> -> memref<1x128x64xf32, #tpu.memory_space<vmem>>
        %dma_start3A_393 = tpu.memref_squeeze %dma_start3A_392 : memref<1x128x64xf32, #tpu.memory_space<vmem>> -> memref<128x64xf32, #tpu.memory_space<vmem>>
        %dma_start3A_394 = arith.constant 0 : i32
        %dma_start3A_395 = tpu.memref_slice %arg13[%add3A_388, %dma_start3A_394] : memref<50x128xi32, #tpu.memory_space<vmem>> -> memref<1x128xi32, #tpu.memory_space<vmem>>
        %dma_start3A_396 = tpu.memref_squeeze %dma_start3A_395 : memref<1x128xi32, #tpu.memory_space<vmem>> -> memref<128xi32, #tpu.memory_space<vmem>>
        %dma_start3A_397 = arith.constant 0 : i32
        %dma_start3A_398 = arith.constant 0 : i32
        %dma_start3A_399 = tpu.memref_slice %arg16[%dma_start3A_397, %dma_start3A_398] : memref<10240x64xf32, #tpu.memory_space<vmem_shared>> -> memref<10240x64xf32, #tpu.memory_space<vmem_shared>>
        tpu.enqueue_indirect_dma source(%dma_start3A_399 : memref<10240x64xf32, #tpu.memory_space<vmem_shared>>) target(%dma_start3A_393 : memref<128x64xf32, #tpu.memory_space<vmem>>) offsets(%dma_start3A_396 : memref<128xi32, #tpu.memory_space<vmem>>) semaphore(%arg18 : memref<!tpu.dma_semaphore, #tpu.memory_space<semaphore_mem>>)
      } else {
      }
      %ge3A_343 = arith.constant 2 : i32
      %ge3A_344 = arith.cmpi sge, %add3A_311, %ge3A_343 : i32
      %convert_element_type3A_345 = arith.extui %ge3A_344 : i1 to i32
      %cond3A_346 = arith.constant 0 : i32
      %cond3A_347 = arith.cmpi ne, %convert_element_type3A_345, %cond3A_346 : i32
      scf.if %cond3A_347 {
        %dma_wait3A_374 = arith.constant 1 : i32
        %dma_wait3A_375 = arith.constant 0 : i32
        %dma_wait3A_376 = arith.constant 0 : i32
        %dma_wait3A_377 = tpu.memref_slice %arg14[%dma_wait3A_374, %dma_wait3A_375, %dma_wait3A_376] : memref<2x128x64xf32, #tpu.memory_space<vmem>> -> memref<1x128x64xf32, #tpu.memory_space<vmem>>
        %dma_wait3A_378 = tpu.memref_squeeze %dma_wait3A_377 : memref<1x128x64xf32, #tpu.memory_space<vmem>> -> memref<128x64xf32, #tpu.memory_space<vmem>>
        %dma_wait3A_379 = arith.constant 0 : i32
        %dma_wait3A_380 = arith.constant 0 : i32
        %dma_wait3A_381 = tpu.memref_slice %arg8[%arg0, %dma_wait3A_379, %dma_wait3A_380] : memref<2x102400x64xf32, #tpu.memory_space<hbm>> -> memref<1x128x64xf32, #tpu.memory_space<hbm>>
        %dma_wait3A_382 = tpu.memref_squeeze %dma_wait3A_381 : memref<1x128x64xf32, #tpu.memory_space<hbm>> -> memref<128x64xf32, #tpu.memory_space<hbm>>
        %dma_wait3A_383 = arith.constant 0 : i32
        %dma_wait3A_384 = arith.constant 0 : i32
        %dma_wait3A_385 = tpu.memref_slice %arg8[%arg0, %dma_wait3A_383, %dma_wait3A_384] : memref<2x102400x64xf32, #tpu.memory_space<hbm>> -> memref<1x128x64xf32, #tpu.memory_space<hbm>>
        %dma_wait3A_386 = tpu.memref_squeeze %dma_wait3A_385 : memref<1x128x64xf32, #tpu.memory_space<hbm>> -> memref<128x64xf32, #tpu.memory_space<hbm>>
        %dma_wait3A_387 = arith.constant 0 : i32
        %dma_wait3A_388 = arith.constant 0 : i32
        %dma_wait3A_389 = tpu.memref_slice %arg14[%dma_wait3A_374, %dma_wait3A_387, %dma_wait3A_388] : memref<2x128x64xf32, #tpu.memory_space<vmem>> -> memref<1x128x64xf32, #tpu.memory_space<vmem>>
        %dma_wait3A_390 = tpu.memref_squeeze %dma_wait3A_389 : memref<1x128x64xf32, #tpu.memory_space<vmem>> -> memref<128x64xf32, #tpu.memory_space<vmem>>
        tpu.wait_dma2 semaphore(%arg22 : memref<!tpu.dma_semaphore, #tpu.memory_space<semaphore_mem>>) src(%dma_wait3A_390 : memref<128x64xf32, #tpu.memory_space<vmem>>) dst(%dma_wait3A_386 : memref<128x64xf32, #tpu.memory_space<hbm>>)
      } else {
      }
      %scan3A_348 = arith.constant 0 : i32
      %scan3A_349 = arith.constant 0 : i32
      %scan3A_350 = arith.constant 64 : i32
      %scan3A_351 = arith.addi %scan3A_349, %scan3A_350 : i32
      %scan3A_352 = arith.constant 1 : i32
      scf.for %scan3A_374 = %scan3A_349 to %scan3A_351 step %scan3A_352  : i32 {
        %mul3A_375 = arith.constant 2 : i32
        %mul3A_376 = arith.muli %mul3A_375, %scan3A_374 : i32
        %add3A_377 = arith.constant 0 : i32
        %add3A_378 = arith.addi %mul3A_376, %add3A_377 : i32
        %get3A_379 = arith.constant 2 : i32
        %get3A_380 = arith.index_cast %get3A_379 : i32 to index
        %get3A_381 = arith.index_cast %add3A_378 : i32 to index
        %get3A_382 = arith.constant 0 : index
        %get3A_383 = tpu.vector_load %arg11[%get3A_380, %get3A_381, %get3A_382] {strides = array<i32>} : memref<4x128x64xf32, #tpu.memory_space<vmem>>, vector<1x1x16xf32>,
        %get3A_384 = vector.shape_cast %get3A_383 : vector<1x1x16xf32> to vector<16xf32>
        %add3A_385 = arith.addf %get3A_384, %get3A_172 : vector<16xf32>
        %max3A = arith.constant 0.000000e+00 : f32
        %max3A_386 = vector.broadcast %max3A : f32 to vector<16xf32>
        %max3A_387 = arith.maximumf %add3A_385, %max3A_386 : vector<16xf32>
        %get3A_388 = arith.constant 3 : i32
        %get3A_389 = arith.index_cast %get3A_388 : i32 to index
        %get3A_390 = arith.index_cast %add3A_378 : i32 to index
        %get3A_391 = arith.constant 0 : index
        %get3A_392 = tpu.vector_load %arg11[%get3A_389, %get3A_390, %get3A_391] {strides = array<i32>} : memref<4x128x64xf32, #tpu.memory_space<vmem>>, vector<1x1x16xf32>,
        %get3A_393 = vector.shape_cast %get3A_392 : vector<1x1x16xf32> to vector<16xf32>
        %add3A_394 = arith.addf %get3A_393, %get3A_172 : vector<16xf32>
        %max3A_395 = arith.constant 0.000000e+00 : f32
        %max3A_396 = vector.broadcast %max3A_395 : f32 to vector<16xf32>
        %max3A_397 = arith.maximumf %add3A_394, %max3A_396 : vector<16xf32>
        %mul3A_398 = arith.mulf %max3A_387, %max3A_397 : vector<16xf32>
        %swap3A = arith.constant 1 : i32
        %swap3A_399 = arith.index_cast %swap3A : i32 to index
        %swap3A_400 = arith.index_cast %add3A_378 : i32 to index
        %swap3A_401 = arith.constant 0 : index
        %swap3A_402 = tpu.vector_load %arg14[%swap3A_399, %swap3A_400, %swap3A_401] {strides = array<i32>} : memref<2x128x64xf32, #tpu.memory_space<vmem>>, vector<1x1x16xf32>,
        %swap3A_403 = vector.shape_cast %swap3A_402 : vector<1x1x16xf32> to vector<16xf32>
        %swap3A_404 = vector.shape_cast %mul3A_398 : vector<16xf32> to vector<1x1x16xf32>
        tpu.vector_store %arg14[%swap3A_399, %swap3A_400, %swap3A_401], %swap3A_404 {strides = array<i32>} : memref<2x128x64xf32, #tpu.memory_space<vmem>>, vector<1x1x16xf32>,
        %get3A_405 = arith.constant 2 : i32
        %get3A_406 = arith.index_cast %get3A_405 : i32 to index
        %get3A_407 = arith.index_cast %add3A_378 : i32 to index
        %get3A_408 = arith.constant 16 : index
        %get3A_409 = tpu.vector_load %arg11[%get3A_406, %get3A_407, %get3A_408] {strides = array<i32>} : memref<4x128x64xf32, #tpu.memory_space<vmem>>, vector<1x1x16xf32>,
        %get3A_410 = vector.shape_cast %get3A_409 : vector<1x1x16xf32> to vector<16xf32>
        %add3A_411 = arith.addf %get3A_410, %get3A_175 : vector<16xf32>
        %max3A_412 = arith.constant 0.000000e+00 : f32
        %max3A_413 = vector.broadcast %max3A_412 : f32 to vector<16xf32>
        %max3A_414 = arith.maximumf %add3A_411, %max3A_413 : vector<16xf32>
        %get3A_415 = arith.constant 3 : i32
        %get3A_416 = arith.index_cast %get3A_415 : i32 to index
        %get3A_417 = arith.index_cast %add3A_378 : i32 to index
        %get3A_418 = arith.constant 16 : index
        %get3A_419 = tpu.vector_load %arg11[%get3A_416, %get3A_417, %get3A_418] {strides = array<i32>} : memref<4x128x64xf32, #tpu.memory_space<vmem>>, vector<1x1x16xf32>,
        %get3A_420 = vector.shape_cast %get3A_419 : vector<1x1x16xf32> to vector<16xf32>
        %add3A_421 = arith.addf %get3A_420, %get3A_175 : vector<16xf32>
        %max3A_422 = arith.constant 0.000000e+00 : f32
        %max3A_423 = vector.broadcast %max3A_422 : f32 to vector<16xf32>
        %max3A_424 = arith.maximumf %add3A_421, %max3A_423 : vector<16xf32>
        %mul3A_425 = arith.mulf %max3A_414, %max3A_424 : vector<16xf32>
        %swap3A_426 = arith.constant 1 : i32
        %swap3A_427 = arith.index_cast %swap3A_426 : i32 to index
        %swap3A_428 = arith.index_cast %add3A_378 : i32 to index
        %swap3A_429 = arith.constant 16 : index
        %swap3A_430 = tpu.vector_load %arg14[%swap3A_427, %swap3A_428, %swap3A_429] {strides = array<i32>} : memref<2x128x64xf32, #tpu.memory_space<vmem>>, vector<1x1x16xf32>,
        %swap3A_431 = vector.shape_cast %swap3A_430 : vector<1x1x16xf32> to vector<16xf32>
        %swap3A_432 = vector.shape_cast %mul3A_425 : vector<16xf32> to vector<1x1x16xf32>
        tpu.vector_store %arg14[%swap3A_427, %swap3A_428, %swap3A_429], %swap3A_432 {strides = array<i32>} : memref<2x128x64xf32, #tpu.memory_space<vmem>>, vector<1x1x16xf32>,
        %get3A_433 = arith.constant 2 : i32
        %get3A_434 = arith.index_cast %get3A_433 : i32 to index
        %get3A_435 = arith.index_cast %add3A_378 : i32 to index
        %get3A_436 = arith.constant 32 : index
        %get3A_437 = tpu.vector_load %arg11[%get3A_434, %get3A_435, %get3A_436] {strides = array<i32>} : memref<4x128x64xf32, #tpu.memory_space<vmem>>, vector<1x1x16xf32>,
        %get3A_438 = vector.shape_cast %get3A_437 : vector<1x1x16xf32> to vector<16xf32>
        %add3A_439 = arith.addf %get3A_438, %get3A_178 : vector<16xf32>
        %max3A_440 = arith.constant 0.000000e+00 : f32
        %max3A_441 = vector.broadcast %max3A_440 : f32 to vector<16xf32>
        %max3A_442 = arith.maximumf %add3A_439, %max3A_441 : vector<16xf32>
        %get3A_443 = arith.constant 3 : i32
        %get3A_444 = arith.index_cast %get3A_443 : i32 to index
        %get3A_445 = arith.index_cast %add3A_378 : i32 to index
        %get3A_446 = arith.constant 32 : index
        %get3A_447 = tpu.vector_load %arg11[%get3A_444, %get3A_445, %get3A_446] {strides = array<i32>} : memref<4x128x64xf32, #tpu.memory_space<vmem>>, vector<1x1x16xf32>,
        %get3A_448 = vector.shape_cast %get3A_447 : vector<1x1x16xf32> to vector<16xf32>
        %add3A_449 = arith.addf %get3A_448, %get3A_178 : vector<16xf32>
        %max3A_450 = arith.constant 0.000000e+00 : f32
        %max3A_451 = vector.broadcast %max3A_450 : f32 to vector<16xf32>
        %max3A_452 = arith.maximumf %add3A_449, %max3A_451 : vector<16xf32>
        %mul3A_453 = arith.mulf %max3A_442, %max3A_452 : vector<16xf32>
        %swap3A_454 = arith.constant 1 : i32
        %swap3A_455 = arith.index_cast %swap3A_454 : i32 to index
        %swap3A_456 = arith.index_cast %add3A_378 : i32 to index
        %swap3A_457 = arith.constant 32 : index
        %swap3A_458 = tpu.vector_load %arg14[%swap3A_455, %swap3A_456, %swap3A_457] {strides = array<i32>} : memref<2x128x64xf32, #tpu.memory_space<vmem>>, vector<1x1x16xf32>,
        %swap3A_459 = vector.shape_cast %swap3A_458 : vector<1x1x16xf32> to vector<16xf32>
        %swap3A_460 = vector.shape_cast %mul3A_453 : vector<16xf32> to vector<1x1x16xf32>
        tpu.vector_store %arg14[%swap3A_455, %swap3A_456, %swap3A_457], %swap3A_460 {strides = array<i32>} : memref<2x128x64xf32, #tpu.memory_space<vmem>>, vector<1x1x16xf32>,
        %get3A_461 = arith.constant 2 : i32
        %get3A_462 = arith.index_cast %get3A_461 : i32 to index
        %get3A_463 = arith.index_cast %add3A_378 : i32 to index
        %get3A_464 = arith.constant 48 : index
        %get3A_465 = tpu.vector_load %arg11[%get3A_462, %get3A_463, %get3A_464] {strides = array<i32>} : memref<4x128x64xf32, #tpu.memory_space<vmem>>, vector<1x1x16xf32>,
        %get3A_466 = vector.shape_cast %get3A_465 : vector<1x1x16xf32> to vector<16xf32>
        %add3A_467 = arith.addf %get3A_466, %get3A_181 : vector<16xf32>
        %max3A_468 = arith.constant 0.000000e+00 : f32
        %max3A_469 = vector.broadcast %max3A_468 : f32 to vector<16xf32>
        %max3A_470 = arith.maximumf %add3A_467, %max3A_469 : vector<16xf32>
        %get3A_471 = arith.constant 3 : i32
        %get3A_472 = arith.index_cast %get3A_471 : i32 to index
        %get3A_473 = arith.index_cast %add3A_378 : i32 to index
        %get3A_474 = arith.constant 48 : index
        %get3A_475 = tpu.vector_load %arg11[%get3A_472, %get3A_473, %get3A_474] {strides = array<i32>} : memref<4x128x64xf32, #tpu.memory_space<vmem>>, vector<1x1x16xf32>,
        %get3A_476 = vector.shape_cast %get3A_475 : vector<1x1x16xf32> to vector<16xf32>
        %add3A_477 = arith.addf %get3A_476, %get3A_181 : vector<16xf32>
        %max3A_478 = arith.constant 0.000000e+00 : f32
        %max3A_479 = vector.broadcast %max3A_478 : f32 to vector<16xf32>
        %max3A_480 = arith.maximumf %add3A_477, %max3A_479 : vector<16xf32>
        %mul3A_481 = arith.mulf %max3A_470, %max3A_480 : vector<16xf32>
        %swap3A_482 = arith.constant 1 : i32
        %swap3A_483 = arith.index_cast %swap3A_482 : i32 to index
        %swap3A_484 = arith.index_cast %add3A_378 : i32 to index
        %swap3A_485 = arith.constant 48 : index
        %swap3A_486 = tpu.vector_load %arg14[%swap3A_483, %swap3A_484, %swap3A_485] {strides = array<i32>} : memref<2x128x64xf32, #tpu.memory_space<vmem>>, vector<1x1x16xf32>,
        %swap3A_487 = vector.shape_cast %swap3A_486 : vector<1x1x16xf32> to vector<16xf32>
        %swap3A_488 = vector.shape_cast %mul3A_481 : vector<16xf32> to vector<1x1x16xf32>
        tpu.vector_store %arg14[%swap3A_483, %swap3A_484, %swap3A_485], %swap3A_488 {strides = array<i32>} : memref<2x128x64xf32, #tpu.memory_space<vmem>>, vector<1x1x16xf32>,
        %mul3A_489 = arith.constant 2 : i32
        %mul3A_490 = arith.muli %mul3A_489, %scan3A_374 : i32
        %add3A_491 = arith.constant 1 : i32
        %add3A_492 = arith.addi %mul3A_490, %add3A_491 : i32
        %get3A_493 = arith.constant 2 : i32
        %get3A_494 = arith.index_cast %get3A_493 : i32 to index
        %get3A_495 = arith.index_cast %add3A_492 : i32 to index
        %get3A_496 = arith.constant 0 : index
        %get3A_497 = tpu.vector_load %arg11[%get3A_494, %get3A_495, %get3A_496] {strides = array<i32>} : memref<4x128x64xf32, #tpu.memory_space<vmem>>, vector<1x1x16xf32>,
        %get3A_498 = vector.shape_cast %get3A_497 : vector<1x1x16xf32> to vector<16xf32>
        %add3A_499 = arith.addf %get3A_498, %get3A_172 : vector<16xf32>
        %max3A_500 = arith.constant 0.000000e+00 : f32
        %max3A_501 = vector.broadcast %max3A_500 : f32 to vector<16xf32>
        %max3A_502 = arith.maximumf %add3A_499, %max3A_501 : vector<16xf32>
        %get3A_503 = arith.constant 3 : i32
        %get3A_504 = arith.index_cast %get3A_503 : i32 to index
        %get3A_505 = arith.index_cast %add3A_492 : i32 to index
        %get3A_506 = arith.constant 0 : index
        %get3A_507 = tpu.vector_load %arg11[%get3A_504, %get3A_505, %get3A_506] {strides = array<i32>} : memref<4x128x64xf32, #tpu.memory_space<vmem>>, vector<1x1x16xf32>,
        %get3A_508 = vector.shape_cast %get3A_507 : vector<1x1x16xf32> to vector<16xf32>
        %add3A_509 = arith.addf %get3A_508, %get3A_172 : vector<16xf32>
        %max3A_510 = arith.constant 0.000000e+00 : f32
        %max3A_511 = vector.broadcast %max3A_510 : f32 to vector<16xf32>
        %max3A_512 = arith.maximumf %add3A_509, %max3A_511 : vector<16xf32>
        %mul3A_513 = arith.mulf %max3A_502, %max3A_512 : vector<16xf32>
        %swap3A_514 = arith.constant 1 : i32
        %swap3A_515 = arith.index_cast %swap3A_514 : i32 to index
        %swap3A_516 = arith.index_cast %add3A_492 : i32 to index
        %swap3A_517 = arith.constant 0 : index
        %swap3A_518 = tpu.vector_load %arg14[%swap3A_515, %swap3A_516, %swap3A_517] {strides = array<i32>} : memref<2x128x64xf32, #tpu.memory_space<vmem>>, vector<1x1x16xf32>,
        %swap3A_519 = vector.shape_cast %swap3A_518 : vector<1x1x16xf32> to vector<16xf32>
        %swap3A_520 = vector.shape_cast %mul3A_513 : vector<16xf32> to vector<1x1x16xf32>
        tpu.vector_store %arg14[%swap3A_515, %swap3A_516, %swap3A_517], %swap3A_520 {strides = array<i32>} : memref<2x128x64xf32, #tpu.memory_space<vmem>>, vector<1x1x16xf32>,
        %get3A_521 = arith.constant 2 : i32
        %get3A_522 = arith.index_cast %get3A_521 : i32 to index
        %get3A_523 = arith.index_cast %add3A_492 : i32 to index
        %get3A_524 = arith.constant 16 : index
        %get3A_525 = tpu.vector_load %arg11[%get3A_522, %get3A_523, %get3A_524] {strides = array<i32>} : memref<4x128x64xf32, #tpu.memory_space<vmem>>, vector<1x1x16xf32>,
        %get3A_526 = vector.shape_cast %get3A_525 : vector<1x1x16xf32> to vector<16xf32>
        %add3A_527 = arith.addf %get3A_526, %get3A_175 : vector<16xf32>
        %max3A_528 = arith.constant 0.000000e+00 : f32
        %max3A_529 = vector.broadcast %max3A_528 : f32 to vector<16xf32>
        %max3A_530 = arith.maximumf %add3A_527, %max3A_529 : vector<16xf32>
        %get3A_531 = arith.constant 3 : i32
        %get3A_532 = arith.index_cast %get3A_531 : i32 to index
        %get3A_533 = arith.index_cast %add3A_492 : i32 to index
        %get3A_534 = arith.constant 16 : index
        %get3A_535 = tpu.vector_load %arg11[%get3A_532, %get3A_533, %get3A_534] {strides = array<i32>} : memref<4x128x64xf32, #tpu.memory_space<vmem>>, vector<1x1x16xf32>,
        %get3A_536 = vector.shape_cast %get3A_535 : vector<1x1x16xf32> to vector<16xf32>
        %add3A_537 = arith.addf %get3A_536, %get3A_175 : vector<16xf32>
        %max3A_538 = arith.constant 0.000000e+00 : f32
        %max3A_539 = vector.broadcast %max3A_538 : f32 to vector<16xf32>
        %max3A_540 = arith.maximumf %add3A_537, %max3A_539 : vector<16xf32>
        %mul3A_541 = arith.mulf %max3A_530, %max3A_540 : vector<16xf32>
        %swap3A_542 = arith.constant 1 : i32
        %swap3A_543 = arith.index_cast %swap3A_542 : i32 to index
        %swap3A_544 = arith.index_cast %add3A_492 : i32 to index
        %swap3A_545 = arith.constant 16 : index
        %swap3A_546 = tpu.vector_load %arg14[%swap3A_543, %swap3A_544, %swap3A_545] {strides = array<i32>} : memref<2x128x64xf32, #tpu.memory_space<vmem>>, vector<1x1x16xf32>,
        %swap3A_547 = vector.shape_cast %swap3A_546 : vector<1x1x16xf32> to vector<16xf32>
        %swap3A_548 = vector.shape_cast %mul3A_541 : vector<16xf32> to vector<1x1x16xf32>
        tpu.vector_store %arg14[%swap3A_543, %swap3A_544, %swap3A_545], %swap3A_548 {strides = array<i32>} : memref<2x128x64xf32, #tpu.memory_space<vmem>>, vector<1x1x16xf32>,
        %get3A_549 = arith.constant 2 : i32
        %get3A_550 = arith.index_cast %get3A_549 : i32 to index
        %get3A_551 = arith.index_cast %add3A_492 : i32 to index
        %get3A_552 = arith.constant 32 : index
        %get3A_553 = tpu.vector_load %arg11[%get3A_550, %get3A_551, %get3A_552] {strides = array<i32>} : memref<4x128x64xf32, #tpu.memory_space<vmem>>, vector<1x1x16xf32>,
        %get3A_554 = vector.shape_cast %get3A_553 : vector<1x1x16xf32> to vector<16xf32>
        %add3A_555 = arith.addf %get3A_554, %get3A_178 : vector<16xf32>
        %max3A_556 = arith.constant 0.000000e+00 : f32
        %max3A_557 = vector.broadcast %max3A_556 : f32 to vector<16xf32>
        %max3A_558 = arith.maximumf %add3A_555, %max3A_557 : vector<16xf32>
        %get3A_559 = arith.constant 3 : i32
        %get3A_560 = arith.index_cast %get3A_559 : i32 to index
        %get3A_561 = arith.index_cast %add3A_492 : i32 to index
        %get3A_562 = arith.constant 32 : index
        %get3A_563 = tpu.vector_load %arg11[%get3A_560, %get3A_561, %get3A_562] {strides = array<i32>} : memref<4x128x64xf32, #tpu.memory_space<vmem>>, vector<1x1x16xf32>,
        %get3A_564 = vector.shape_cast %get3A_563 : vector<1x1x16xf32> to vector<16xf32>
        %add3A_565 = arith.addf %get3A_564, %get3A_178 : vector<16xf32>
        %max3A_566 = arith.constant 0.000000e+00 : f32
        %max3A_567 = vector.broadcast %max3A_566 : f32 to vector<16xf32>
        %max3A_568 = arith.maximumf %add3A_565, %max3A_567 : vector<16xf32>
        %mul3A_569 = arith.mulf %max3A_558, %max3A_568 : vector<16xf32>
        %swap3A_570 = arith.constant 1 : i32
        %swap3A_571 = arith.index_cast %swap3A_570 : i32 to index
        %swap3A_572 = arith.index_cast %add3A_492 : i32 to index
        %swap3A_573 = arith.constant 32 : index
        %swap3A_574 = tpu.vector_load %arg14[%swap3A_571, %swap3A_572, %swap3A_573] {strides = array<i32>} : memref<2x128x64xf32, #tpu.memory_space<vmem>>, vector<1x1x16xf32>,
        %swap3A_575 = vector.shape_cast %swap3A_574 : vector<1x1x16xf32> to vector<16xf32>
        %swap3A_576 = vector.shape_cast %mul3A_569 : vector<16xf32> to vector<1x1x16xf32>
        tpu.vector_store %arg14[%swap3A_571, %swap3A_572, %swap3A_573], %swap3A_576 {strides = array<i32>} : memref<2x128x64xf32, #tpu.memory_space<vmem>>, vector<1x1x16xf32>,
        %get3A_577 = arith.constant 2 : i32
        %get3A_578 = arith.index_cast %get3A_577 : i32 to index
        %get3A_579 = arith.index_cast %add3A_492 : i32 to index
        %get3A_580 = arith.constant 48 : index
        %get3A_581 = tpu.vector_load %arg11[%get3A_578, %get3A_579, %get3A_580] {strides = array<i32>} : memref<4x128x64xf32, #tpu.memory_space<vmem>>, vector<1x1x16xf32>,
        %get3A_582 = vector.shape_cast %get3A_581 : vector<1x1x16xf32> to vector<16xf32>
        %add3A_583 = arith.addf %get3A_582, %get3A_181 : vector<16xf32>
        %max3A_584 = arith.constant 0.000000e+00 : f32
        %max3A_585 = vector.broadcast %max3A_584 : f32 to vector<16xf32>
        %max3A_586 = arith.maximumf %add3A_583, %max3A_585 : vector<16xf32>
        %get3A_587 = arith.constant 3 : i32
        %get3A_588 = arith.index_cast %get3A_587 : i32 to index
        %get3A_589 = arith.index_cast %add3A_492 : i32 to index
        %get3A_590 = arith.constant 48 : index
        %get3A_591 = tpu.vector_load %arg11[%get3A_588, %get3A_589, %get3A_590] {strides = array<i32>} : memref<4x128x64xf32, #tpu.memory_space<vmem>>, vector<1x1x16xf32>,
        %get3A_592 = vector.shape_cast %get3A_591 : vector<1x1x16xf32> to vector<16xf32>
        %add3A_593 = arith.addf %get3A_592, %get3A_181 : vector<16xf32>
        %max3A_594 = arith.constant 0.000000e+00 : f32
        %max3A_595 = vector.broadcast %max3A_594 : f32 to vector<16xf32>
        %max3A_596 = arith.maximumf %add3A_593, %max3A_595 : vector<16xf32>
        %mul3A_597 = arith.mulf %max3A_586, %max3A_596 : vector<16xf32>
        %swap3A_598 = arith.constant 1 : i32
        %swap3A_599 = arith.index_cast %swap3A_598 : i32 to index
        %swap3A_600 = arith.index_cast %add3A_492 : i32 to index
        %swap3A_601 = arith.constant 48 : index
        %swap3A_602 = tpu.vector_load %arg14[%swap3A_599, %swap3A_600, %swap3A_601] {strides = array<i32>} : memref<2x128x64xf32, #tpu.memory_space<vmem>>, vector<1x1x16xf32>,
        %swap3A_603 = vector.shape_cast %swap3A_602 : vector<1x1x16xf32> to vector<16xf32>
        %swap3A_604 = vector.shape_cast %mul3A_597 : vector<16xf32> to vector<1x1x16xf32>
        tpu.vector_store %arg14[%swap3A_599, %swap3A_600, %swap3A_601], %swap3A_604 {strides = array<i32>} : memref<2x128x64xf32, #tpu.memory_space<vmem>>, vector<1x1x16xf32>,
      }
      %scan3A_353 = arith.constant 64 : i32
      %mul3A_354 = arith.constant 50 : i32
      %mul3A_355 = arith.muli %arg1, %mul3A_354 : i32
      %add3A_356 = arith.addi %mul3A_355, %add3A_311 : i32
      %mul3A_357 = arith.constant 128 : i32
      %mul3A_358 = arith.muli %add3A_356, %mul3A_357 : i32
      %dma_start3A_359 = arith.constant 1 : i32
      %dma_start3A_360 = arith.constant 0 : i32
      %dma_start3A_361 = arith.constant 0 : i32
      %dma_start3A_362 = tpu.memref_slice %arg14[%dma_start3A_359, %dma_start3A_360, %dma_start3A_361] : memref<2x128x64xf32, #tpu.memory_space<vmem>> -> memref<1x128x64xf32, #tpu.memory_space<vmem>>
      %dma_start3A_363 = tpu.memref_squeeze %dma_start3A_362 : memref<1x128x64xf32, #tpu.memory_space<vmem>> -> memref<128x64xf32, #tpu.memory_space<vmem>>
      %dma_start3A_364 = arith.constant 0 : i32
      %dma_start3A_365 = tpu.memref_slice %arg8[%arg0, %mul3A_358, %dma_start3A_364] : memref<2x102400x64xf32, #tpu.memory_space<hbm>> -> memref<1x128x64xf32, #tpu.memory_space<hbm>>
      %dma_start3A_366 = tpu.memref_squeeze %dma_start3A_365 : memref<1x128x64xf32, #tpu.memory_space<hbm>> -> memref<128x64xf32, #tpu.memory_space<hbm>>
      %dma_start3A_367 = arith.constant 0 : i32
      %dma_start3A_368 = tpu.memref_slice %arg8[%arg0, %mul3A_358, %dma_start3A_367] : memref<2x102400x64xf32, #tpu.memory_space<hbm>> -> memref<1x128x64xf32, #tpu.memory_space<hbm>>
      %dma_start3A_369 = tpu.memref_squeeze %dma_start3A_368 : memref<1x128x64xf32, #tpu.memory_space<hbm>> -> memref<128x64xf32, #tpu.memory_space<hbm>>
      %dma_start3A_370 = arith.constant 0 : i32
      %dma_start3A_371 = arith.constant 0 : i32
      %dma_start3A_372 = tpu.memref_slice %arg14[%dma_start3A_359, %dma_start3A_370, %dma_start3A_371] : memref<2x128x64xf32, #tpu.memory_space<vmem>> -> memref<1x128x64xf32, #tpu.memory_space<vmem>>
      %dma_start3A_373 = tpu.memref_squeeze %dma_start3A_372 : memref<1x128x64xf32, #tpu.memory_space<vmem>> -> memref<128x64xf32, #tpu.memory_space<vmem>>
      tpu.enqueue_dma source(%dma_start3A_373 : memref<128x64xf32, #tpu.memory_space<vmem>>) target(%dma_start3A_369 : memref<128x64xf32, #tpu.memory_space<hbm>>) target_semaphore(%arg22 : memref<!tpu.dma_semaphore, #tpu.memory_space<semaphore_mem>>)
    }
    %scan3A_211 = arith.constant 25 : i32
    %dma_wait3A = arith.constant 0 : i32
    %dma_wait3A_212 = arith.constant 0 : i32
    %dma_wait3A_213 = arith.constant 0 : i32
    %dma_wait3A_214 = tpu.memref_slice %arg14[%dma_wait3A, %dma_wait3A_212, %dma_wait3A_213] : memref<2x128x64xf32, #tpu.memory_space<vmem>> -> memref<1x128x64xf32, #tpu.memory_space<vmem>>
    %dma_wait3A_215 = tpu.memref_squeeze %dma_wait3A_214 : memref<1x128x64xf32, #tpu.memory_space<vmem>> -> memref<128x64xf32, #tpu.memory_space<vmem>>
    %dma_wait3A_216 = arith.constant 0 : i32
    %dma_wait3A_217 = arith.constant 0 : i32
    %dma_wait3A_218 = tpu.memref_slice %arg8[%arg0, %dma_wait3A_216, %dma_wait3A_217] : memref<2x102400x64xf32, #tpu.memory_space<hbm>> -> memref<1x128x64xf32, #tpu.memory_space<hbm>>
    %dma_wait3A_219 = tpu.memref_squeeze %dma_wait3A_218 : memref<1x128x64xf32, #tpu.memory_space<hbm>> -> memref<128x64xf32, #tpu.memory_space<hbm>>
    %dma_wait3A_220 = arith.constant 0 : i32
    %dma_wait3A_221 = arith.constant 0 : i32
    %dma_wait3A_222 = tpu.memref_slice %arg8[%arg0, %dma_wait3A_220, %dma_wait3A_221] : memref<2x102400x64xf32, #tpu.memory_space<hbm>> -> memref<1x128x64xf32, #tpu.memory_space<hbm>>
    %dma_wait3A_223 = tpu.memref_squeeze %dma_wait3A_222 : memref<1x128x64xf32, #tpu.memory_space<hbm>> -> memref<128x64xf32, #tpu.memory_space<hbm>>
    %dma_wait3A_224 = arith.constant 0 : i32
    %dma_wait3A_225 = arith.constant 0 : i32
    %dma_wait3A_226 = tpu.memref_slice %arg14[%dma_wait3A, %dma_wait3A_224, %dma_wait3A_225] : memref<2x128x64xf32, #tpu.memory_space<vmem>> -> memref<1x128x64xf32, #tpu.memory_space<vmem>>
    %dma_wait3A_227 = tpu.memref_squeeze %dma_wait3A_226 : memref<1x128x64xf32, #tpu.memory_space<vmem>> -> memref<128x64xf32, #tpu.memory_space<vmem>>
    tpu.wait_dma2 semaphore(%arg21 : memref<!tpu.dma_semaphore, #tpu.memory_space<semaphore_mem>>) src(%dma_wait3A_227 : memref<128x64xf32, #tpu.memory_space<vmem>>) dst(%dma_wait3A_223 : memref<128x64xf32, #tpu.memory_space<hbm>>)
    %dma_wait3A_228 = arith.constant 1 : i32
    %dma_wait3A_229 = arith.constant 0 : i32
    %dma_wait3A_230 = arith.constant 0 : i32
    %dma_wait3A_231 = tpu.memref_slice %arg14[%dma_wait3A_228, %dma_wait3A_229, %dma_wait3A_230] : memref<2x128x64xf32, #tpu.memory_space<vmem>> -> memref<1x128x64xf32, #tpu.memory_space<vmem>>
    %dma_wait3A_232 = tpu.memref_squeeze %dma_wait3A_231 : memref<1x128x64xf32, #tpu.memory_space<vmem>> -> memref<128x64xf32, #tpu.memory_space<vmem>>
    %dma_wait3A_233 = arith.constant 0 : i32
    %dma_wait3A_234 = arith.constant 0 : i32
    %dma_wait3A_235 = tpu.memref_slice %arg8[%arg0, %dma_wait3A_233, %dma_wait3A_234] : memref<2x102400x64xf32, #tpu.memory_space<hbm>> -> memref<1x128x64xf32, #tpu.memory_space<hbm>>
    %dma_wait3A_236 = tpu.memref_squeeze %dma_wait3A_235 : memref<1x128x64xf32, #tpu.memory_space<hbm>> -> memref<128x64xf32, #tpu.memory_space<hbm>>
    %dma_wait3A_237 = arith.constant 0 : i32
    %dma_wait3A_238 = arith.constant 0 : i32
    %dma_wait3A_239 = tpu.memref_slice %arg8[%arg0, %dma_wait3A_237, %dma_wait3A_238] : memref<2x102400x64xf32, #tpu.memory_space<hbm>> -> memref<1x128x64xf32, #tpu.memory_space<hbm>>
    %dma_wait3A_240 = tpu.memref_squeeze %dma_wait3A_239 : memref<1x128x64xf32, #tpu.memory_space<hbm>> -> memref<128x64xf32, #tpu.memory_space<hbm>>
    %dma_wait3A_241 = arith.constant 0 : i32
    %dma_wait3A_242 = arith.constant 0 : i32
    %dma_wait3A_243 = tpu.memref_slice %arg14[%dma_wait3A_228, %dma_wait3A_241, %dma_wait3A_242] : memref<2x128x64xf32, #tpu.memory_space<vmem>> -> memref<1x128x64xf32, #tpu.memory_space<vmem>>
    %dma_wait3A_244 = tpu.memref_squeeze %dma_wait3A_243 : memref<1x128x64xf32, #tpu.memory_space<vmem>> -> memref<128x64xf32, #tpu.memory_space<vmem>>
    tpu.wait_dma2 semaphore(%arg22 : memref<!tpu.dma_semaphore, #tpu.memory_space<semaphore_mem>>) src(%dma_wait3A_244 : memref<128x64xf32, #tpu.memory_space<vmem>>) dst(%dma_wait3A_240 : memref<128x64xf32, #tpu.memory_space<hbm>>)
    return
  }
}

module attributes {stable_mosaic.version = 14 : i64} {
  func.func @body(%arg0: i32, %arg1: memref<1000x128xf32, #tpu.memory_space<vmem>>, %arg2: memref<128x128xf32, #tpu.memory_space<vmem>>, %arg3: memref<2x1000x64xf32, #tpu.memory_space<vmem>>) attributes {dimension_semantics = [#tpu.dimension_semantics<arbitrary>], iteration_bounds = array<i64: 10>, scalar_prefetch = 0 : i64, scratch_operands = 0 : i64, tpu.core_type = #tpu.core_type<tc>, window_params = [{transform_indices = @transform_0, window_bounds = array<i64: 1000, 128>}, {pipeline_mode = #tpu.pipeline_mode<synchronous>, transform_indices = @transform_1, window_bounds = array<i64: 128, 128>}, {transform_indices = @transform_2, window_bounds = array<i64: 2, 1000, 64>}]} {
    %get3A = arith.constant 0 : index
    %get3A_0 = arith.constant 0 : index
    %get3A_1 = vector.load %arg1[%get3A, %get3A_0] : memref<1000x128xf32, #tpu.memory_space<vmem>>, vector<1000x128xf32>
    %get3A_2 = arith.constant 0 : index
    %get3A_3 = arith.constant 0 : index
    %get3A_4 = vector.load %arg2[%get3A_2, %get3A_3] : memref<128x128xf32, #tpu.memory_space<vmem>>, vector<128x128xf32>
    %dot_general3A = arith.constant dense<0.000000e+00> : vector<1000x128xf32>
    %dot_general3A_5 = tpu.matmul %get3A_1, %get3A_4, %dot_general3A {dimension_numbers = #tpu.dot_dimension_numbers<[1], [0], [0], [1], [0, 0, 1, 1], [], []>, transpose_lhs_hint = false} : vector<1000x128xf32>, vector<128x128xf32>, vector<1000x128xf32> -> vector<1000x128xf32>
    %slice3A = vector.extract_strided_slice %dot_general3A_5 {offsets = [0, 0], sizes = [1000, 64], strides = [1, 1]} : vector<1000x128xf32> to vector<1000x64xf32>
    %swap3A = arith.constant 0 : index
    %swap3A_6 = arith.constant 0 : index
    %swap3A_7 = arith.constant 0 : index
    %swap3A_8 = vector.load %arg3[%swap3A, %swap3A_6, %swap3A_7] : memref<2x1000x64xf32, #tpu.memory_space<vmem>>, vector<1x1000x64xf32>
    %swap3A_9 = vector.shape_cast %swap3A_8 : vector<1x1000x64xf32> to vector<1000x64xf32>
    %swap3A_10 = vector.shape_cast %slice3A : vector<1000x64xf32> to vector<1x1000x64xf32>
    tpu.vector_store %arg3[%swap3A, %swap3A_6, %swap3A_7], %swap3A_10 {strides = array<i32>} : memref<2x1000x64xf32, #tpu.memory_space<vmem>>, vector<1x1000x64xf32>,
    %slice3A_11 = vector.extract_strided_slice %dot_general3A_5 {offsets = [0, 64], sizes = [1000, 64], strides = [1, 1]} : vector<1000x128xf32> to vector<1000x64xf32>
    %swap3A_12 = arith.constant 1 : index
    %swap3A_13 = arith.constant 0 : index
    %swap3A_14 = arith.constant 0 : index
    %swap3A_15 = vector.load %arg3[%swap3A_12, %swap3A_13, %swap3A_14] : memref<2x1000x64xf32, #tpu.memory_space<vmem>>, vector<1x1000x64xf32>
    %swap3A_16 = vector.shape_cast %swap3A_15 : vector<1x1000x64xf32> to vector<1000x64xf32>
    %swap3A_17 = vector.shape_cast %slice3A_11 : vector<1000x64xf32> to vector<1x1000x64xf32>
    tpu.vector_store %arg3[%swap3A_12, %swap3A_13, %swap3A_14], %swap3A_17 {strides = array<i32>} : memref<2x1000x64xf32, #tpu.memory_space<vmem>>, vector<1x1000x64xf32>,
    return
  }
  func.func @transform_0(%arg0: i32) -> (i32, i32) {
    %c0_i32 = arith.constant 0 : i32
    %c0_i32_0 = arith.constant 0 : i32
    return %arg0, %c0_i32 : i32, i32
  }
  func.func @transform_1(%arg0: i32) -> (i32, i32) {
    %c0_i32 = arith.constant 0 : i32
    %c0_i32_0 = arith.constant 0 : i32
    %c0_i32_1 = arith.constant 0 : i32
    return %c0_i32, %c0_i32_0 : i32, i32
  }
  func.func @transform_2(%arg0: i32) -> (i32, i32, i32) {
    %c0_i32 = arith.constant 0 : i32
    %c0_i32_0 = arith.constant 0 : i32
    %c0_i32_1 = arith.constant 0 : i32
    return %c0_i32, %arg0, %c0_i32_0 : i32, i32, i32
  }
}

module attributes {stable_mosaic.version = 14 : i64} {
  func.func @body(%arg0: i32, %arg1: memref<1x2048x64xbf16, #tpu.memory_space<vmem>>, %arg2: memref<1x2048x64xbf16, #tpu.memory_space<vmem>>, %arg3: memref<64x128xbf16, #tpu.memory_space<vmem>>, %arg4: memref<64x128xbf16, #tpu.memory_space<vmem>>, %arg5: memref<1x128xf32, #tpu.memory_space<vmem>>, %arg6: memref<1x128xf32, #tpu.memory_space<vmem>>, %arg7: memref<1x1xf32, #tpu.memory_space<vmem>>, %arg8: memref<2048xf32, #tpu.memory_space<vmem>>) attributes {dimension_semantics = [#tpu.dimension_semantics<arbitrary>], iteration_bounds = array<i64: 50>, scalar_prefetch = 0 : i64, scratch_operands = 0 : i64, tpu.core_type = #tpu.core_type<tc>, window_params = [{transform_indices = @transform_0, window_bounds = array<i64: 1, 2048, 64>}, {transform_indices = @transform_1, window_bounds = array<i64: 1, 2048, 64>}, {pipeline_mode = #tpu.pipeline_mode<synchronous>, transform_indices = @transform_2, window_bounds = array<i64: 64, 128>}, {pipeline_mode = #tpu.pipeline_mode<synchronous>, transform_indices = @transform_3, window_bounds = array<i64: 64, 128>}, {pipeline_mode = #tpu.pipeline_mode<synchronous>, transform_indices = @transform_4, window_bounds = array<i64: 1, 128>}, {pipeline_mode = #tpu.pipeline_mode<synchronous>, transform_indices = @transform_5, window_bounds = array<i64: 1, 128>}, {pipeline_mode = #tpu.pipeline_mode<synchronous>, transform_indices = @transform_6, window_bounds = array<i64: 1, 1>}, {transform_indices = @transform_7, window_bounds = array<i64: 2048>}]} {
    %get3A = arith.constant 0 : index
    %get3A_0 = arith.constant 0 : index
    %get3A_1 = arith.constant 0 : index
    %get3A_2 = vector.load %arg1[%get3A, %get3A_0, %get3A_1] : memref<1x2048x64xbf16, #tpu.memory_space<vmem>>, vector<1x2048x64xbf16>
    %get3A_3 = vector.shape_cast %get3A_2 : vector<1x2048x64xbf16> to vector<2048x64xbf16>
    %get3A_4 = arith.constant 0 : index
    %get3A_5 = arith.constant 0 : index
    %get3A_6 = vector.load %arg3[%get3A_4, %get3A_5] : memref<64x128xbf16, #tpu.memory_space<vmem>>, vector<64x128xbf16>
    %dot_general3A = arith.constant dense<0.000000e+00> : vector<2048x128xf32>
    %dot_general3A_7 = tpu.matmul %get3A_3, %get3A_6, %dot_general3A {dimension_numbers = #tpu.dot_dimension_numbers<[1], [0], [0], [1], [0, 0, 1, 1], [], []>, transpose_lhs_hint = false} : vector<2048x64xbf16>, vector<64x128xbf16>, vector<2048x128xf32> -> vector<2048x128xf32>
    %get3A_8 = arith.constant 0 : index
    %get3A_9 = arith.constant 0 : index
    %get3A_10 = arith.constant 0 : index
    %get3A_11 = vector.load %arg2[%get3A_8, %get3A_9, %get3A_10] : memref<1x2048x64xbf16, #tpu.memory_space<vmem>>, vector<1x2048x64xbf16>
    %get3A_12 = vector.shape_cast %get3A_11 : vector<1x2048x64xbf16> to vector<2048x64xbf16>
    %get3A_13 = arith.constant 0 : index
    %get3A_14 = arith.constant 0 : index
    %get3A_15 = vector.load %arg4[%get3A_13, %get3A_14] : memref<64x128xbf16, #tpu.memory_space<vmem>>, vector<64x128xbf16>
    %dot_general3A_16 = arith.constant dense<0.000000e+00> : vector<2048x128xf32>
    %dot_general3A_17 = tpu.matmul %get3A_12, %get3A_15, %dot_general3A_16 {dimension_numbers = #tpu.dot_dimension_numbers<[1], [0], [0], [1], [0, 0, 1, 1], [], []>, transpose_lhs_hint = false} : vector<2048x64xbf16>, vector<64x128xbf16>, vector<2048x128xf32> -> vector<2048x128xf32>
    %add3A = arith.addf %dot_general3A_7, %dot_general3A_17 : vector<2048x128xf32>
    %get3A_18 = arith.constant 0 : index
    %get3A_19 = arith.constant 0 : index
    %get3A_20 = vector.load %arg5[%get3A_18, %get3A_19] : memref<1x128xf32, #tpu.memory_space<vmem>>, vector<1x128xf32>
    %add3A_21 = vector.broadcast %get3A_20 : vector<1x128xf32> to vector<2048x128xf32>
    %add3A_22 = arith.addf %add3A, %add3A_21 : vector<2048x128xf32>
    %max3A = arith.constant 0.000000e+00 : f32
    %max3A_23 = vector.broadcast %max3A : f32 to vector<2048x128xf32>
    %max3A_24 = arith.maximumf %add3A_22, %max3A_23 : vector<2048x128xf32>
    %get3A_25 = arith.constant 0 : index
    %get3A_26 = arith.constant 0 : index
    %get3A_27 = vector.load %arg6[%get3A_25, %get3A_26] : memref<1x128xf32, #tpu.memory_space<vmem>>, vector<1x128xf32>
    %mul3A = vector.broadcast %get3A_27 : vector<1x128xf32> to vector<2048x128xf32>
    %mul3A_28 = arith.mulf %max3A_24, %mul3A : vector<2048x128xf32>
    %reduce_sum3A = arith.constant dense<0.000000e+00> : vector<2048xf32>
    %reduce_sum3A_29 = vector.multi_reduction <add>, %mul3A_28, %reduce_sum3A [1] : vector<2048x128xf32> to vector<2048xf32>
    %get3A_30 = arith.constant 0 : index
    %get3A_31 = arith.constant 0 : index
    %get3A_32 = vector.load %arg7[%get3A_30, %get3A_31] : memref<1x1xf32, #tpu.memory_space<vmem>>, vector<1x1xf32>
    %get3A_33 = vector.extract %get3A_32[0, 0] : f32 from vector<1x1xf32>
    %add3A_34 = vector.broadcast %get3A_33 : f32 to vector<2048xf32>
    %add3A_35 = arith.addf %reduce_sum3A_29, %add3A_34 : vector<2048xf32>
    %logistic3A = arith.negf %add3A_35 : vector<2048xf32>
    %logistic3A_36 = math.exp %logistic3A : vector<2048xf32>
    %logistic3A_37 = arith.constant 1.000000e+00 : f32
    %logistic3A_38 = vector.broadcast %logistic3A_37 : f32 to vector<2048xf32>
    %logistic3A_39 = arith.addf %logistic3A_38, %logistic3A_36 : vector<2048xf32>
    %logistic3A_40 = arith.divf %logistic3A_38, %logistic3A_39 : vector<2048xf32>
    %swap3A = arith.constant 0 : index
    %swap3A_41 = vector.load %arg8[%swap3A] : memref<2048xf32, #tpu.memory_space<vmem>>, vector<2048xf32>
    tpu.vector_store %arg8[%swap3A], %logistic3A_40 {strides = array<i32>} : memref<2048xf32, #tpu.memory_space<vmem>>, vector<2048xf32>,
    return
  }
  func.func @transform_0(%arg0: i32) -> (i32, i32, i32) {
    %c0_i32 = arith.constant 0 : i32
    %c0_i32_0 = arith.constant 0 : i32
    %c0_i32_1 = arith.constant 0 : i32
    return %c0_i32, %arg0, %c0_i32_0 : i32, i32, i32
  }
  func.func @transform_1(%arg0: i32) -> (i32, i32, i32) {
    %c1_i32 = arith.constant 1 : i32
    %c0_i32 = arith.constant 0 : i32
    %c0_i32_0 = arith.constant 0 : i32
    return %c1_i32, %arg0, %c0_i32 : i32, i32, i32
  }
  func.func @transform_2(%arg0: i32) -> (i32, i32) {
    %c0_i32 = arith.constant 0 : i32
    %c0_i32_0 = arith.constant 0 : i32
    %c0_i32_1 = arith.constant 0 : i32
    return %c0_i32, %c0_i32_0 : i32, i32
  }
  func.func @transform_3(%arg0: i32) -> (i32, i32) {
    %c0_i32 = arith.constant 0 : i32
    %c0_i32_0 = arith.constant 0 : i32
    %c0_i32_1 = arith.constant 0 : i32
    return %c0_i32, %c0_i32_0 : i32, i32
  }
  func.func @transform_4(%arg0: i32) -> (i32, i32) {
    %c0_i32 = arith.constant 0 : i32
    %c0_i32_0 = arith.constant 0 : i32
    %c0_i32_1 = arith.constant 0 : i32
    return %c0_i32, %c0_i32_0 : i32, i32
  }
  func.func @transform_5(%arg0: i32) -> (i32, i32) {
    %c0_i32 = arith.constant 0 : i32
    %c0_i32_0 = arith.constant 0 : i32
    %c0_i32_1 = arith.constant 0 : i32
    return %c0_i32, %c0_i32_0 : i32, i32
  }
  func.func @transform_6(%arg0: i32) -> (i32, i32) {
    %c0_i32 = arith.constant 0 : i32
    %c0_i32_0 = arith.constant 0 : i32
    %c0_i32_1 = arith.constant 0 : i32
    return %c0_i32, %c0_i32_0 : i32, i32
  }
  func.func @transform_7(%arg0: i32) -> i32 {
    %c0_i32 = arith.constant 0 : i32
    return %arg0 : i32
  }
}

</mosaic_0001>

<sc_bundles>
// kernel: kernel.5.cloned.1.call-start
scs
__scs_entry_jumppad:
0x0: {  	(pc) =	sbr.rel $0x88, $3  }
0x1: {  	(tag) =	ssettag $0x0;
	lr =	simm.s32 $0x1  }
0x2: {  	[smem:$0x3F98] =	sst lr;
	_ =	strace $0xD0000000  }
0x3: {  	_ = 	snop  }
0x4: {  	_ = 	snop  }
0x5: {  	_ = 	snop  }
0x6: {  	_ = 	snop  }
0x7: {  	_ = 	snop  }
__scs_overlays_trampoline_lowered:
0x8: {  	[smem:$0x3FA7] =	sst s0  }
0x9: {  	[smem:$0x3FA8] =	sst s1  }
0xa: {  	[smem:$0x3FA9] =	sst s2  }
0xb: {  	[smem:$0x3FAA] =	sst s3  }
0xc: {  	[smem:$0x3FAB] =	sst s4  }
0xd: {  	[smem:$0x3FAC] =	sst s5  }
0xe: {  	[smem:$0x3FAD] =	sst s6  }
0xf: {  	[smem:$0x3FAE] =	sst s7  }
0x10: {  	[smem:$0x3FAF] =	sst s8  }
0x11: {  	[smem:$0x3FB0] =	sst s9;
	s0 =	simm.s32 @!p0 $0x0  }
0x12: {  	s1 =	sld [smem:$0x3F96];
	s0 =	simm.s32 @p0 $0x1  }
0x13: {  	[smem:$0x3FB1] =	sst s0;
	s0 =	simm.s32 @!p1 $0x0  }
0x14: {  	s2 =	sld [smem:$0x3F95];
	s0 =	simm.s32 @p1 $0x1  }
0x15: {  	[smem:$0x3FB2] =	sst s0;
	s0 =	simm.s32 @!p2 $0x0  }
0x16: {  	s3 =	sld [smem:$0x3FDB];
	s0 =	simm.s32 @p2 $0x1  }
0x17: {  	s4 =	simm.s32 $0x1BF5;
	[smem:$0x3FB4] =	sst s0  }
0x18: {  	s0 =	sld [smem:$0x3F97];
	_ =	swait.ge [sflag:s4], $0x0  }
0x19: {  	s7 =	sld [smem:$0x3F98]  }
0x1a: {  	s8 =	sadd.s32 $0xFFFFE003, lr  }
0x1b: {  	s9 =	sadd.s32 $0xFFFFFEF7, lr;
	s5 =	simm.s32 $0xFFFFFFFF;
	p2 =	slt.u32 s8, $0xFFFFF086  }
0x1c: {  	p1 =	slt.u32 s9, $0xF7A;
	s5 =	simm.s32 @!p2 $0x0  }
0x1d: {  	s5 =	simm.s32 @p1 $0x1;
	p0 =	seq.s32 s7, s2  }
0x1e: {  	s7 =	smul.u32 @!p0 $0xF7A, s2;
	p2 =	seq.s32 @!p0 s5, $0x0  }
0x1f: {  	s9 =	smul.u32 $0xF7A, s1;
	s8 =	simm.s32 @!p0 $0x1BF5;
	p2 =	por !p2, p0  }
0x20: {  	[sflag:s8] =	ssyncset.s32 @!p0 $0xFFFFF086;
	s6 =	sadd.s32 @!p0 s3, s7;
	s7 =	simm.s32 @!p0 $0x108  }
0x21: {  	s3 =	sadd.s32 s3, s9;
	s6 =	sadd.s32 @!p0 $0x88, s6;
	s7 =	simm.s32 @p2 $0x1082  }
0x22: {  	[simem:s7], [sflag:s8] =	dma.local @!p0 [hbm:s6], $0xF7A  }
0x23: {  	s9 =	sor.u32 $0xD0000000, s2;
	s6 =	simm.s32 $0x108;
	_ =	swait.ge @!p0 [sflag:s8], $0x0  }
0x24: {  	s3 =	sadd.s32 $0x88, s3;
	s6 =	simm.s32 @!p1 $0x1082;
	[sflag:s4] =	ssyncset.s32 $0xFFFFF086  }
0x25: {  	[simem:s6], [sflag:s4] =	dma.local [hbm:s3], $0xF7A  }
0x26: {  	[smem:$0x3F98] =	sst s1;
	(tag) =	ssettag s2;
	_ =	strace s9  }
0x27: {  	s1 =	sld [smem:$0x3FA8]  }
0x28: {  	s2 =	sld [smem:$0x3FA9]  }
0x29: {  	s4 =	sld [smem:$0x3FAB]  }
0x2a: {  	p0 =	seq.s32 s5, $0x0;
	s5 =	sld [smem:$0x3FAC]  }
0x2b: {  	s6 =	sld [smem:$0x3FAD]  }
0x2c: {  	s7 =	sld [smem:$0x3FAE]  }
0x2d: {  	s3 =	simm.s32 $0x108;
	s8 =	sld [smem:$0x3FAF]  }
0x2e: {  	s3 =	simm.s32 @!p0 $0x1082;
	s9 =	sld [smem:$0x3FB0]  }
0x2f: {  	lr =	sadd.s32 s0, s3;
	s0 =	sld [smem:$0x3FA7]  }
0x30: {  	s3 =	sld [smem:$0x3FAA]  }
0x31: {  	[smem:$0x3FB3] =	sst s10  }
0x32: {  	s10 =	sld [smem:$0x3FB1];
	_ =	sdelay $0x3  }
0x33: {  	p0 =	seq.s32 s10, $0x1;
	s10 =	sld [smem:$0x3FB3];
	_ =	sdelay $0x3  }
0x34: {  	[smem:$0x3FB3] =	sst s10  }
0x35: {  	s10 =	sld [smem:$0x3FB2];
	_ =	sdelay $0x3  }
0x36: {  	p1 =	seq.s32 s10, $0x1;
	s10 =	sld [smem:$0x3FB3];
	_ =	sdelay $0x3  }
0x37: {  	[smem:$0x3FB3] =	sst s10  }
0x38: {  	s10 =	sld [smem:$0x3FB4]  }
0x39: {  	_ = 	snop;
	(pc) =	sbr.ind lr, $3  }
0x3a: {  	_ = 	snop  }
0x3b: {  	_ = 	snop  }
0x3c: {  	p2 =	seq.s32 s10, $0x1;
	s10 =	sld [smem:$0x3FB3]  }
0x3d: {  	_ =	shalt  }
0x3e: {  	_ =	shalt  }
0x3f: {  	_ =	shalt  }
0x40: {  	_ =	shalt  }
0x41: {  	_ =	shalt  }
0x42: {  	_ =	shalt  }
0x43: {  	_ =	shalt  }
0x44: {  	_ =	shalt  }
0x45: {  	_ =	shalt  }
0x46: {  	_ =	shalt  }
0x47: {  	_ =	shalt  }
0x48: {  	_ =	shalt  }
0x49: {  	_ =	shalt  }
0x4a: {  	_ =	shalt  }
0x4b: {  	_ =	shalt  }
0x4c: {  	_ =	shalt  }
0x4d: {  	_ =	shalt  }
0x4e: {  	_ =	shalt  }
0x4f: {  	_ =	shalt  }
0x50: {  	_ =	shalt  }
0x51: {  	_ =	shalt  }
0x52: {  	_ =	shalt  }
0x53: {  	_ =	shalt  }
0x54: {  	_ =	shalt  }
0x55: {  	_ =	shalt  }
0x56: {  	_ =	shalt  }
0x57: {  	_ =	shalt  }
0x58: {  	_ =	shalt  }
0x59: {  	_ =	shalt  }
0x5a: {  	_ =	shalt  }
0x5b: {  	_ =	shalt  }
0x5c: {  	_ =	shalt  }
0x5d: {  	_ =	shalt  }
0x5e: {  	_ =	shalt  }
0x5f: {  	_ =	shalt  }
0x60: {  	_ =	shalt  }
0x61: {  	_ =	shalt  }
0x62: {  	_ =	shalt  }
0x63: {  	_ =	shalt  }
0x64: {  	_ =	shalt  }
0x65: {  	_ =	shalt  }
0x66: {  	_ =	shalt  }
0x67: {  	_ =	shalt  }
0x68: {  	_ =	shalt  }
0x69: {  	_ =	shalt  }
0x6a: {  	_ =	shalt  }
0x6b: {  	_ =	shalt  }
0x6c: {  	_ =	shalt  }
0x6d: {  	_ =	shalt  }
0x6e: {  	_ =	shalt  }
0x6f: {  	_ =	shalt  }
0x70: {  	_ =	shalt  }
0x71: {  	_ =	shalt  }
0x72: {  	_ =	shalt  }
0x73: {  	_ =	shalt  }
0x74: {  	_ =	shalt  }
0x75: {  	_ =	shalt  }
0x76: {  	_ =	shalt  }
0x77: {  	_ =	shalt  }
0x78: {  	_ =	shalt  }
0x79: {  	_ =	shalt  }
0x7a: {  	_ =	shalt  }
0x7b: {  	_ =	shalt  }
0x7c: {  	_ =	shalt  }
0x7d: {  	_ =	shalt  }
0x7e: {  	_ =	shalt  }
0x7f: {  	_ =	shalt  }
0x80: {  	_ =	shalt  }
0x81: {  	_ =	shalt  }
0x82: {  	_ =	shalt  }
0x83: {  	_ =	shalt  }
0x84: {  	_ =	shalt  }
0x85: {  	_ =	shalt  }
0x86: {  	_ =	shalt  }
0x87: {  	_ =	shalt  }
.Lfunc_end0:
.L_simem_size_0:
called_computation_lowered:
.L_overlay_start_0:
0x88: {  	s2 =	sld [smem:$0x3FD9]  }
0x89: {  	s3 =	sld [smem:$0x3FFE];
	_ =	sdelay $0x1  }
0x8a: {  	s1 =	srdreg.scid  }
0x8b: {  	s0 =	sand.u32 $0x1, s1  }
0x8c: {  	s17 =	sshll.u32 s0, $0xA;
	s2 =	sadd.s32 s3, s2  }
0x8d: {  	s2 =	sadd.s32 s2, s17  }
0x8e: {  	[smem:$0x3FBF] =	sst s2  }
0x8f: {  	_ = 	snop  }
0x90: {  	s2 =	sld [smem:$0x3FC5];
	(tm) =	ssettm $0x1  }
0x91: {  	s18 =	sld [smem:$0x3FFB];
	_ =	sdelay $0x3  }
0x92: {  	_ =	strace s18  }
0x93: {  	s3 =	sld [smem:$0x3FFC];
	_ =	sdelay $0x3  }
0x94: {  	_ =	strace s3  }
0x95: {  	s3 =	sld [smem:$0x3FFD];
	_ =	sdelay $0x3  }
0x96: {  	_ =	strace s3  }
0x97: {  	_ =	strace $0x8FFFFFFF  }
0x98: {  	s19 =	sld [smem:$0x3FDB];
	_ =	sdelay $0x1  }
0x99: {  	s4 =	simm.s32 $_scs_section_size  }
0x9a: {  	s5 =	simm.s32 $_size__tile_overlayer_lowered;
	s6 =	simm.s32 $_tile_overlayer_lowered  }
0x9b: {  	s22 =	simm.s32 $0x1BFF;
	s21 =	sshll.u32 s6, $0x1;
	s3 =	sadd.s32 s4, s19  }
0x9c: {  	s7 =	simm.s32 $0x0;
	s20 =	sshll.u32 s5, $0x1;
	s5 =	sadd.s32 s21, s3  }
0x9d: {  	[timem:s7], [sflag:s22] =	dma.local [hbm:s5], s20  }
0x9e: {  	_ =	swait.ge [sflag:s22], s20  }
0x9f: {  	s4 =	ssub.s32 $0x0, s20;
	[sflag:s22] =	ssyncset.done $0x0  }
0xa0: {  	[sflag:s22] =	ssyncadd.s32 s4;
	_ =	sdelay $0x1  }
0xa1: {  	s23 =	simm.s32 $0x1B8B  }
0xa2: {  	_ =	swait.ge [sflag:s23], $0x1  }
0xa3: {  	[sflag:s23] =	ssyncset.done $0x0  }
0xa4: {  	s25 =	simm.s32 $0x1B8E;
	s24 =	sld [smem:$0x3FFE];
	[sflag:s23] =	ssyncadd.s32 $0xFFFFFFFF  }
0xa5: {  	s26 =	simm.s32 $execute0_lowered;
	[smem:$0x3FD2] =	sst s25  }
0xa6: {  	s5 =	sshll.u32 s26, $0x1;
	_ =	strace $0x80000046;
	[dreg:$0x1] =	wrdreg $0xFFFFFFFF  }
0xa7: {  	s28 =	simm.s32 $_size_execute0_lowered;
	s3 =	sadd.s32 s3, s5;
	[dreg:$0x0] =	wrdreg $0x0  }
0xa8: {  	s5 =	sshll.u32 s28, $0x1;
	[dreg:$0x2] =	wrdreg s3  }
0xa9: {  	[dreg:$0x3] =	wrdreg s5  }
0xaa: {  	[dreg:$0x4] =	wrdreg $0xC0  }
0xab: {  	_ =	task [dreg:s7], $0x5FFFF  }
0xac: {  	[dreg:$0x1] =	wrdreg $0xFFFFFFFF  }
0xad: {  	[dreg:$0x0] =	wrdreg $0x60  }
0xae: {  	[dreg:$0x2] =	wrdreg s24  }
0xaf: {  	[dreg:$0x3] =	wrdreg s2  }
0xb0: {  	[dreg:$0x4] =	wrdreg $0x142400  }
0xb1: {  	[dreg:$0x5] =	wrdreg $0x9  }
0xb2: {  	_ =	task.clear_ibuf [dreg:s7], $0x6FFFF;
	_ =	strace $0x90000046  }
0xb3: {  	s29 =	simm.s32 $0x9;
	_ =	strace $0x80000048  }
0xb4: {  	_ =	swait.ge [sflag:s29], $0x1  }
0xb5: {  	[sflag:s29] =	ssyncadd.s32 $0xFFFFFFFF  }
0xb6: {  	_ =	strace $0x90000048  }
0xb7: {  	_ =	sfence  }
0xb8: {  	s30 =	sld [smem:$0x0];
	_ =	sdelay $0x2  }
0xb9: {  	s31 =	sshll.u32 s1, $0xD;
	s1 =	sshrl.u32 s1, $0x2  }
0xba: {  	s3 =	sand.u32 $0x4000, s31;
	s1 =	sadd.s32 s1, s30  }
0xbb: {  	s0 =	sor.u32 s3, s0;
	s1 =	sshll.u32 s1, $0x11  }
0xbc: {  	s0 =	sor.u32 s1, s0  }
0xbd: {  	s0 =	sadd.s32 $0x8F2B, s0  }
0xbe: {  	[sflag:s0] =	ssyncadd.remote.s32 $0x1  }
0xbf: {  	_ =	sfence.sel $0xFFFF  }
0xc0: {  	[dreg:$0x0] =	wrdreg $0xFFFFFFFF;
	(pc) =	sbr.abs _section_cstart, $3  }
0xc1: {  	[dreg:$0x1] =	wrdreg $0xFFFFFFFF  }
0xc2: {  	_ =	task.clear_ibuf [dreg:s7], $0x2FFFF;
	_ =	strace $0x9FFFFFFF  }
0xc3: {  	(tm) =	ssettm $0x7FFFFFFF  }
tec
execute0_lowered:
.L_overlay_start_1:
0x0: {  	(tag) =	ssettag $0x1  }
0x1: {  	s0 =	rddreg [dreg:$0x0]  }
0x2: {  	s1 =	rddreg [dreg:$0x1];
	s3 =	srdreg.scid  }
0x3: {  	s2 =	rddreg [dreg:$0x2];
	s13 =	stileid.u32;
	s28 =	simm.s32 $0x9000  }
0x4: {  	s30 =	simm.s32 $0xB000;
	s31 =	simm.s32 $0x1;
	s5 =	smul.u32 $0x320, s13  }
0x5: {  	s29 =	simm.s32 $0x5;
	s6 =	sand.u32 $0x1, s3;
	s7 =	smul.u32 $0x28000, s13  }
0x6: {  	s3 =	simm.s32 $0x0;
	s9 =	sadd.s32 $0x37600, s0;
	s12 =	smul.u32 $0x5000, s13  }
0x7: {  	s4 =	smul.u32 $0x13880, s6;
	[smem:$0x7FF] =	sst s3;
	s11 =	ssub.s32 $0x2, s6  }
0x8: {  	s21 =	sshll.u32 s6, $0x3;
	_ =	strace $0x80000047;
	s10 =	sadd.s32 s5, s0  }
0x9: {  	s24 =	sshrl.u32 s7, $0x2;
	s25 =	sshrl.u32 s11, $0x1;
	s5 =	sadd.s32 $0x41600, s0  }
0xa: {  	s16 =	sshrl.u32 s12, $0x3;
	s23 =	sadd.s32 s1, s21;
	s21 =	simm.s32 $0x5000  }
0xb: {  	s1 =	simm.s32 $0x3;
	s8 =	sadd.s32 s4, s0;
	s4 =	sadd.s32 s24, s2  }
0xc: {  	s7 =	ssub.s32 s11, s25;
	s18 =	sadd.s32 s0, s16;
	s19 =	sadd.s32 s9, s16  }
0xd: {  	s20 =	sadd.s32 $0x500, s16;
	[dreg:$0xc] =	wrdreg s23;
	s24 =	sadd.s32 $0xD200, s10  }
0xe: {  	s25 =	sadd.s32 $0xA000, s10;
	s16 =	simm.s32 $0x2800;
	[dreg:$0x8] =	wrdreg s18  }
0xf: {  	s10 =	simm.s32 $0x4F80;
	s23 =	simm.s32 $0xD000;
	[dreg:$0x9] =	wrdreg s19  }
0x10: {  	s11 =	simm.s32 $0xE900;
	s26 =	sadd.s32 $0x2000, s4;
	[dreg:$0xd] =	wrdreg s24  }
0x11: {  	s14 =	sadd.s32 $0x4000, s4;
	s15 =	sadd.s32 $0x6000, s4;
	[dreg:$0xe] =	wrdreg s25  }
0x12: {  	s17 =	sadd.s32 $0x8000, s4;
	s12 =	sadd.s32 $0x10400, s8;
	[dreg:$0x4] =	wrdreg s26  }
0x13: {  	s0 =	sadd.s32 s0, s20;
	s18 =	smul.u32 $0x32, s13;
	[dreg:$0x5] =	wrdreg s14  }
0x14: {  	s22 =	sadd.s32 s9, s20;
	s19 =	smul.u32 $0x640000, s6;
	[dreg:$0x6] =	wrdreg s15  }
0x15: {  	s24 =	simm.s32 $0x80;
	s25 =	simm.s32 $0x7000;
	[dreg:$0x7] =	wrdreg s17  }
0x16: {  	s6 =	simm.s32 $0x4;
	s13 =	simm.s32 $0x12200;
	[dreg:$0xa] =	wrdreg s0  }
0x17: {  	[dreg:$0xb] =	wrdreg s22;
	s26 =	smax.u32 s7, $0x1;
	s22 =	simm.s32 $0x7  }
0x18: {  	s17 =	simm.s32 $0x100;
	s0 =	simm.s32 $0x2;
	s14 =	simm.s32 $0x6  }
0x19: {  	v0 =	vimm.f32 $0.0e+00;
	s15 =	simm.s32 $0x0;
	[dreg:$0xf] =	wrdreg s26;
	s26 =	simm.s32 $0x10200  }
.LBB2_1:
0x1a: {  	s8 =	simm.s32 $0x100;
	s7 =	simm.s32 $0x0  }
.LBB2_2:
0x1b: {  	p0 =	sne.s32 s8, $0x7F00;
	[tilespmem:s7+$0x5030] =	vst v0;
	s9 =	smov.u32 s8;
	s8 =	sadd.s32 $0x100, s8  }
.Ltmp0:
0x1c: {  	[tilespmem:s7+$0x5020] =	vst v0;
	(pc) =	sbr.rel @p0 .LBB2_2-.Ltmp0, $3  }
0x1d: {  	[tilespmem:s7+$0x5000] =	vst v0  }
0x1e: {  	[tilespmem:s7+$0x5010] =	vst v0;
	_ =	sdelay $0x1  }
0x1f: {  	s7 =	sshra.s32 s9, $0x2  }
0x20: {  	[tilespmem:s7+$0x5030] =	vst v0  }
0x21: {  	[tilespmem:s7+$0x5020] =	vst v0  }
0x22: {  	[tilespmem:s7+$0x5000] =	vst v0  }
0x23: {  	[tilespmem:s7+$0x5010] =	vst v0  }
0x24: {  	[spmem:s4] =	stream.linear.scatter [tilespmem:s21], [sflag:$0x7], $0x2000, $0x38;
	[tilespmem:$0x1E240] =	vst v63  }
0x25: {  	_ =	swait.ge [sflag:s22], $0x2000  }
0x26: {  	[sflag:s22] =	ssyncset.done $0x0  }
0x27: {  	s8 =	rddreg [dreg:$0x4];
	[sflag:s22] =	ssyncadd.s32 $0xFFFFE000  }
0x28: {  	[spmem:s8] =	stream.linear.scatter [tilespmem:s21], [sflag:$0x7], $0x2000, $0x38;
	[tilespmem:$0x1E240] =	vst v63  }
0x29: {  	_ =	swait.ge [sflag:s22], $0x2000  }
0x2a: {  	[sflag:s22] =	ssyncset.done $0x0  }
0x2b: {  	s9 =	rddreg [dreg:$0x5];
	[sflag:s22] =	ssyncadd.s32 $0xFFFFE000  }
0x2c: {  	[spmem:s9] =	stream.linear.scatter [tilespmem:s21], [sflag:$0x7], $0x2000, $0x38;
	[tilespmem:$0x1E240] =	vst v63  }
0x2d: {  	_ =	swait.ge [sflag:s22], $0x2000  }
0x2e: {  	[sflag:s22] =	ssyncset.done $0x0  }
0x2f: {  	s20 =	rddreg [dreg:$0x6];
	[sflag:s22] =	ssyncadd.s32 $0xFFFFE000  }
0x30: {  	[spmem:s20] =	stream.linear.scatter [tilespmem:s21], [sflag:$0x7], $0x2000, $0x38;
	[tilespmem:$0x1E240] =	vst v63  }
0x31: {  	_ =	swait.ge [sflag:s22], $0x2000  }
0x32: {  	[sflag:s22] =	ssyncset.done $0x0  }
0x33: {  	s8 =	rddreg [dreg:$0x7];
	[sflag:s22] =	ssyncadd.s32 $0xFFFFE000  }
0x34: {  	[spmem:s8] =	stream.linear.scatter [tilespmem:s21], [sflag:$0x7], $0x2000, $0x38;
	[tilespmem:$0x1E240] =	vst v63  }
0x35: {  	_ =	swait.ge [sflag:s22], $0x2000  }
0x36: {  	[sflag:s22] =	ssyncset.done $0x0  }
0x37: {  	[sflag:s22] =	ssyncadd.s32 $0xFFFFE000  }
0x38: {  	[bflag:$0x0] =	sbarrier.arrive $0xFFFF  }
0x39: {  	s9 =	simm.s32 $0x0;
	s8 =	rddreg [dreg:$0x8]  }
0x3a: {  	[tilespmem:s9], [sflag:$0x7] =	stream.linear.gather [hbm4b:s8+s9], $0x2800, $0x38;
	[tilespmem:$0x1E240] =	vst v63  }
0x3b: {  	_ =	swait.ge [sflag:s22], $0x2800  }
0x3c: {  	[sflag:s22] =	ssyncset.done $0x0  }
0x3d: {  	s20 =	rddreg [dreg:$0x9];
	[sflag:s22] =	ssyncadd.s32 $0xFFFFD800  }
0x3e: {  	[tilespmem:s16], [sflag:$0x7] =	stream.linear.gather [hbm4b:s20+s9], $0x2800, $0x38;
	[tilespmem:$0x1E240] =	vst v63  }
0x3f: {  	_ =	swait.ge [sflag:s22], $0x2800  }
0x40: {  	[sflag:s22] =	ssyncset.done $0x0  }
0x41: {  	[sflag:s22] =	ssyncadd.s32 $0xFFFFD800  }
0x42: {  	[tilespmem:s21], [sflag:$0x1] =	stream.indirect.gather [hbm4b:s12+s24], $0x40, s9, s24, $0xb8;
	[tilespmem:$0x1E240] =	vst v63  }
0x43: {  	_ = 	snop  }
0x44: {  	[tilespmem:s25], [sflag:$0x2] =	stream.indirect.gather [hbm4b:s12+s24], $0x40, s24, s24, $0xb8;
	[tilespmem:$0x1E240] =	vst v63  }
0x45: {  	_ = 	snop  }
0x46: {  	[tilespmem:s28], [sflag:$0x3] =	stream.indirect.gather [hbm4b:s12+s24], $0x40, s17, s24, $0xb8;
	[tilespmem:$0x1E240] =	vst v63  }
0x47: {  	s9 =	simm.s32 $0x180  }
0x48: {  	[tilespmem:s30], [sflag:$0x4] =	stream.indirect.gather [hbm4b:s12+s24], $0x40, s9, s24, $0xb8;
	[tilespmem:$0x1E240] =	vst v63  }
0x49: {  	_ =	swait.ge [sflag:s31], $0x2000  }
0x4a: {  	[sflag:s31] =	ssyncset.done $0x0  }
0x4b: {  	s20 =	simm.s32 $0x2800;
	[sflag:s31] =	ssyncadd.s32 $0xFFFFE000  }
0x4c: {  	[spmem:s2] =	stream.indirect.scatter.add.f32 [tilespmem:s21], [sflag:$0x7], $0x40, s20, s24, $0xb8;
	[tilespmem:$0x1E240] =	vst v63  }
0x4d: {  	_ =	swait.ge [sflag:s22], $0x2000  }
0x4e: {  	[sflag:s22] =	ssyncset.done $0x0  }
0x4f: {  	s8 =	simm.s32 $0x200;
	[sflag:s22] =	ssyncadd.s32 $0xFFFFE000  }
0x50: {  	[tilespmem:s21], [sflag:$0x1] =	stream.indirect.gather [hbm4b:s12+s24], $0x40, s8, s24, $0xb8;
	[tilespmem:$0x1E240] =	vst v63  }
0x51: {  	_ =	swait.ge [sflag:s0], $0x2000  }
0x52: {  	[sflag:s0] =	ssyncset.done $0x0  }
0x53: {  	s9 =	simm.s32 $0x2880;
	[sflag:s0] =	ssyncadd.s32 $0xFFFFE000  }
0x54: {  	[spmem:s2] =	stream.indirect.scatter.add.f32 [tilespmem:s25], [sflag:$0x7], $0x40, s9, s24, $0xb8;
	[tilespmem:$0x1E240] =	vst v63  }
0x55: {  	_ =	swait.ge [sflag:s22], $0x2000  }
0x56: {  	[sflag:s22] =	ssyncset.done $0x0  }
0x57: {  	s20 =	simm.s32 $0x280;
	[sflag:s22] =	ssyncadd.s32 $0xFFFFE000  }
0x58: {  	[tilespmem:s25], [sflag:$0x2] =	stream.indirect.gather [hbm4b:s12+s24], $0x40, s20, s24, $0xb8;
	[tilespmem:$0x1E240] =	vst v63  }
0x59: {  	_ =	swait.ge [sflag:s1], $0x2000  }
0x5a: {  	[sflag:s1] =	ssyncset.done $0x0  }
0x5b: {  	s8 =	simm.s32 $0x2900;
	[sflag:s1] =	ssyncadd.s32 $0xFFFFE000  }
0x5c: {  	[spmem:s2] =	stream.indirect.scatter.add.f32 [tilespmem:s28], [sflag:$0x7], $0x40, s8, s24, $0xb8;
	[tilespmem:$0x1E240] =	vst v63  }
0x5d: {  	_ =	swait.ge [sflag:s22], $0x2000  }
0x5e: {  	[sflag:s22] =	ssyncset.done $0x0  }
0x5f: {  	s9 =	simm.s32 $0x300;
	[sflag:s22] =	ssyncadd.s32 $0xFFFFE000  }
0x60: {  	[tilespmem:s28], [sflag:$0x3] =	stream.indirect.gather [hbm4b:s12+s24], $0x40, s9, s24, $0xb8;
	[tilespmem:$0x1E240] =	vst v63  }
0x61: {  	_ =	swait.ge [sflag:s6], $0x2000  }
0x62: {  	[sflag:s6] =	ssyncset.done $0x0  }
0x63: {  	s20 =	simm.s32 $0x2980;
	[sflag:s6] =	ssyncadd.s32 $0xFFFFE000  }
0x64: {  	[spmem:s2] =	stream.indirect.scatter.add.f32 [tilespmem:s30], [sflag:$0x7], $0x40, s20, s24, $0xb8;
	[tilespmem:$0x1E240] =	vst v63  }
0x65: {  	_ =	swait.ge [sflag:s22], $0x2000  }
0x66: {  	[sflag:s22] =	ssyncset.done $0x0  }
0x67: {  	s7 =	simm.s32 $0x800;
	s8 =	simm.s32 $0x380;
	[sflag:s22] =	ssyncadd.s32 $0xFFFFE000  }
.LBB2_4:
0x68: {  	[tilespmem:s30], [sflag:$0x4] =	stream.indirect.gather [hbm4b:s12+s24], $0x40, s8, s24, $0xb8;
	[tilespmem:$0x1E240] =	vst v63  }
0x69: {  	s8 =	smov.u32 s7  }
0x6a: {  	p0 =	sne.s32 s7, $0x9000;
	s7 =	sadd.s32 $0x800, s7;
	_ =	swait.ge [sflag:s31], $0x2000  }
0x6b: {  	s8 =	sshra.s32 s8, $0x2;
	[sflag:s31] =	ssyncset.done $0x0  }
0x6c: {  	s9 =	sadd.s32 $0x2800, s8;
	[sflag:s31] =	ssyncadd.s32 $0xFFFFE000  }
0x6d: {  	[spmem:s2] =	stream.indirect.scatter.add.f32 [tilespmem:s21], [sflag:$0x7], $0x40, s9, s24, $0xb8;
	[tilespmem:$0x1E240] =	vst v63  }
0x6e: {  	_ =	swait.ge [sflag:s22], $0x2000  }
0x6f: {  	[sflag:s22] =	ssyncset.done $0x0  }
0x70: {  	s9 =	sadd.s32 $0x200, s8;
	[sflag:s22] =	ssyncadd.s32 $0xFFFFE000  }
0x71: {  	[tilespmem:s21], [sflag:$0x1] =	stream.indirect.gather [hbm4b:s12+s24], $0x40, s9, s24, $0xb8;
	[tilespmem:$0x1E240] =	vst v63  }
0x72: {  	_ =	swait.ge [sflag:s0], $0x2000  }
0x73: {  	[sflag:s0] =	ssyncset.done $0x0  }
0x74: {  	s9 =	sadd.s32 $0x2880, s8;
	[sflag:s0] =	ssyncadd.s32 $0xFFFFE000  }
0x75: {  	[spmem:s2] =	stream.indirect.scatter.add.f32 [tilespmem:s25], [sflag:$0x7], $0x40, s9, s24, $0xb8;
	[tilespmem:$0x1E240] =	vst v63  }
0x76: {  	_ =	swait.ge [sflag:s22], $0x2000  }
0x77: {  	[sflag:s22] =	ssyncset.done $0x0  }
0x78: {  	s9 =	sadd.s32 $0x280, s8;
	[sflag:s22] =	ssyncadd.s32 $0xFFFFE000  }
0x79: {  	[tilespmem:s25], [sflag:$0x2] =	stream.indirect.gather [hbm4b:s12+s24], $0x40, s9, s24, $0xb8;
	[tilespmem:$0x1E240] =	vst v63  }
0x7a: {  	_ =	swait.ge [sflag:s1], $0x2000  }
0x7b: {  	[sflag:s1] =	ssyncset.done $0x0  }
0x7c: {  	s9 =	sadd.s32 $0x2900, s8;
	[sflag:s1] =	ssyncadd.s32 $0xFFFFE000  }
0x7d: {  	[spmem:s2] =	stream.indirect.scatter.add.f32 [tilespmem:s28], [sflag:$0x7], $0x40, s9, s24, $0xb8;
	[tilespmem:$0x1E240] =	vst v63  }
0x7e: {  	_ =	swait.ge [sflag:s22], $0x2000  }
0x7f: {  	[sflag:s22] =	ssyncset.done $0x0  }
0x80: {  	s9 =	sadd.s32 $0x300, s8;
	[sflag:s22] =	ssyncadd.s32 $0xFFFFE000  }
0x81: {  	[tilespmem:s28], [sflag:$0x3] =	stream.indirect.gather [hbm4b:s12+s24], $0x40, s9, s24, $0xb8;
	[tilespmem:$0x1E240] =	vst v63  }
0x82: {  	_ =	swait.ge [sflag:s6], $0x2000  }
0x83: {  	[sflag:s6] =	ssyncset.done $0x0  }
.Ltmp1:
0x84: {  	s9 =	sadd.s32 $0x2980, s8;
	[sflag:s6] =	ssyncadd.s32 $0xFFFFE000;
	(pc) =	sbr.rel @p0 .LBB2_4-.Ltmp1, $4  }
0x85: {  	[spmem:s2] =	stream.indirect.scatter.add.f32 [tilespmem:s30], [sflag:$0x7], $0x40, s9, s24, $0xb8;
	[tilespmem:$0x1E240] =	vst v63  }
0x86: {  	_ =	swait.ge [sflag:s22], $0x2000  }
0x87: {  	[sflag:s22] =	ssyncset.done $0x0  }
0x88: {  	s8 =	sadd.s32 $0x380, s8;
	[sflag:s22] =	ssyncadd.s32 $0xFFFFE000  }
0x89: {  	[tilespmem:s30], [sflag:$0x4] =	stream.indirect.gather [hbm4b:s12+s24], $0x40, s8, s24, $0xb8;
	[tilespmem:$0x1E240] =	vst v63  }
0x8a: {  	_ =	swait.ge [sflag:s31], $0x2000  }
0x8b: {  	[sflag:s31] =	ssyncset.done $0x0  }
0x8c: {  	s7 =	simm.s32 $0x4E00;
	[sflag:s31] =	ssyncadd.s32 $0xFFFFE000  }
0x8d: {  	[spmem:s2] =	stream.indirect.scatter.add.f32 [tilespmem:s21], [sflag:$0x7], $0x40, s7, s24, $0xb8;
	[tilespmem:$0x1E240] =	vst v63  }
0x8e: {  	_ =	swait.ge [sflag:s22], $0x2000  }
0x8f: {  	[sflag:s22] =	ssyncset.done $0x0  }
0x90: {  	[sflag:s22] =	ssyncadd.s32 $0xFFFFE000  }
0x91: {  	_ =	swait.ge [sflag:s0], $0x2000  }
0x92: {  	[sflag:s0] =	ssyncset.done $0x0  }
0x93: {  	s8 =	simm.s32 $0x4E80;
	[sflag:s0] =	ssyncadd.s32 $0xFFFFE000  }
0x94: {  	[spmem:s2] =	stream.indirect.scatter.add.f32 [tilespmem:s25], [sflag:$0x7], $0x40, s8, s24, $0xb8;
	[tilespmem:$0x1E240] =	vst v63  }
0x95: {  	_ =	swait.ge [sflag:s22], $0x2000  }
0x96: {  	[sflag:s22] =	ssyncset.done $0x0  }
0x97: {  	[sflag:s22] =	ssyncadd.s32 $0xFFFFE000  }
0x98: {  	_ =	swait.ge [sflag:s1], $0x2000  }
0x99: {  	[sflag:s1] =	ssyncset.done $0x0  }
0x9a: {  	s9 =	simm.s32 $0x4F00;
	[sflag:s1] =	ssyncadd.s32 $0xFFFFE000  }
0x9b: {  	[spmem:s2] =	stream.indirect.scatter.add.f32 [tilespmem:s28], [sflag:$0x7], $0x40, s9, s24, $0xb8;
	[tilespmem:$0x1E240] =	vst v63  }
0x9c: {  	_ =	swait.ge [sflag:s22], $0x2000  }
0x9d: {  	[sflag:s22] =	ssyncset.done $0x0  }
0x9e: {  	[sflag:s22] =	ssyncadd.s32 $0xFFFFE000  }
0x9f: {  	_ =	swait.ge [sflag:s6], $0x2000  }
0xa0: {  	[sflag:s6] =	ssyncset.done $0x0  }
0xa1: {  	[sflag:s6] =	ssyncadd.s32 $0xFFFFE000  }
0xa2: {  	[spmem:s2] =	stream.indirect.scatter.add.f32 [tilespmem:s30], [sflag:$0x7], $0x40, s10, s24, $0xb8;
	[tilespmem:$0x1E240] =	vst v63  }
0xa3: {  	_ =	swait.ge [sflag:s22], $0x2000  }
0xa4: {  	[sflag:s22] =	ssyncset.done $0x0  }
0xa5: {  	s7 =	simm.s32 $0x0;
	s20 =	rddreg [dreg:$0xa];
	[sflag:s22] =	ssyncadd.s32 $0xFFFFE000  }
0xa6: {  	[tilespmem:s7], [sflag:$0x7] =	stream.linear.gather [hbm4b:s20+s7], $0x2800, $0x38;
	[tilespmem:$0x1E240] =	vst v63  }
0xa7: {  	_ =	swait.ge [sflag:s22], $0x2800  }
0xa8: {  	[sflag:s22] =	ssyncset.done $0x0  }
0xa9: {  	s9 =	rddreg [dreg:$0xb];
	[sflag:s22] =	ssyncadd.s32 $0xFFFFD800  }
0xaa: {  	[tilespmem:s16], [sflag:$0x7] =	stream.linear.gather [hbm4b:s9+s7], $0x2800, $0x38;
	[tilespmem:$0x1E240] =	vst v63  }
0xab: {  	_ =	swait.ge [sflag:s22], $0x2800  }
0xac: {  	[sflag:s22] =	ssyncset.done $0x0  }
0xad: {  	[sflag:s22] =	ssyncadd.s32 $0xFFFFD800  }
0xae: {  	[tilespmem:s21], [sflag:$0x1] =	stream.indirect.gather [hbm4b:s12+s24], $0x40, s7, s24, $0xb8;
	[tilespmem:$0x1E240] =	vst v63  }
0xaf: {  	_ = 	snop  }
0xb0: {  	[tilespmem:s25], [sflag:$0x2] =	stream.indirect.gather [hbm4b:s12+s24], $0x40, s24, s24, $0xb8;
	[tilespmem:$0x1E240] =	vst v63  }
0xb1: {  	_ = 	snop  }
0xb2: {  	[tilespmem:s28], [sflag:$0x3] =	stream.indirect.gather [hbm4b:s12+s24], $0x40, s17, s24, $0xb8;
	[tilespmem:$0x1E240] =	vst v63  }
0xb3: {  	s16 =	simm.s32 $0x180  }
0xb4: {  	[tilespmem:s30], [sflag:$0x4] =	stream.indirect.gather [hbm4b:s12+s24], $0x40, s16, s24, $0xb8;
	[tilespmem:$0x1E240] =	vst v63  }
0xb5: {  	_ =	swait.ge [sflag:s31], $0x2000  }
0xb6: {  	[sflag:s31] =	ssyncset.done $0x0  }
0xb7: {  	s17 =	simm.s32 $0x2800;
	[sflag:s31] =	ssyncadd.s32 $0xFFFFE000  }
0xb8: {  	[spmem:s2] =	stream.indirect.scatter.add.f32 [tilespmem:s21], [sflag:$0x7], $0x40, s17, s24, $0xb8;
	[tilespmem:$0x1E240] =	vst v63  }
0xb9: {  	_ =	swait.ge [sflag:s22], $0x2000  }
0xba: {  	[sflag:s22] =	ssyncset.done $0x0  }
0xbb: {  	s20 =	simm.s32 $0x200;
	[sflag:s22] =	ssyncadd.s32 $0xFFFFE000  }
0xbc: {  	[tilespmem:s21], [sflag:$0x1] =	stream.indirect.gather [hbm4b:s12+s24], $0x40, s20, s24, $0xb8;
	[tilespmem:$0x1E240] =	vst v63  }
0xbd: {  	_ =	swait.ge [sflag:s0], $0x2000  }
0xbe: {  	[sflag:s0] =	ssyncset.done $0x0  }
0xbf: {  	s8 =	simm.s32 $0x2880;
	[sflag:s0] =	ssyncadd.s32 $0xFFFFE000  }
0xc0: {  	[spmem:s2] =	stream.indirect.scatter.add.f32 [tilespmem:s25], [sflag:$0x7], $0x40, s8, s24, $0xb8;
	[tilespmem:$0x1E240] =	vst v63  }
0xc1: {  	_ =	swait.ge [sflag:s22], $0x2000  }
0xc2: {  	[sflag:s22] =	ssyncset.done $0x0  }
0xc3: {  	s9 =	simm.s32 $0x280;
	[sflag:s22] =	ssyncadd.s32 $0xFFFFE000  }
0xc4: {  	[tilespmem:s25], [sflag:$0x2] =	stream.indirect.gather [hbm4b:s12+s24], $0x40, s9, s24, $0xb8;
	[tilespmem:$0x1E240] =	vst v63  }
0xc5: {  	_ =	swait.ge [sflag:s1], $0x2000  }
0xc6: {  	[sflag:s1] =	ssyncset.done $0x0  }
0xc7: {  	s16 =	simm.s32 $0x2900;
	[sflag:s1] =	ssyncadd.s32 $0xFFFFE000  }
0xc8: {  	[spmem:s2] =	stream.indirect.scatter.add.f32 [tilespmem:s28], [sflag:$0x7], $0x40, s16, s24, $0xb8;
	[tilespmem:$0x1E240] =	vst v63  }
0xc9: {  	_ =	swait.ge [sflag:s22], $0x2000  }
0xca: {  	[sflag:s22] =	ssyncset.done $0x0  }
0xcb: {  	s17 =	simm.s32 $0x300;
	[sflag:s22] =	ssyncadd.s32 $0xFFFFE000  }
0xcc: {  	[tilespmem:s28], [sflag:$0x3] =	stream.indirect.gather [hbm4b:s12+s24], $0x40, s17, s24, $0xb8;
	[tilespmem:$0x1E240] =	vst v63  }
0xcd: {  	_ =	swait.ge [sflag:s6], $0x2000  }
0xce: {  	[sflag:s6] =	ssyncset.done $0x0  }
0xcf: {  	s20 =	simm.s32 $0x2980;
	[sflag:s6] =	ssyncadd.s32 $0xFFFFE000  }
0xd0: {  	[spmem:s2] =	stream.indirect.scatter.add.f32 [tilespmem:s30], [sflag:$0x7], $0x40, s20, s24, $0xb8;
	[tilespmem:$0x1E240] =	vst v63  }
0xd1: {  	_ =	swait.ge [sflag:s22], $0x2000  }
0xd2: {  	[sflag:s22] =	ssyncset.done $0x0  }
0xd3: {  	s7 =	simm.s32 $0x800;
	s8 =	simm.s32 $0x380;
	[sflag:s22] =	ssyncadd.s32 $0xFFFFE000  }
.LBB2_6:
0xd4: {  	[tilespmem:s30], [sflag:$0x4] =	stream.indirect.gather [hbm4b:s12+s24], $0x40, s8, s24, $0xb8;
	[tilespmem:$0x1E240] =	vst v63  }
0xd5: {  	s8 =	smov.u32 s7  }
0xd6: {  	p0 =	sne.s32 s7, $0x9000;
	s7 =	sadd.s32 $0x800, s7;
	_ =	swait.ge [sflag:s31], $0x2000  }
0xd7: {  	s8 =	sshra.s32 s8, $0x2;
	[sflag:s31] =	ssyncset.done $0x0  }
0xd8: {  	s9 =	sadd.s32 $0x2800, s8;
	[sflag:s31] =	ssyncadd.s32 $0xFFFFE000  }
0xd9: {  	[spmem:s2] =	stream.indirect.scatter.add.f32 [tilespmem:s21], [sflag:$0x7], $0x40, s9, s24, $0xb8;
	[tilespmem:$0x1E240] =	vst v63  }
0xda: {  	_ =	swait.ge [sflag:s22], $0x2000  }
0xdb: {  	[sflag:s22] =	ssyncset.done $0x0  }
0xdc: {  	s9 =	sadd.s32 $0x200, s8;
	[sflag:s22] =	ssyncadd.s32 $0xFFFFE000  }
0xdd: {  	[tilespmem:s21], [sflag:$0x1] =	stream.indirect.gather [hbm4b:s12+s24], $0x40, s9, s24, $0xb8;
	[tilespmem:$0x1E240] =	vst v63  }
0xde: {  	_ =	swait.ge [sflag:s0], $0x2000  }
0xdf: {  	[sflag:s0] =	ssyncset.done $0x0  }
0xe0: {  	s9 =	sadd.s32 $0x2880, s8;
	[sflag:s0] =	ssyncadd.s32 $0xFFFFE000  }
0xe1: {  	[spmem:s2] =	stream.indirect.scatter.add.f32 [tilespmem:s25], [sflag:$0x7], $0x40, s9, s24, $0xb8;
	[tilespmem:$0x1E240] =	vst v63  }
0xe2: {  	_ =	swait.ge [sflag:s22], $0x2000  }
0xe3: {  	[sflag:s22] =	ssyncset.done $0x0  }
0xe4: {  	s9 =	sadd.s32 $0x280, s8;
	[sflag:s22] =	ssyncadd.s32 $0xFFFFE000  }
0xe5: {  	[tilespmem:s25], [sflag:$0x2] =	stream.indirect.gather [hbm4b:s12+s24], $0x40, s9, s24, $0xb8;
	[tilespmem:$0x1E240] =	vst v63  }
0xe6: {  	_ =	swait.ge [sflag:s1], $0x2000  }
0xe7: {  	[sflag:s1] =	ssyncset.done $0x0  }
0xe8: {  	s9 =	sadd.s32 $0x2900, s8;
	[sflag:s1] =	ssyncadd.s32 $0xFFFFE000  }
0xe9: {  	[spmem:s2] =	stream.indirect.scatter.add.f32 [tilespmem:s28], [sflag:$0x7], $0x40, s9, s24, $0xb8;
	[tilespmem:$0x1E240] =	vst v63  }
0xea: {  	_ =	swait.ge [sflag:s22], $0x2000  }
0xeb: {  	[sflag:s22] =	ssyncset.done $0x0  }
0xec: {  	s9 =	sadd.s32 $0x300, s8;
	[sflag:s22] =	ssyncadd.s32 $0xFFFFE000  }
0xed: {  	[tilespmem:s28], [sflag:$0x3] =	stream.indirect.gather [hbm4b:s12+s24], $0x40, s9, s24, $0xb8;
	[tilespmem:$0x1E240] =	vst v63  }
0xee: {  	_ =	swait.ge [sflag:s6], $0x2000  }
0xef: {  	[sflag:s6] =	ssyncset.done $0x0  }
.Ltmp2:
0xf0: {  	s9 =	sadd.s32 $0x2980, s8;
	[sflag:s6] =	ssyncadd.s32 $0xFFFFE000;
	(pc) =	sbr.rel @p0 .LBB2_6-.Ltmp2, $4  }
0xf1: {  	[spmem:s2] =	stream.indirect.scatter.add.f32 [tilespmem:s30], [sflag:$0x7], $0x40, s9, s24, $0xb8;
	[tilespmem:$0x1E240] =	vst v63  }
0xf2: {  	_ =	swait.ge [sflag:s22], $0x2000  }
0xf3: {  	[sflag:s22] =	ssyncset.done $0x0  }
0xf4: {  	s8 =	sadd.s32 $0x380, s8;
	[sflag:s22] =	ssyncadd.s32 $0xFFFFE000  }
0xf5: {  	[tilespmem:s30], [sflag:$0x4] =	stream.indirect.gather [hbm4b:s12+s24], $0x40, s8, s24, $0xb8;
	[tilespmem:$0x1E240] =	vst v63  }
0xf6: {  	_ =	swait.ge [sflag:s31], $0x2000  }
0xf7: {  	[sflag:s31] =	ssyncset.done $0x0  }
0xf8: {  	s7 =	simm.s32 $0x4E00;
	[sflag:s31] =	ssyncadd.s32 $0xFFFFE000  }
0xf9: {  	[spmem:s2] =	stream.indirect.scatter.add.f32 [tilespmem:s21], [sflag:$0x7], $0x40, s7, s24, $0xb8;
	[tilespmem:$0x1E240] =	vst v63  }
0xfa: {  	_ =	swait.ge [sflag:s22], $0x2000  }
0xfb: {  	[sflag:s22] =	ssyncset.done $0x0  }
0xfc: {  	[sflag:s22] =	ssyncadd.s32 $0xFFFFE000  }
0xfd: {  	_ =	swait.ge [sflag:s0], $0x2000  }
0xfe: {  	[sflag:s0] =	ssyncset.done $0x0  }
0xff: {  	s17 =	simm.s32 $0x4E80;
	[sflag:s0] =	ssyncadd.s32 $0xFFFFE000  }
0x100: {  	[spmem:s2] =	stream.indirect.scatter.add.f32 [tilespmem:s25], [sflag:$0x7], $0x40, s17, s24, $0xb8;
	[tilespmem:$0x1E240] =	vst v63  }
0x101: {  	_ =	swait.ge [sflag:s22], $0x2000  }
0x102: {  	[sflag:s22] =	ssyncset.done $0x0  }
0x103: {  	[sflag:s22] =	ssyncadd.s32 $0xFFFFE000  }
0x104: {  	_ =	swait.ge [sflag:s1], $0x2000  }
0x105: {  	[sflag:s1] =	ssyncset.done $0x0  }
0x106: {  	s20 =	simm.s32 $0x4F00;
	[sflag:s1] =	ssyncadd.s32 $0xFFFFE000  }
0x107: {  	[spmem:s2] =	stream.indirect.scatter.add.f32 [tilespmem:s28], [sflag:$0x7], $0x40, s20, s24, $0xb8;
	[tilespmem:$0x1E240] =	vst v63  }
0x108: {  	_ =	swait.ge [sflag:s22], $0x2000  }
0x109: {  	[sflag:s22] =	ssyncset.done $0x0  }
0x10a: {  	[sflag:s22] =	ssyncadd.s32 $0xFFFFE000  }
0x10b: {  	_ =	swait.ge [sflag:s6], $0x2000  }
0x10c: {  	[sflag:s6] =	ssyncset.done $0x0  }
0x10d: {  	[sflag:s6] =	ssyncadd.s32 $0xFFFFE000  }
0x10e: {  	[spmem:s2] =	stream.indirect.scatter.add.f32 [tilespmem:s30], [sflag:$0x7], $0x40, s10, s24, $0xb8;
	[tilespmem:$0x1E240] =	vst v63  }
0x10f: {  	_ =	swait.ge [sflag:s22], $0x2000  }
0x110: {  	[sflag:s22] =	ssyncset.done $0x0  }
0x111: {  	[sflag:s22] =	ssyncadd.s32 $0xFFFFE000  }
0x112: {  	[bflag:$0x0] =	sbarrier.arrive $0xFFFF  }
0x113: {  	s16 =	simm.s32 $0x0;
	s9 =	simm.s32 $0x14200;
	s8 =	rddreg [dreg:$0xc]  }
0x114: {  	[tilespmem:s9], [sflag:$0x7] =	stream.linear.gather [hbm4b:s8+s16], $0x40, $0x38;
	[tilespmem:$0x1E240] =	vst v63  }
0x115: {  	_ =	swait.ge [sflag:s22], $0x40  }
0x116: {  	[sflag:s22] =	ssyncset.done $0x0  }
0x117: {  	s17 =	rddreg [dreg:$0xd];
	[sflag:s22] =	ssyncadd.s32 $0xFFFFFFC0  }
0x118: {  	[tilespmem:s23], [sflag:$0x7] =	stream.linear.gather [hbm4b:s17+s16], $0x1900, $0x38;
	[tilespmem:$0x1E240] =	vst v63  }
0x119: {  	_ =	swait.ge [sflag:s22], $0x1900  }
0x11a: {  	[sflag:s22] =	ssyncset.done $0x0  }
0x11b: {  	s20 =	rddreg [dreg:$0xe];
	[sflag:s22] =	ssyncadd.s32 $0xFFFFE700  }
0x11c: {  	[tilespmem:s11], [sflag:$0x7] =	stream.linear.gather [hbm4b:s20+s16], $0x1900, $0x38;
	[tilespmem:$0x1E240] =	vst v63  }
0x11d: {  	_ =	swait.ge [sflag:s22], $0x1900  }
0x11e: {  	[sflag:s22] =	ssyncset.done $0x0  }
0x11f: {  	[sflag:s22] =	ssyncadd.s32 $0xFFFFE700  }
0x120: {  	v1 =	vld [tilespmem:$0x14200]  }
0x121: {  	v2 =	vld [tilespmem:$0x14210]  }
0x122: {  	v3 =	vld [tilespmem:$0x14220]  }
0x123: {  	v4 =	vld [tilespmem:$0x14230];
	[tilespmem:s21], [sflag:$0x1] =	stream.indirect.gather [spmem:s2], $0x40, s23, s24, $0xb8  }
0x124: {  	_ = 	snop  }
0x125: {  	[tilespmem:s25], [sflag:$0x2] =	stream.indirect.gather [spmem:s2], $0x40, s11, s24, $0xb8;
	[tilespmem:$0x1E240] =	vst v63  }
.LBB2_8:
0x126: {  	_ =	swait.ge [sflag:s31], $0x2000  }
0x127: {  	[sflag:s31] =	ssyncset.done $0x0  }
0x128: {  	[sflag:s31] =	ssyncadd.s32 $0xFFFFE000  }
0x129: {  	s17 =	sshllo.u32 s16, $0x1;
	_ =	swait.ge [sflag:s0], $0x2000  }
0x12a: {  	s7 =	sshll.u32 s17, $0x7;
	[sflag:s0] =	ssyncset.done $0x0  }
0x12b: {  	s8 =	sadd.s32 $0xD000, s7;
	[sflag:s0] =	ssyncadd.s32 $0xFFFFE000  }
0x12c: {  	[tilespmem:s28], [sflag:$0x3] =	stream.indirect.gather [spmem:s2], $0x40, s8, s24, $0xb8;
	[tilespmem:$0x1E240] =	vst v63  }
0x12d: {  	p0 =	seq.s32 s16, $0x0;
	s7 =	sadd.s32 $0xE900, s7  }
0x12e: {  	[tilespmem:s30], [sflag:$0x4] =	stream.indirect.gather [spmem:s2], $0x40, s7, s24, $0xb8;
	[tilespmem:$0x1E240] =	vst v63  }
0x12f: {  	s7 =	simm.s32 @!p0 $0x5  }
0x130: {  	_ =	swait.ge @!p0 [sflag:s7], $0x2000  }
0x131: {  	[sflag:s7] =	ssyncset.done @!p0 $0x0  }
0x132: {  	[sflag:s7] =	ssyncadd.s32 @!p0 $0xFFFFE000;
	s7 =	simm.s32 $0x0  }
0x133: {  	v5 =	vld [tilespmem:s7+$0x5070]  }
0x134: {  	v6 =	vld [tilespmem:s7+$0x7070]  }
0x135: {  	v7 =	vld [tilespmem:s7+$0x5000]  }
0x136: {  	v8 =	vld [tilespmem:s7+$0x7000];
	_ =	sdelay $0x1  }
0x137: {  	v9 =	vld [tilespmem:s7+$0x5010]  }
0x138: {  	v10 =	vld [tilespmem:s7+$0x7010]  }
0x139: {  	v12 =	vld [tilespmem:s7+$0x7020];
	v5 =	vadd.f32 v5, v4;
	v6 =	vadd.f32 v6, v4  }
0x13a: {  	v11 =	vld [tilespmem:s7+$0x5020];
	v7 =	vadd.f32 v7, v1;
	v8 =	vadd.f32 v8, v1  }
0x13b: {  	v13 =	vld [tilespmem:s7+$0x5030];
	v5 =	vmax.f32 v5, $0.0e+00;
	v6 =	vmax.f32 v6, $0.0e+00  }
0x13c: {  	v14 =	vld [tilespmem:s7+$0x7030];
	v5 =	vmul.f32 v6, v5;
	v6 =	vmax.f32 v7, $0.0e+00;
	v7 =	vmax.f32 v8, $0.0e+00  }
0x13d: {  	v15 =	vld [tilespmem:s7+$0x5040];
	v8 =	vadd.f32 v10, v2;
	v6 =	vmul.f32 v7, v6;
	v7 =	vadd.f32 v9, v2  }
0x13e: {  	v16 =	vld [tilespmem:s7+$0x7040];
	v10 =	vadd.f32 v12, v3  }
0x13f: {  	v9 =	vadd.f32 v11, v3;
	[tilespmem:s7+$0x10270] =	vst v5;
	v5 =	vld [tilespmem:s7+$0x5050];
	v8 =	vmax.f32 v8, $0.0e+00;
	v7 =	vmax.f32 v7, $0.0e+00  }
0x140: {  	v11 =	vadd.f32 v13, v4;
	v7 =	vmul.f32 v8, v7;
	v8 =	vld [tilespmem:s7+$0x7050]  }
0x141: {  	v13 =	vadd.f32 v14, v4;
	v10 =	vmax.f32 v10, $0.0e+00;
	[tilespmem:s7+$0x10200] =	vst v6;
	v6 =	vld [tilespmem:s7+$0x5060];
	v9 =	vmax.f32 v9, $0.0e+00  }
0x142: {  	s8 =	simm.s32 $0x80;
	v12 =	vadd.f32 v15, v1;
	v10 =	vmul.f32 v10, v9;
	v9 =	vld [tilespmem:s7+$0x7060];
	[tilespmem:s7+$0x10210] =	vst v7  }
0x143: {  	s20 =	sshll.u32 s16, $0x1;
	s9 =	simm.s32 $0x400;
	v11 =	vmax.f32 v11, $0.0e+00;
	v14 =	vmax.f32 v13, $0.0e+00;
	v13 =	vadd.f32 v16, v1;
	v7 =	vld [tilespmem:s8+$0x5070]  }
.LBB2_9:
0x144: {  	p0 =	sne.s32 s9, $0x7E00;
	v15 =	vld [tilespmem:s8+$0x7070];
	[tilespmem:s7+$0x10220] =	vst v10;
	v10 =	vmul.f32 v14, v11;
	v11 =	vmax.f32 v12, $0.0e+00;
	v5 =	vadd.f32 v5, v2  }
0x145: {  	v12 =	vld [tilespmem:s8+$0x5000];
	v13 =	vmax.f32 v13, $0.0e+00;
	v8 =	vadd.f32 v8, v2  }
0x146: {  	v14 =	vld [tilespmem:s8+$0x7000];
	[tilespmem:s7+$0x10230] =	vst v10;
	v10 =	vmul.f32 v13, v11;
	v5 =	vmax.f32 v5, $0.0e+00;
	v6 =	vadd.f32 v6, v3  }
0x147: {  	v11 =	vld [tilespmem:s8+$0x5010];
	v8 =	vmax.f32 v8, $0.0e+00;
	v9 =	vadd.f32 v9, v3  }
0x148: {  	v13 =	vld [tilespmem:s8+$0x7010];
	[tilespmem:s7+$0x10240] =	vst v10;
	v5 =	vmul.f32 v8, v5;
	v6 =	vmax.f32 v6, $0.0e+00  }
0x149: {  	v7 =	vadd.f32 v7, v4;
	v8 =	vld [tilespmem:s8+$0x5020];
	v10 =	vadd.f32 v15, v4;
	v9 =	vmax.f32 v9, $0.0e+00  }
0x14a: {  	v12 =	vadd.f32 v12, v1;
	v15 =	vld [tilespmem:s8+$0x7020];
	[tilespmem:s7+$0x10250] =	vst v5;
	v5 =	vmul.f32 v9, v6  }
0x14b: {  	v7 =	vmax.f32 v7, $0.0e+00;
	v6 =	vadd.f32 v14, v1;
	v9 =	vld [tilespmem:s8+$0x5030];
	v10 =	vmax.f32 v10, $0.0e+00  }
0x14c: {  	v12 =	vmax.f32 v12, $0.0e+00;
	v11 =	vadd.f32 v11, v2;
	v14 =	vld [tilespmem:s8+$0x7030];
	v7 =	vmul.f32 v10, v7;
	[tilespmem:s7+$0x10260] =	vst v5;
	s7 =	smov.u32 s8  }
0x14d: {  	v5 =	vmax.f32 v6, $0.0e+00;
	v6 =	vadd.f32 v13, v2;
	v13 =	vld [tilespmem:s7+$0x5040]  }
0x14e: {  	v10 =	vmul.f32 v5, v12;
	v11 =	vmax.f32 v11, $0.0e+00;
	v8 =	vadd.f32 v8, v3;
	v16 =	vld [tilespmem:s7+$0x7040];
	[tilespmem:s7+$0x10270] =	vst v7  }
.Ltmp3:
0x14f: {  	v6 =	vmax.f32 v6, $0.0e+00;
	v7 =	vadd.f32 v15, v3;
	v5 =	vld [tilespmem:s7+$0x5050];
	(pc) =	sbr.rel @p0 .LBB2_9-.Ltmp3, $4  }
0x150: {  	[tilespmem:s7+$0x10200] =	vst v10;
	v10 =	vmul.f32 v6, v11;
	v11 =	vmax.f32 v8, $0.0e+00;
	v9 =	vadd.f32 v9, v4;
	v8 =	vld [tilespmem:s7+$0x7050]  }
0x151: {  	v7 =	vmax.f32 v7, $0.0e+00;
	v14 =	vadd.f32 v14, v4;
	v6 =	vld [tilespmem:s7+$0x5060]  }
0x152: {  	s8 =	sshra.s32 s9, $0x2;
	[tilespmem:s7+$0x10210] =	vst v10;
	v10 =	vmul.f32 v7, v11;
	v11 =	vmax.f32 v9, $0.0e+00;
	v12 =	vadd.f32 v13, v1;
	v9 =	vld [tilespmem:s7+$0x7060]  }
0x153: {  	s9 =	sadd.s32 $0x200, s9;
	v7 =	vld [tilespmem:s8+$0x5070];
	v14 =	vmax.f32 v14, $0.0e+00;
	v13 =	vadd.f32 v16, v1  }
0x154: {  	v15 =	vld [tilespmem:s8+$0x7070];
	[tilespmem:s7+$0x10220] =	vst v10;
	v10 =	vmul.f32 v14, v11;
	v12 =	vmax.f32 v12, $0.0e+00  }
0x155: {  	v5 =	vadd.f32 v5, v2;
	v11 =	vld [tilespmem:s8+$0x5000];
	v13 =	vmax.f32 v13, $0.0e+00;
	v8 =	vadd.f32 v8, v2  }
0x156: {  	v14 =	vld [tilespmem:s8+$0x7000];
	[tilespmem:s7+$0x10230] =	vst v10;
	v10 =	vmul.f32 v13, v12  }
0x157: {  	v5 =	vmax.f32 v5, $0.0e+00;
	v12 =	vld [tilespmem:s8+$0x5010];
	v8 =	vmax.f32 v8, $0.0e+00  }
0x158: {  	v6 =	vadd.f32 v6, v3;
	v13 =	vld [tilespmem:s8+$0x7010];
	v9 =	vadd.f32 v9, v3;
	[tilespmem:s7+$0x10240] =	vst v10;
	v5 =	vmul.f32 v8, v5  }
0x159: {  	v8 =	vld [tilespmem:s8+$0x5020]  }
0x15a: {  	v6 =	vmax.f32 v6, $0.0e+00;
	v10 =	vld [tilespmem:s8+$0x7020];
	v9 =	vmax.f32 v9, $0.0e+00;
	[tilespmem:s7+$0x10250] =	vst v5;
	v5 =	vadd.f32 v7, v4  }
0x15b: {  	v7 =	vadd.f32 v15, v4;
	v6 =	vmul.f32 v9, v6  }
0x15c: {  	v11 =	vadd.f32 v11, v1;
	v14 =	vadd.f32 v14, v1;
	v9 =	vld [tilespmem:s8+$0x5030];
	v5 =	vmax.f32 v5, $0.0e+00  }
0x15d: {  	v15 =	vld [tilespmem:s8+$0x7030];
	v7 =	vmax.f32 v7, $0.0e+00;
	[tilespmem:s7+$0x10260] =	vst v6;
	v12 =	vadd.f32 v12, v2;
	v13 =	vadd.f32 v13, v2  }
0x15e: {  	v5 =	vmul.f32 v7, v5;
	v6 =	vld [tilespmem:s8+$0x5040];
	v7 =	vmax.f32 v11, $0.0e+00;
	v11 =	vmax.f32 v14, $0.0e+00  }
0x15f: {  	v14 =	vld [tilespmem:s8+$0x7040];
	v7 =	vmul.f32 v11, v7  }
0x160: {  	v11 =	vmax.f32 v12, $0.0e+00;
	v12 =	vmax.f32 v13, $0.0e+00;
	v13 =	vld [tilespmem:s8+$0x7060];
	[tilespmem:s8+$0x10270] =	vst v5  }
0x161: {  	v8 =	vadd.f32 v8, v3;
	v5 =	vld [tilespmem:s8+$0x5050];
	[tilespmem:s8+$0x10200] =	vst v7;
	v7 =	vmul.f32 v12, v11  }
0x162: {  	v10 =	vadd.f32 v10, v3;
	v11 =	vld [tilespmem:s8+$0x7050]  }
0x163: {  	v12 =	vld [tilespmem:s8+$0x5060];
	v8 =	vmax.f32 v8, $0.0e+00;
	[tilespmem:s8+$0x10210] =	vst v7;
	v7 =	vadd.f32 v9, v4  }
0x164: {  	v10 =	vmax.f32 v10, $0.0e+00;
	v9 =	vadd.f32 v15, v4;
	v6 =	vadd.f32 v6, v1  }
0x165: {  	v8 =	vmul.f32 v10, v8;
	v10 =	vadd.f32 v14, v1  }
0x166: {  	v7 =	vmax.f32 v7, $0.0e+00;
	v9 =	vmax.f32 v9, $0.0e+00;
	v6 =	vmax.f32 v6, $0.0e+00  }
0x167: {  	v5 =	vadd.f32 v5, v2;
	v7 =	vmul.f32 v9, v7;
	v9 =	vadd.f32 v11, v2  }
0x168: {  	v10 =	vmax.f32 v10, $0.0e+00;
	v11 =	vadd.f32 v12, v3;
	v12 =	vadd.f32 v13, v3  }
0x169: {  	s20 =	sadd.s32 s18, s20;
	[tilespmem:s8+$0x10220] =	vst v8;
	v6 =	vmul.f32 v10, v6;
	v5 =	vmax.f32 v5, $0.0e+00;
	v8 =	vmax.f32 v9, $0.0e+00  }
0x16a: {  	s7 =	sshll.u32 s20, $0xD;
	[tilespmem:s8+$0x10230] =	vst v7;
	v7 =	vmax.f32 v11, $0.0e+00;
	v5 =	vmul.f32 v8, v5;
	v8 =	vmax.f32 v12, $0.0e+00  }
0x16b: {  	s7 =	sadd.s32 s19, s7;
	[tilespmem:s8+$0x10240] =	vst v6;
	v6 =	vmul.f32 v8, v7  }
0x16c: {  	s7 =	sshrl.u32 s7, $0x3;
	[tilespmem:s8+$0x10250] =	vst v5  }
0x16d: {  	s7 =	sadd.s32 s5, s7;
	[tilespmem:s8+$0x10260] =	vst v6  }
0x16e: {  	[hbm4b:s7+s3] =	stream.linear.scatter [tilespmem:s26], [sflag:$0x5], $0x2000, $0x38;
	[tilespmem:$0x1E240] =	vst v63  }
0x16f: {  	_ =	swait.ge [sflag:s1], $0x2000  }
0x170: {  	[sflag:s1] =	ssyncset.done $0x0  }
0x171: {  	[sflag:s1] =	ssyncadd.s32 $0xFFFFE000  }
0x172: {  	p0 =	seq.s32 s16, $0x18;
	_ =	swait.ge [sflag:s6], $0x2000  }
0x173: {  	s9 =	simm.s32 @!p0 $0x80;
	s7 =	sshll.u32 @!p0 s16, $0x8;
	[sflag:s6] =	ssyncset.done $0x0  }
0x174: {  	s20 =	simm.s32 @!p0 $0x5000;
	s8 =	sadd.s32 @!p0 $0xD100, s7;
	[sflag:s6] =	ssyncadd.s32 $0xFFFFE000  }
0x175: {  	[tilespmem:s20], [sflag:$0x1] =	stream.indirect.gather @!p0 [spmem:s2], $0x40, s8, s9, $0xb8;
	[tilespmem:$0x1E240] =	vst v63  }
0x176: {  	p1 =	seq.s32 @!p0 s16, $0x0;
	s7 =	sadd.s32 @!p0 $0xEA00, s7;
	s8 =	simm.s32 @!p0 $0x7000  }
0x177: {  	[tilespmem:s8], [sflag:$0x2] =	stream.indirect.gather @!p0 [spmem:s2], $0x40, s7, s9, $0xb8;
	[tilespmem:$0x1E240] =	vst v63  }
0x178: {  	p0 =	por p0, !p1  }
0x179: {  	_ =	swait.ge @p0 [sflag:s14], $0x2000  }
0x17a: {  	[sflag:s14] =	ssyncset.done @p0 $0x0  }
0x17b: {  	s7 =	simm.s32 $0x0;
	[sflag:s14] =	ssyncadd.s32 @p0 $0xFFFFE000  }
0x17c: {  	v5 =	vld [tilespmem:s7+$0x9070]  }
0x17d: {  	v6 =	vld [tilespmem:s7+$0xB070]  }
0x17e: {  	v7 =	vld [tilespmem:s7+$0x9000]  }
0x17f: {  	v8 =	vld [tilespmem:s7+$0xB000];
	_ =	sdelay $0x1  }
0x180: {  	v9 =	vld [tilespmem:s7+$0x9010]  }
0x181: {  	v10 =	vld [tilespmem:s7+$0xB010]  }
0x182: {  	v11 =	vld [tilespmem:s7+$0x9020];
	v5 =	vadd.f32 v5, v4;
	v6 =	vadd.f32 v6, v4  }
0x183: {  	v12 =	vld [tilespmem:s7+$0xB020];
	v7 =	vadd.f32 v7, v1;
	v8 =	vadd.f32 v8, v1  }
0x184: {  	v13 =	vld [tilespmem:s7+$0x9030];
	v5 =	vmax.f32 v5, $0.0e+00;
	v6 =	vmax.f32 v6, $0.0e+00  }
0x185: {  	v14 =	vld [tilespmem:s7+$0xB030];
	v7 =	vmax.f32 v7, $0.0e+00;
	v8 =	vmax.f32 v8, $0.0e+00;
	v5 =	vmul.f32 v6, v5  }
0x186: {  	v6 =	vld [tilespmem:s7+$0x9040];
	v7 =	vmul.f32 v8, v7;
	v8 =	vadd.f32 v9, v2;
	v9 =	vadd.f32 v10, v2  }
0x187: {  	v15 =	vld [tilespmem:s7+$0xB040];
	v10 =	vadd.f32 v11, v3  }
0x188: {  	v11 =	vadd.f32 v12, v3;
	[tilespmem:s7+$0x12270] =	vst v5;
	v5 =	vld [tilespmem:s7+$0x9050];
	v8 =	vmax.f32 v8, $0.0e+00;
	v9 =	vmax.f32 v9, $0.0e+00  }
0x189: {  	v12 =	vadd.f32 v13, v4;
	v9 =	vmul.f32 v9, v8;
	v8 =	vld [tilespmem:s7+$0xB050]  }
0x18a: {  	v13 =	vadd.f32 v14, v4;
	[tilespmem:s7+$0x12200] =	vst v7;
	v7 =	vld [tilespmem:s7+$0x9060];
	v10 =	vmax.f32 v10, $0.0e+00;
	v11 =	vmax.f32 v11, $0.0e+00  }
0x18b: {  	s8 =	simm.s32 $0x80;
	v11 =	vmul.f32 v11, v10;
	[tilespmem:s7+$0x12210] =	vst v9;
	v9 =	vld [tilespmem:s7+$0xB060];
	v10 =	vadd.f32 v6, v1  }
0x18c: {  	s9 =	simm.s32 $0x400;
	v12 =	vmax.f32 v12, $0.0e+00;
	v14 =	vmax.f32 v13, $0.0e+00;
	v13 =	vadd.f32 v15, v1;
	v6 =	vld [tilespmem:s8+$0x9070]  }
.LBB2_11:
0x18d: {  	p0 =	sne.s32 s9, $0x7E00;
	v15 =	vld [tilespmem:s8+$0xB070];
	[tilespmem:s7+$0x12220] =	vst v11;
	v11 =	vmul.f32 v14, v12;
	v10 =	vmax.f32 v10, $0.0e+00;
	v5 =	vadd.f32 v5, v2  }
0x18e: {  	v12 =	vld [tilespmem:s8+$0x9000];
	v13 =	vmax.f32 v13, $0.0e+00;
	v8 =	vadd.f32 v8, v2  }
0x18f: {  	v14 =	vld [tilespmem:s8+$0xB000];
	[tilespmem:s7+$0x12230] =	vst v11;
	v10 =	vmul.f32 v13, v10;
	v5 =	vmax.f32 v5, $0.0e+00;
	v7 =	vadd.f32 v7, v3  }
0x190: {  	v11 =	vld [tilespmem:s8+$0x9010];
	v8 =	vmax.f32 v8, $0.0e+00;
	v9 =	vadd.f32 v9, v3  }
0x191: {  	v13 =	vld [tilespmem:s8+$0xB010];
	[tilespmem:s7+$0x12240] =	vst v10;
	v5 =	vmul.f32 v8, v5;
	v7 =	vmax.f32 v7, $0.0e+00  }
0x192: {  	v6 =	vadd.f32 v6, v4;
	v8 =	vld [tilespmem:s8+$0x9020];
	v10 =	vadd.f32 v15, v4;
	v9 =	vmax.f32 v9, $0.0e+00  }
0x193: {  	v12 =	vadd.f32 v12, v1;
	v15 =	vld [tilespmem:s8+$0xB020];
	[tilespmem:s7+$0x12250] =	vst v5;
	v5 =	vmul.f32 v9, v7  }
0x194: {  	v6 =	vmax.f32 v6, $0.0e+00;
	v7 =	vadd.f32 v14, v1;
	v9 =	vld [tilespmem:s8+$0x9030];
	v10 =	vmax.f32 v10, $0.0e+00  }
0x195: {  	v12 =	vmax.f32 v12, $0.0e+00;
	v11 =	vadd.f32 v11, v2;
	v14 =	vld [tilespmem:s8+$0xB030];
	v6 =	vmul.f32 v10, v6;
	[tilespmem:s7+$0x12260] =	vst v5;
	s7 =	smov.u32 s8  }
0x196: {  	v5 =	vmax.f32 v7, $0.0e+00;
	v7 =	vadd.f32 v13, v2;
	v10 =	vld [tilespmem:s7+$0x9040]  }
0x197: {  	v12 =	vmul.f32 v5, v12;
	v11 =	vmax.f32 v11, $0.0e+00;
	v8 =	vadd.f32 v8, v3;
	v13 =	vld [tilespmem:s7+$0xB040];
	[tilespmem:s7+$0x12270] =	vst v6  }
.Ltmp4:
0x198: {  	v6 =	vmax.f32 v7, $0.0e+00;
	v7 =	vadd.f32 v15, v3;
	v5 =	vld [tilespmem:s7+$0x9050];
	(pc) =	sbr.rel @p0 .LBB2_11-.Ltmp4, $4  }
0x199: {  	[tilespmem:s7+$0x12200] =	vst v12;
	v6 =	vmul.f32 v6, v11;
	v11 =	vmax.f32 v8, $0.0e+00;
	v9 =	vadd.f32 v9, v4;
	v8 =	vld [tilespmem:s7+$0xB050]  }
0x19a: {  	v12 =	vmax.f32 v7, $0.0e+00;
	v14 =	vadd.f32 v14, v4;
	v7 =	vld [tilespmem:s7+$0x9060]  }
0x19b: {  	s8 =	sshra.s32 s9, $0x2;
	[tilespmem:s7+$0x12210] =	vst v6;
	v11 =	vmul.f32 v12, v11;
	v12 =	vmax.f32 v9, $0.0e+00;
	v10 =	vadd.f32 v10, v1;
	v9 =	vld [tilespmem:s7+$0xB060]  }
0x19c: {  	s9 =	sadd.s32 $0x200, s9;
	v6 =	vld [tilespmem:s8+$0x9070];
	v14 =	vmax.f32 v14, $0.0e+00;
	v13 =	vadd.f32 v13, v1  }
0x19d: {  	v15 =	vld [tilespmem:s8+$0xB070];
	[tilespmem:s7+$0x12220] =	vst v11;
	v44 =	vmul.f32 v14, v12;
	v5 =	vadd.f32 v5, v2  }
0x19e: {  	v10 =	vmax.f32 v10, $0.0e+00;
	v45 =	vld [tilespmem:s8+$0x9000];
	v13 =	vmax.f32 v13, $0.0e+00;
	v8 =	vadd.f32 v8, v2  }
0x19f: {  	v46 =	vld [tilespmem:s8+$0xB000];
	[tilespmem:s7+$0x12230] =	vst v44;
	v10 =	vmul.f32 v13, v10;
	v5 =	vmax.f32 v5, $0.0e+00  }
0x1a0: {  	v7 =	vadd.f32 v7, v3;
	v11 =	vld [tilespmem:s8+$0x9010];
	v8 =	vmax.f32 v8, $0.0e+00;
	v9 =	vadd.f32 v9, v3  }
0x1a1: {  	v47 =	vld [tilespmem:s8+$0xB010];
	[tilespmem:s7+$0x12240] =	vst v10;
	v5 =	vmul.f32 v8, v5  }
0x1a2: {  	v7 =	vmax.f32 v7, $0.0e+00;
	v48 =	vld [tilespmem:s8+$0x9020];
	v9 =	vmax.f32 v9, $0.0e+00  }
0x1a3: {  	v10 =	vld [tilespmem:s8+$0xB020];
	[tilespmem:s7+$0x12250] =	vst v5;
	v5 =	vadd.f32 v6, v4;
	v6 =	vadd.f32 v15, v4;
	v7 =	vmul.f32 v9, v7  }
0x1a4: {  	v49 =	vld [tilespmem:s8+$0x9030]  }
0x1a5: {  	v12 =	vadd.f32 v45, v1;
	v50 =	vld [tilespmem:s8+$0xB030];
	v5 =	vmax.f32 v5, $0.0e+00;
	v6 =	vmax.f32 v6, $0.0e+00;
	[tilespmem:s7+$0x12260] =	vst v7  }
0x1a6: {  	v14 =	vadd.f32 v46, v1;
	v5 =	vmul.f32 v6, v5;
	v6 =	vld [tilespmem:s8+$0x9040]  }
0x1a7: {  	v7 =	vmax.f32 v12, $0.0e+00;
	v52 =	vld [tilespmem:s8+$0xB040]  }
0x1a8: {  	v51 =	vmax.f32 v14, $0.0e+00;
	v11 =	vadd.f32 v11, v2;
	v13 =	vadd.f32 v47, v2;
	v54 =	vld [tilespmem:s8+$0xB050]  }
0x1a9: {  	v7 =	vmul.f32 v51, v7;
	v55 =	vld [tilespmem:s8+$0x9060]  }
0x1aa: {  	v57 =	vld [tilespmem:s8+$0xB060];
	v11 =	vmax.f32 v11, $0.0e+00;
	v53 =	vmax.f32 v13, $0.0e+00;
	[tilespmem:s8+$0x12270] =	vst v5  }
0x1ab: {  	v8 =	vadd.f32 v48, v3;
	v10 =	vadd.f32 v10, v3;
	v5 =	vld [tilespmem:s8+$0x9050];
	[tilespmem:s8+$0x12200] =	vst v7;
	v7 =	vmul.f32 v53, v11  }
0x1ac: {  	v56 =	vadd.f32 v50, v4  }
0x1ad: {  	v8 =	vmax.f32 v8, $0.0e+00;
	v10 =	vmax.f32 v10, $0.0e+00;
	[tilespmem:s8+$0x12210] =	vst v7;
	v7 =	vadd.f32 v49, v4  }
0x1ae: {  	v8 =	vmul.f32 v10, v8;
	v6 =	vadd.f32 v6, v1;
	v58 =	vadd.f32 v52, v1  }
0x1af: {  	v9 =	vmax.f32 v56, $0.0e+00;
	v59 =	vadd.f32 v54, v2;
	v60 =	vadd.f32 v55, v3  }
0x1b0: {  	v61 =	vadd.f32 v57, v3;
	v7 =	vmax.f32 v7, $0.0e+00;
	v5 =	vadd.f32 v5, v2  }
0x1b1: {  	s16 =	sadd.s32 $0x1, s16;
	v7 =	vmul.f32 v9, v7;
	v6 =	vmax.f32 v6, $0.0e+00;
	v10 =	vmax.f32 v58, $0.0e+00  }
0x1b2: {  	s20 =	sadd.s32 s18, s17;
	p0 =	sne.s32 s16, $0x19;
	[tilespmem:s8+$0x12220] =	vst v8;
	v62 =	vmax.f32 v59, $0.0e+00;
	v6 =	vmul.f32 v10, v6;
	v5 =	vmax.f32 v5, $0.0e+00  }
.Ltmp5:
0x1b3: {  	s7 =	sshll.u32 s20, $0xD;
	v63 =	vmax.f32 v61, $0.0e+00;
	[tilespmem:s8+$0x12230] =	vst v7;
	v7 =	vmax.f32 v60, $0.0e+00;
	v5 =	vmul.f32 v62, v5;
	(pc) =	sbr.rel @p0 .LBB2_8-.Ltmp5, $4  }
0x1b4: {  	s7 =	sadd.s32 s19, s7;
	[tilespmem:s8+$0x12240] =	vst v6;
	v6 =	vmul.f32 v63, v7  }
0x1b5: {  	s7 =	sshrl.u32 s7, $0x3;
	[tilespmem:s8+$0x12250] =	vst v5  }
0x1b6: {  	s7 =	sadd.s32 s5, s7;
	[tilespmem:s8+$0x12260] =	vst v6  }
0x1b7: {  	[hbm4b:s7+s3] =	stream.linear.scatter [tilespmem:s13], [sflag:$0x6], $0x2000, $0x38;
	[tilespmem:$0x1E240] =	vst v63  }
0x1b8: {  	_ =	swait.ge [sflag:s29], $0x2000  }
0x1b9: {  	[sflag:s29] =	ssyncset.done $0x0  }
0x1ba: {  	[sflag:s29] =	ssyncadd.s32 $0xFFFFE000  }
0x1bb: {  	_ =	swait.ge [sflag:s14], $0x2000  }
0x1bc: {  	s15 =	sadd.s32 $0x1, s15;
	s7 =	rddreg [dreg:$0xf]  }
0x1bd: {  	p0 =	sne.s32 s15, s7  }
.Ltmp6:
0x1be: {  	_ = 	snop;
	(pc) =	sbr.rel @p0 .LBB2_1-.Ltmp6, $3  }
0x1bf: {  	_ =	sdelay $0x1  }
0x1c0: {  	[sflag:s14] =	ssyncset.done $0x0  }
0x1c1: {  	s16 =	simm.s32 $0x2800;
	s17 =	simm.s32 $0x100;
	[sflag:s14] =	ssyncadd.s32 $0xFFFFE000  }
0x1c2: {  	_ =	sfence.sel $0x180000  }
0x1c3: {  	[bflag:$0x0] =	sbarrier.arrive $0xFFFF  }
0x1c4: {  	_ =	strace $0x90000047  }
0x1c5: {  	s0 =	stileid.u32;
	[bflag:$0x2] =	sbarrier.arrive $0xFFFF  }
0x1c6: {  	p0 =	sne.s32 s0, $0x0;
	s0 =	rddreg [dreg:$0x3]  }
0x1c7: {  	s0 =	sadd.s32 @!p0 $0x100000, s0  }
0x1c8: {  	[sflag:s0] =	ssyncadd.tile.s32 @!p0 $0x1;
	_ =	shalt  }
.Lfunc_end2:
_tile_overlayer_lowered:
.L_overlay_start_2:
0x1c9: {  	(tag) =	ssettag $0x2  }
0x1ca: {  	s0 =	rddreg [dreg:$0x0];
	s2 =	stileid.u32  }
0x1cb: {  	s1 =	rddreg [dreg:$0x1];
	p0 =	sne.s32 s2, $0x0  }
0x1cc: {  	s3 =	rddreg [dreg:$0x2];
	[bflag:$0x3] =	sbarrier.arrive $0xFFFF;
	s2 =	simm.s32 @!p0 $0x1C07  }
0x1cd: {  	[timem:s3], [sflag:s2] =	dma.local @!p0 [hbm:s0], s1  }
0x1ce: {  	s0 =	simm.s32 @!p0 $0x7  }
0x1cf: {  	_ =	swait.ge @!p0 [sflag:s0], s1  }
0x1d0: {  	s1 =	ssub.s32 @!p0 $0x0, s1;
	[sflag:s0] =	ssyncset.done @!p0 $0x0  }
0x1d1: {  	[sflag:s0] =	ssyncadd.s32 @!p0 s1  }
0x1d2: {  	[bflag:$0x3] =	sbarrier.arrive $0xFFFF  }
0x1d3: {  	_ =	shalt  }

</sc_bundles>
